<compile_context>
chip_gen: v7x
topology: tpu7x:2x2x1
jax: 0.10.2.dev20260603
libtpu: 0.0.44.dev20260713+nightly
codegen_flags: <defaults>
</compile_context>

<pallas_src>
import functools

import jax
import jax.numpy as jnp
from jax import lax
from jax.experimental import pallas as pl
from jax.experimental.pallas import tpu as pltpu
from jax.experimental.pallas import tpu_sc as plsc

N_NODES = 10000
D_IN = 128
N_EDGES = 320000

NC = 2
NS = 16
NW = NC * NS

CHUNK = 128
EPT = 10240
NCHUNK = EPT // CHUNK
E_PAD = EPT * NW
NP = 10240
RPT = NP // NS
NBUF = 4
RBUF = 8

_mesh = plsc.VectorSubcoreMesh(core_axis_name="c", subcore_axis_name="s")


@functools.partial(
    pl.kernel,
    out_type=(
        jax.ShapeDtypeStruct((NC, NP, D_IN), jnp.bfloat16),
        jax.ShapeDtypeStruct((NC, NP), jnp.float32),
    ),
    mesh=_mesh,
    compiler_params=pltpu.CompilerParams(use_tc_tiling_on_sc=False),
    scratch_types=[
        pltpu.VMEM((NCHUNK, CHUNK), jnp.int32),
        pltpu.VMEM((RBUF, CHUNK), jnp.int32),
        pltpu.VMEM((NBUF, CHUNK, D_IN), jnp.bfloat16),
        pltpu.VMEM((CHUNK,), jnp.float32),
        pltpu.VMEM_SHARED((NP, D_IN), jnp.bfloat16),
        pltpu.VMEM_SHARED((NP,), jnp.float32),
        [pltpu.SemaphoreType.DMA] * NBUF,
        [pltpu.SemaphoreType.DMA] * RBUF,
    ],
)
def _sc_aggregate(x_hbm, rows_hbm, cols_hbm, zeros2_hbm, ones_hbm, zeros1_hbm,
                  outf_hbm, outd_hbm,
                  cols_v, rbuf, gbuf, ones_v, accf_sh, accd_sh, gsems, rsems):
    c = lax.axis_index("c")
    s = lax.axis_index("s")
    w = s * NC + c
    lo = s * RPT

    def start_rows(j, rslot):
        pltpu.async_copy(rows_hbm.at[w, j], rbuf.at[rslot], rsems[rslot])

    def start_gather(j, rslot, gslot):
        pltpu.make_async_copy(rows_hbm.at[w, j], rbuf.at[rslot],
                              rsems[rslot]).wait()
        pltpu.async_copy(x_hbm.at[rbuf.at[rslot]], gbuf.at[gslot],
                         gsems[gslot])

    def scatter(j, rslot, gslot):
        pltpu.make_async_copy(x_hbm.at[rbuf.at[rslot]], gbuf.at[gslot],
                              gsems[gslot]).wait()
        pltpu.sync_copy(gbuf.at[gslot], accf_sh.at[cols_v.at[j]], add=True)
        pltpu.sync_copy(ones_v, accd_sh.at[cols_v.at[j]], add=True)

    for j in range(RBUF):
        start_rows(j, j)
    for j in range(NBUF):
        start_gather(j, j % RBUF, j % NBUF)

    pltpu.sync_copy(zeros2_hbm, accf_sh.at[pl.ds(lo, RPT)])
    pltpu.sync_copy(zeros1_hbm, accd_sh.at[pl.ds(lo, RPT)])
    pltpu.sync_copy(cols_hbm.at[w], cols_v)
    pltpu.sync_copy(ones_hbm, ones_v)
    plsc.subcore_barrier()

    def ring(i, carry):
        for b8 in range(RBUF):
            j = i * RBUF + b8
            scatter(j, b8, b8 % NBUF)
            start_gather(j + NBUF, (b8 + NBUF) % RBUF, b8 % NBUF)
            start_rows(j + RBUF, b8)
        return carry

    lax.fori_loop(0, NCHUNK // RBUF - 1, ring, 0)
    for j in range(NCHUNK - RBUF, NCHUNK):
        scatter(j, j % RBUF, j % NBUF)
        if j + NBUF < NCHUNK:
            start_gather(j + NBUF, (j + NBUF) % RBUF, (j + NBUF) % NBUF)

    plsc.subcore_barrier()
    pltpu.sync_copy(accf_sh.at[pl.ds(lo, RPT)], outf_hbm.at[c, pl.ds(lo, RPT)])
    pltpu.sync_copy(accd_sh.at[pl.ds(lo, RPT)], outd_hbm.at[c, pl.ds(lo, RPT)])


def _tc_dense_body(aggf_ref, deg_ref, x_ref, w_ref, b_ref, o_ref):
    i = pl.program_id(0)
    feat = (aggf_ref[0].astype(jnp.float32) +
            aggf_ref[1].astype(jnp.float32))
    d0 = deg_ref[0, pl.ds(i * _BLK, _BLK)]
    d1 = deg_ref[1, pl.ds(i * _BLK, _BLK)]
    deg = jnp.maximum(d0 + d1, 1.0)
    h = feat / deg[:, None] + x_ref[...]
    o = jnp.dot(h, w_ref[...], preferred_element_type=jnp.float32,
                precision=lax.Precision.HIGHEST)
    o_ref[...] = jnp.maximum(o + b_ref[...], 0.0)


_BLK = 1024


def kernel(x, edge_index, W, b):
    row = edge_index[0]
    col = edge_index[1]
    ept_real = N_EDGES // NW
    pad_t = EPT - ept_real
    pad_cols = jnp.broadcast_to(N_NODES + jnp.arange(pad_t, dtype=jnp.int32),
                                (NW, pad_t))
    rows = jnp.concatenate(
        [row.reshape(NW, ept_real), jnp.zeros((NW, pad_t), jnp.int32)],
        axis=1).reshape(NW, NCHUNK, CHUNK)
    cols = jnp.concatenate(
        [col.reshape(NW, ept_real), pad_cols],
        axis=1).reshape(NW, NCHUNK, CHUNK)
    xb = x.astype(jnp.bfloat16)
    zeros2 = jnp.zeros((RPT, D_IN), jnp.bfloat16)
    zeros1 = jnp.zeros((RPT,), jnp.float32)
    ones = jnp.ones((CHUNK,), jnp.float32)

    aggf, deg = _sc_aggregate(xb, rows, cols, zeros2, ones, zeros1)

    grid = (N_NODES + _BLK - 1) // _BLK
    out = pl.pallas_call(
        _tc_dense_body,
        grid=(grid,),
        in_specs=[
            pl.BlockSpec((NC, _BLK, D_IN), lambda i: (0, i, 0)),
            pl.BlockSpec((NC, NP), lambda i: (0, 0)),
            pl.BlockSpec((_BLK, D_IN), lambda i: (i, 0)),
            pl.BlockSpec((D_IN, D_IN), lambda i: (0, 0)),
            pl.BlockSpec((1, D_IN), lambda i: (0, 0)),
        ],
        out_specs=pl.BlockSpec((_BLK, D_IN), lambda i: (i, 0)),
        out_shape=jax.ShapeDtypeStruct((N_NODES, D_IN), jnp.float32),
    )(aggf, deg, x, W, b.reshape(1, D_IN))
    return out

# --- scband reference (transcript-rebuilt; emitter-appended) ---
"""Pipeline reference for scband-graph-conv-layer-87531433492751 (READ-ONLY COPY).

The authoritative reference and input builder live on the scoring server;
editing this copy changes nothing except your own understanding.
"""

import jax, jax.numpy as jnp
import numpy as np

N_NODES = 10000
N_EDGES = 320000
D_IN = 128
D_OUT = 128


def setup_inputs(seed: int = 0) -> dict:
    key = jax.random.key(seed)
    k1, k2, k3, k4 = jax.random.split(key, 4)
    x = jax.random.normal(k1, (N_NODES, D_IN), dtype=jnp.float32)
    edge_index = jax.random.randint(k2, (2, N_EDGES), 0, N_NODES, dtype=jnp.int32)
    # Linear layer params (torch nn.Linear init: U(-1/sqrt(fan_in), 1/sqrt(fan_in)))
    bound = 1.0 / np.sqrt(D_IN)
    W = jax.random.uniform(k3, (D_IN, D_OUT), dtype=jnp.float32, minval=-bound, maxval=bound)
    b = jax.random.uniform(k4, (D_OUT,), dtype=jnp.float32, minval=-bound, maxval=bound)
    return {"x": x, "edge_index": edge_index, "W": W, "b": b}


def reference(x, edge_index, W, b):
    row = edge_index[0]
    col = edge_index[1]
    num_nodes = x.shape[0]
    # Scatter-add aggregation of source features into destination nodes
    aggregated = jnp.zeros((num_nodes, x.shape[1]), dtype=x.dtype).at[col].add(x[row])
    # Mean normalization by in-degree (clamped to 1)
    degree = jnp.bincount(col, minlength=num_nodes, length=num_nodes).astype(jnp.float32)
    degree = jnp.clip(degree, 1.0, None)
    aggregated = aggregated / degree[:, None]
    # Linear + ReLU
    out = (aggregated + x) @ W + b
    out = jax.nn.relu(out)
    return out

if __name__ == "__main__":
    import jax
    _d = setup_inputs()
    print(jax.jit(kernel)(*tuple(_d.values())))

</pallas_src>

<mosaic_0001>
#map = affine_map<(d0, d1) -> (0, 0)>
#map1 = affine_map<(d0, d1) -> (0, 0, 0)>
#map2 = affine_map<(d0, d1) -> (0)>
module attributes {stable_mosaic.version = 14 : i64} {
  func.func @_sc_aggregate(%arg0: i32, %arg1: i32, %arg2: memref<10000x128xbf16, #tpu.memory_space<hbm>>, %arg3: memref<32x80x128xi32, #tpu.memory_space<hbm>>, %arg4: memref<32x80x128xi32, #tpu.memory_space<hbm>>, %arg5: memref<640x128xbf16, #tpu.memory_space<hbm>>, %arg6: memref<128xf32, #tpu.memory_space<hbm>>, %arg7: memref<640xf32, #tpu.memory_space<hbm>>, %arg8: memref<2x10240x128xbf16, #tpu.memory_space<hbm>>, %arg9: memref<2x10240xf32, #tpu.memory_space<hbm>>, %arg10: memref<80x128xi32, #tpu.memory_space<vmem>>, %arg11: memref<8x128xi32, #tpu.memory_space<vmem>>, %arg12: memref<4x128x128xbf16, #tpu.memory_space<vmem>>, %arg13: memref<128xf32, #tpu.memory_space<vmem>>, %arg14: memref<10240x128xbf16, #tpu.memory_space<vmem_shared>>, %arg15: memref<10240xf32, #tpu.memory_space<vmem_shared>>, %arg16: memref<!tpu.dma_semaphore, #tpu.memory_space<semaphore_mem>>, %arg17: memref<!tpu.dma_semaphore, #tpu.memory_space<semaphore_mem>>, %arg18: memref<!tpu.dma_semaphore, #tpu.memory_space<semaphore_mem>>, %arg19: memref<!tpu.dma_semaphore, #tpu.memory_space<semaphore_mem>>, %arg20: memref<!tpu.dma_semaphore, #tpu.memory_space<semaphore_mem>>, %arg21: memref<!tpu.dma_semaphore, #tpu.memory_space<semaphore_mem>>, %arg22: memref<!tpu.dma_semaphore, #tpu.memory_space<semaphore_mem>>, %arg23: memref<!tpu.dma_semaphore, #tpu.memory_space<semaphore_mem>>, %arg24: memref<!tpu.dma_semaphore, #tpu.memory_space<semaphore_mem>>, %arg25: memref<!tpu.dma_semaphore, #tpu.memory_space<semaphore_mem>>, %arg26: memref<!tpu.dma_semaphore, #tpu.memory_space<semaphore_mem>>, %arg27: memref<!tpu.dma_semaphore, #tpu.memory_space<semaphore_mem>>) attributes {dimension_semantics = [#tpu.dimension_semantics<core_parallel>, #tpu.dimension_semantics<subcore_parallel>], iteration_bounds = array<i64: 2, 16>, scalar_prefetch = 0 : i64, scratch_operands = 18 : i64, tpu.core_type = #tpu.core_type<sc_vector_subcore>, window_params = [{transform_indices = #map}, {transform_indices = #map1}, {transform_indices = #map1}, {transform_indices = #map}, {transform_indices = #map2}, {transform_indices = #map2}, {transform_indices = #map1}, {transform_indices = #map}]} {
    %mul3A = arith.constant 2 : i32
    %mul3A_0 = arith.muli %arg1, %mul3A : i32
    %add3A = arith.addi %mul3A_0, %arg0 : i32
    %mul3A_1 = arith.constant 640 : i32
    %mul3A_2 = arith.muli %arg1, %mul3A_1 : i32
    %dma_start3A = arith.constant 0 : i32
    %dma_start3A_3 = arith.constant 0 : i32
    %dma_start3A_4 = arith.constant 0 : i32
    %dma_start3A_5 = tpu.memref_slice %arg11[%dma_start3A_3, %dma_start3A_4] : memref<8x128xi32, #tpu.memory_space<vmem>> -> memref<1x128xi32, #tpu.memory_space<vmem>>
    %dma_start3A_6 = tpu.memref_squeeze %dma_start3A_5 : memref<1x128xi32, #tpu.memory_space<vmem>> -> memref<128xi32, #tpu.memory_space<vmem>>
    %dma_start3A_7 = arith.constant 0 : i32
    %dma_start3A_8 = tpu.memref_slice %arg3[%add3A, %dma_start3A, %dma_start3A_7] : memref<32x80x128xi32, #tpu.memory_space<hbm>> -> memref<1x1x128xi32, #tpu.memory_space<hbm>>
    %dma_start3A_9 = tpu.memref_squeeze %dma_start3A_8 : memref<1x1x128xi32, #tpu.memory_space<hbm>> -> memref<128xi32, #tpu.memory_space<hbm>>
    %dma_start3A_10 = arith.constant 0 : i32
    %dma_start3A_11 = tpu.memref_slice %arg11[%dma_start3A_3, %dma_start3A_10] : memref<8x128xi32, #tpu.memory_space<vmem>> -> memref<1x128xi32, #tpu.memory_space<vmem>>
    %dma_start3A_12 = tpu.memref_squeeze %dma_start3A_11 : memref<1x128xi32, #tpu.memory_space<vmem>> -> memref<128xi32, #tpu.memory_space<vmem>>
    %dma_start3A_13 = arith.constant 0 : i32
    %dma_start3A_14 = tpu.memref_slice %arg3[%add3A, %dma_start3A, %dma_start3A_13] : memref<32x80x128xi32, #tpu.memory_space<hbm>> -> memref<1x1x128xi32, #tpu.memory_space<hbm>>
    %dma_start3A_15 = tpu.memref_squeeze %dma_start3A_14 : memref<1x1x128xi32, #tpu.memory_space<hbm>> -> memref<128xi32, #tpu.memory_space<hbm>>
    tpu.enqueue_dma source(%dma_start3A_15 : memref<128xi32, #tpu.memory_space<hbm>>) target(%dma_start3A_12 : memref<128xi32, #tpu.memory_space<vmem>>) target_semaphore(%arg20 : memref<!tpu.dma_semaphore, #tpu.memory_space<semaphore_mem>>)
    %dma_start3A_16 = arith.constant 1 : i32
    %dma_start3A_17 = arith.constant 1 : i32
    %dma_start3A_18 = arith.constant 0 : i32
    %dma_start3A_19 = tpu.memref_slice %arg11[%dma_start3A_17, %dma_start3A_18] : memref<8x128xi32, #tpu.memory_space<vmem>> -> memref<1x128xi32, #tpu.memory_space<vmem>>
    %dma_start3A_20 = tpu.memref_squeeze %dma_start3A_19 : memref<1x128xi32, #tpu.memory_space<vmem>> -> memref<128xi32, #tpu.memory_space<vmem>>
    %dma_start3A_21 = arith.constant 0 : i32
    %dma_start3A_22 = tpu.memref_slice %arg3[%add3A, %dma_start3A_16, %dma_start3A_21] : memref<32x80x128xi32, #tpu.memory_space<hbm>> -> memref<1x1x128xi32, #tpu.memory_space<hbm>>
    %dma_start3A_23 = tpu.memref_squeeze %dma_start3A_22 : memref<1x1x128xi32, #tpu.memory_space<hbm>> -> memref<128xi32, #tpu.memory_space<hbm>>
    %dma_start3A_24 = arith.constant 0 : i32
    %dma_start3A_25 = tpu.memref_slice %arg11[%dma_start3A_17, %dma_start3A_24] : memref<8x128xi32, #tpu.memory_space<vmem>> -> memref<1x128xi32, #tpu.memory_space<vmem>>
    %dma_start3A_26 = tpu.memref_squeeze %dma_start3A_25 : memref<1x128xi32, #tpu.memory_space<vmem>> -> memref<128xi32, #tpu.memory_space<vmem>>
    %dma_start3A_27 = arith.constant 0 : i32
    %dma_start3A_28 = tpu.memref_slice %arg3[%add3A, %dma_start3A_16, %dma_start3A_27] : memref<32x80x128xi32, #tpu.memory_space<hbm>> -> memref<1x1x128xi32, #tpu.memory_space<hbm>>
    %dma_start3A_29 = tpu.memref_squeeze %dma_start3A_28 : memref<1x1x128xi32, #tpu.memory_space<hbm>> -> memref<128xi32, #tpu.memory_space<hbm>>
    tpu.enqueue_dma source(%dma_start3A_29 : memref<128xi32, #tpu.memory_space<hbm>>) target(%dma_start3A_26 : memref<128xi32, #tpu.memory_space<vmem>>) target_semaphore(%arg21 : memref<!tpu.dma_semaphore, #tpu.memory_space<semaphore_mem>>)
    %dma_start3A_30 = arith.constant 2 : i32
    %dma_start3A_31 = arith.constant 2 : i32
    %dma_start3A_32 = arith.constant 0 : i32
    %dma_start3A_33 = tpu.memref_slice %arg11[%dma_start3A_31, %dma_start3A_32] : memref<8x128xi32, #tpu.memory_space<vmem>> -> memref<1x128xi32, #tpu.memory_space<vmem>>
    %dma_start3A_34 = tpu.memref_squeeze %dma_start3A_33 : memref<1x128xi32, #tpu.memory_space<vmem>> -> memref<128xi32, #tpu.memory_space<vmem>>
    %dma_start3A_35 = arith.constant 0 : i32
    %dma_start3A_36 = tpu.memref_slice %arg3[%add3A, %dma_start3A_30, %dma_start3A_35] : memref<32x80x128xi32, #tpu.memory_space<hbm>> -> memref<1x1x128xi32, #tpu.memory_space<hbm>>
    %dma_start3A_37 = tpu.memref_squeeze %dma_start3A_36 : memref<1x1x128xi32, #tpu.memory_space<hbm>> -> memref<128xi32, #tpu.memory_space<hbm>>
    %dma_start3A_38 = arith.constant 0 : i32
    %dma_start3A_39 = tpu.memref_slice %arg11[%dma_start3A_31, %dma_start3A_38] : memref<8x128xi32, #tpu.memory_space<vmem>> -> memref<1x128xi32, #tpu.memory_space<vmem>>
    %dma_start3A_40 = tpu.memref_squeeze %dma_start3A_39 : memref<1x128xi32, #tpu.memory_space<vmem>> -> memref<128xi32, #tpu.memory_space<vmem>>
    %dma_start3A_41 = arith.constant 0 : i32
    %dma_start3A_42 = tpu.memref_slice %arg3[%add3A, %dma_start3A_30, %dma_start3A_41] : memref<32x80x128xi32, #tpu.memory_space<hbm>> -> memref<1x1x128xi32, #tpu.memory_space<hbm>>
    %dma_start3A_43 = tpu.memref_squeeze %dma_start3A_42 : memref<1x1x128xi32, #tpu.memory_space<hbm>> -> memref<128xi32, #tpu.memory_space<hbm>>
    tpu.enqueue_dma source(%dma_start3A_43 : memref<128xi32, #tpu.memory_space<hbm>>) target(%dma_start3A_40 : memref<128xi32, #tpu.memory_space<vmem>>) target_semaphore(%arg22 : memref<!tpu.dma_semaphore, #tpu.memory_space<semaphore_mem>>)
    %dma_start3A_44 = arith.constant 3 : i32
    %dma_start3A_45 = arith.constant 3 : i32
    %dma_start3A_46 = arith.constant 0 : i32
    %dma_start3A_47 = tpu.memref_slice %arg11[%dma_start3A_45, %dma_start3A_46] : memref<8x128xi32, #tpu.memory_space<vmem>> -> memref<1x128xi32, #tpu.memory_space<vmem>>
    %dma_start3A_48 = tpu.memref_squeeze %dma_start3A_47 : memref<1x128xi32, #tpu.memory_space<vmem>> -> memref<128xi32, #tpu.memory_space<vmem>>
    %dma_start3A_49 = arith.constant 0 : i32
    %dma_start3A_50 = tpu.memref_slice %arg3[%add3A, %dma_start3A_44, %dma_start3A_49] : memref<32x80x128xi32, #tpu.memory_space<hbm>> -> memref<1x1x128xi32, #tpu.memory_space<hbm>>
    %dma_start3A_51 = tpu.memref_squeeze %dma_start3A_50 : memref<1x1x128xi32, #tpu.memory_space<hbm>> -> memref<128xi32, #tpu.memory_space<hbm>>
    %dma_start3A_52 = arith.constant 0 : i32
    %dma_start3A_53 = tpu.memref_slice %arg11[%dma_start3A_45, %dma_start3A_52] : memref<8x128xi32, #tpu.memory_space<vmem>> -> memref<1x128xi32, #tpu.memory_space<vmem>>
    %dma_start3A_54 = tpu.memref_squeeze %dma_start3A_53 : memref<1x128xi32, #tpu.memory_space<vmem>> -> memref<128xi32, #tpu.memory_space<vmem>>
    %dma_start3A_55 = arith.constant 0 : i32
    %dma_start3A_56 = tpu.memref_slice %arg3[%add3A, %dma_start3A_44, %dma_start3A_55] : memref<32x80x128xi32, #tpu.memory_space<hbm>> -> memref<1x1x128xi32, #tpu.memory_space<hbm>>
    %dma_start3A_57 = tpu.memref_squeeze %dma_start3A_56 : memref<1x1x128xi32, #tpu.memory_space<hbm>> -> memref<128xi32, #tpu.memory_space<hbm>>
    tpu.enqueue_dma source(%dma_start3A_57 : memref<128xi32, #tpu.memory_space<hbm>>) target(%dma_start3A_54 : memref<128xi32, #tpu.memory_space<vmem>>) target_semaphore(%arg23 : memref<!tpu.dma_semaphore, #tpu.memory_space<semaphore_mem>>)
    %dma_start3A_58 = arith.constant 4 : i32
    %dma_start3A_59 = arith.constant 4 : i32
    %dma_start3A_60 = arith.constant 0 : i32
    %dma_start3A_61 = tpu.memref_slice %arg11[%dma_start3A_59, %dma_start3A_60] : memref<8x128xi32, #tpu.memory_space<vmem>> -> memref<1x128xi32, #tpu.memory_space<vmem>>
    %dma_start3A_62 = tpu.memref_squeeze %dma_start3A_61 : memref<1x128xi32, #tpu.memory_space<vmem>> -> memref<128xi32, #tpu.memory_space<vmem>>
    %dma_start3A_63 = arith.constant 0 : i32
    %dma_start3A_64 = tpu.memref_slice %arg3[%add3A, %dma_start3A_58, %dma_start3A_63] : memref<32x80x128xi32, #tpu.memory_space<hbm>> -> memref<1x1x128xi32, #tpu.memory_space<hbm>>
    %dma_start3A_65 = tpu.memref_squeeze %dma_start3A_64 : memref<1x1x128xi32, #tpu.memory_space<hbm>> -> memref<128xi32, #tpu.memory_space<hbm>>
    %dma_start3A_66 = arith.constant 0 : i32
    %dma_start3A_67 = tpu.memref_slice %arg11[%dma_start3A_59, %dma_start3A_66] : memref<8x128xi32, #tpu.memory_space<vmem>> -> memref<1x128xi32, #tpu.memory_space<vmem>>
    %dma_start3A_68 = tpu.memref_squeeze %dma_start3A_67 : memref<1x128xi32, #tpu.memory_space<vmem>> -> memref<128xi32, #tpu.memory_space<vmem>>
    %dma_start3A_69 = arith.constant 0 : i32
    %dma_start3A_70 = tpu.memref_slice %arg3[%add3A, %dma_start3A_58, %dma_start3A_69] : memref<32x80x128xi32, #tpu.memory_space<hbm>> -> memref<1x1x128xi32, #tpu.memory_space<hbm>>
    %dma_start3A_71 = tpu.memref_squeeze %dma_start3A_70 : memref<1x1x128xi32, #tpu.memory_space<hbm>> -> memref<128xi32, #tpu.memory_space<hbm>>
    tpu.enqueue_dma source(%dma_start3A_71 : memref<128xi32, #tpu.memory_space<hbm>>) target(%dma_start3A_68 : memref<128xi32, #tpu.memory_space<vmem>>) target_semaphore(%arg24 : memref<!tpu.dma_semaphore, #tpu.memory_space<semaphore_mem>>)
    %dma_start3A_72 = arith.constant 5 : i32
    %dma_start3A_73 = arith.constant 5 : i32
    %dma_start3A_74 = arith.constant 0 : i32
    %dma_start3A_75 = tpu.memref_slice %arg11[%dma_start3A_73, %dma_start3A_74] : memref<8x128xi32, #tpu.memory_space<vmem>> -> memref<1x128xi32, #tpu.memory_space<vmem>>
    %dma_start3A_76 = tpu.memref_squeeze %dma_start3A_75 : memref<1x128xi32, #tpu.memory_space<vmem>> -> memref<128xi32, #tpu.memory_space<vmem>>
    %dma_start3A_77 = arith.constant 0 : i32
    %dma_start3A_78 = tpu.memref_slice %arg3[%add3A, %dma_start3A_72, %dma_start3A_77] : memref<32x80x128xi32, #tpu.memory_space<hbm>> -> memref<1x1x128xi32, #tpu.memory_space<hbm>>
    %dma_start3A_79 = tpu.memref_squeeze %dma_start3A_78 : memref<1x1x128xi32, #tpu.memory_space<hbm>> -> memref<128xi32, #tpu.memory_space<hbm>>
    %dma_start3A_80 = arith.constant 0 : i32
    %dma_start3A_81 = tpu.memref_slice %arg11[%dma_start3A_73, %dma_start3A_80] : memref<8x128xi32, #tpu.memory_space<vmem>> -> memref<1x128xi32, #tpu.memory_space<vmem>>
    %dma_start3A_82 = tpu.memref_squeeze %dma_start3A_81 : memref<1x128xi32, #tpu.memory_space<vmem>> -> memref<128xi32, #tpu.memory_space<vmem>>
    %dma_start3A_83 = arith.constant 0 : i32
    %dma_start3A_84 = tpu.memref_slice %arg3[%add3A, %dma_start3A_72, %dma_start3A_83] : memref<32x80x128xi32, #tpu.memory_space<hbm>> -> memref<1x1x128xi32, #tpu.memory_space<hbm>>
    %dma_start3A_85 = tpu.memref_squeeze %dma_start3A_84 : memref<1x1x128xi32, #tpu.memory_space<hbm>> -> memref<128xi32, #tpu.memory_space<hbm>>
    tpu.enqueue_dma source(%dma_start3A_85 : memref<128xi32, #tpu.memory_space<hbm>>) target(%dma_start3A_82 : memref<128xi32, #tpu.memory_space<vmem>>) target_semaphore(%arg25 : memref<!tpu.dma_semaphore, #tpu.memory_space<semaphore_mem>>)
    %dma_start3A_86 = arith.constant 6 : i32
    %dma_start3A_87 = arith.constant 6 : i32
    %dma_start3A_88 = arith.constant 0 : i32
    %dma_start3A_89 = tpu.memref_slice %arg11[%dma_start3A_87, %dma_start3A_88] : memref<8x128xi32, #tpu.memory_space<vmem>> -> memref<1x128xi32, #tpu.memory_space<vmem>>
    %dma_start3A_90 = tpu.memref_squeeze %dma_start3A_89 : memref<1x128xi32, #tpu.memory_space<vmem>> -> memref<128xi32, #tpu.memory_space<vmem>>
    %dma_start3A_91 = arith.constant 0 : i32
    %dma_start3A_92 = tpu.memref_slice %arg3[%add3A, %dma_start3A_86, %dma_start3A_91] : memref<32x80x128xi32, #tpu.memory_space<hbm>> -> memref<1x1x128xi32, #tpu.memory_space<hbm>>
    %dma_start3A_93 = tpu.memref_squeeze %dma_start3A_92 : memref<1x1x128xi32, #tpu.memory_space<hbm>> -> memref<128xi32, #tpu.memory_space<hbm>>
    %dma_start3A_94 = arith.constant 0 : i32
    %dma_start3A_95 = tpu.memref_slice %arg11[%dma_start3A_87, %dma_start3A_94] : memref<8x128xi32, #tpu.memory_space<vmem>> -> memref<1x128xi32, #tpu.memory_space<vmem>>
    %dma_start3A_96 = tpu.memref_squeeze %dma_start3A_95 : memref<1x128xi32, #tpu.memory_space<vmem>> -> memref<128xi32, #tpu.memory_space<vmem>>
    %dma_start3A_97 = arith.constant 0 : i32
    %dma_start3A_98 = tpu.memref_slice %arg3[%add3A, %dma_start3A_86, %dma_start3A_97] : memref<32x80x128xi32, #tpu.memory_space<hbm>> -> memref<1x1x128xi32, #tpu.memory_space<hbm>>
    %dma_start3A_99 = tpu.memref_squeeze %dma_start3A_98 : memref<1x1x128xi32, #tpu.memory_space<hbm>> -> memref<128xi32, #tpu.memory_space<hbm>>
    tpu.enqueue_dma source(%dma_start3A_99 : memref<128xi32, #tpu.memory_space<hbm>>) target(%dma_start3A_96 : memref<128xi32, #tpu.memory_space<vmem>>) target_semaphore(%arg26 : memref<!tpu.dma_semaphore, #tpu.memory_space<semaphore_mem>>)
    %dma_start3A_100 = arith.constant 7 : i32
    %dma_start3A_101 = arith.constant 7 : i32
    %dma_start3A_102 = arith.constant 0 : i32
    %dma_start3A_103 = tpu.memref_slice %arg11[%dma_start3A_101, %dma_start3A_102] : memref<8x128xi32, #tpu.memory_space<vmem>> -> memref<1x128xi32, #tpu.memory_space<vmem>>
    %dma_start3A_104 = tpu.memref_squeeze %dma_start3A_103 : memref<1x128xi32, #tpu.memory_space<vmem>> -> memref<128xi32, #tpu.memory_space<vmem>>
    %dma_start3A_105 = arith.constant 0 : i32
    %dma_start3A_106 = tpu.memref_slice %arg3[%add3A, %dma_start3A_100, %dma_start3A_105] : memref<32x80x128xi32, #tpu.memory_space<hbm>> -> memref<1x1x128xi32, #tpu.memory_space<hbm>>
    %dma_start3A_107 = tpu.memref_squeeze %dma_start3A_106 : memref<1x1x128xi32, #tpu.memory_space<hbm>> -> memref<128xi32, #tpu.memory_space<hbm>>
    %dma_start3A_108 = arith.constant 0 : i32
    %dma_start3A_109 = tpu.memref_slice %arg11[%dma_start3A_101, %dma_start3A_108] : memref<8x128xi32, #tpu.memory_space<vmem>> -> memref<1x128xi32, #tpu.memory_space<vmem>>
    %dma_start3A_110 = tpu.memref_squeeze %dma_start3A_109 : memref<1x128xi32, #tpu.memory_space<vmem>> -> memref<128xi32, #tpu.memory_space<vmem>>
    %dma_start3A_111 = arith.constant 0 : i32
    %dma_start3A_112 = tpu.memref_slice %arg3[%add3A, %dma_start3A_100, %dma_start3A_111] : memref<32x80x128xi32, #tpu.memory_space<hbm>> -> memref<1x1x128xi32, #tpu.memory_space<hbm>>
    %dma_start3A_113 = tpu.memref_squeeze %dma_start3A_112 : memref<1x1x128xi32, #tpu.memory_space<hbm>> -> memref<128xi32, #tpu.memory_space<hbm>>
    tpu.enqueue_dma source(%dma_start3A_113 : memref<128xi32, #tpu.memory_space<hbm>>) target(%dma_start3A_110 : memref<128xi32, #tpu.memory_space<vmem>>) target_semaphore(%arg27 : memref<!tpu.dma_semaphore, #tpu.memory_space<semaphore_mem>>)
    %dma_wait3A = arith.constant 0 : i32
    %dma_wait3A_114 = arith.constant 0 : i32
    %dma_wait3A_115 = arith.constant 0 : i32
    %dma_wait3A_116 = tpu.memref_slice %arg11[%dma_wait3A_114, %dma_wait3A_115] : memref<8x128xi32, #tpu.memory_space<vmem>> -> memref<1x128xi32, #tpu.memory_space<vmem>>
    %dma_wait3A_117 = tpu.memref_squeeze %dma_wait3A_116 : memref<1x128xi32, #tpu.memory_space<vmem>> -> memref<128xi32, #tpu.memory_space<vmem>>
    %dma_wait3A_118 = arith.constant 0 : i32
    %dma_wait3A_119 = tpu.memref_slice %arg3[%add3A, %dma_wait3A, %dma_wait3A_118] : memref<32x80x128xi32, #tpu.memory_space<hbm>> -> memref<1x1x128xi32, #tpu.memory_space<hbm>>
    %dma_wait3A_120 = tpu.memref_squeeze %dma_wait3A_119 : memref<1x1x128xi32, #tpu.memory_space<hbm>> -> memref<128xi32, #tpu.memory_space<hbm>>
    %dma_wait3A_121 = arith.constant 0 : i32
    %dma_wait3A_122 = tpu.memref_slice %arg11[%dma_wait3A_114, %dma_wait3A_121] : memref<8x128xi32, #tpu.memory_space<vmem>> -> memref<1x128xi32, #tpu.memory_space<vmem>>
    %dma_wait3A_123 = tpu.memref_squeeze %dma_wait3A_122 : memref<1x128xi32, #tpu.memory_space<vmem>> -> memref<128xi32, #tpu.memory_space<vmem>>
    %dma_wait3A_124 = arith.constant 0 : i32
    %dma_wait3A_125 = tpu.memref_slice %arg3[%add3A, %dma_wait3A, %dma_wait3A_124] : memref<32x80x128xi32, #tpu.memory_space<hbm>> -> memref<1x1x128xi32, #tpu.memory_space<hbm>>
    %dma_wait3A_126 = tpu.memref_squeeze %dma_wait3A_125 : memref<1x1x128xi32, #tpu.memory_space<hbm>> -> memref<128xi32, #tpu.memory_space<hbm>>
    tpu.wait_dma2 semaphore(%arg20 : memref<!tpu.dma_semaphore, #tpu.memory_space<semaphore_mem>>) src(%dma_wait3A_126 : memref<128xi32, #tpu.memory_space<hbm>>) dst(%dma_wait3A_123 : memref<128xi32, #tpu.memory_space<vmem>>)
    %dma_start3A_127 = arith.constant 0 : i32
    %dma_start3A_128 = arith.constant 0 : i32
    %dma_start3A_129 = arith.constant 0 : i32
    %dma_start3A_130 = arith.constant 0 : i32
    %dma_start3A_131 = tpu.memref_slice %arg12[%dma_start3A_128, %dma_start3A_129, %dma_start3A_130] : memref<4x128x128xbf16, #tpu.memory_space<vmem>> -> memref<1x128x128xbf16, #tpu.memory_space<vmem>>
    %dma_start3A_132 = tpu.memref_squeeze %dma_start3A_131 : memref<1x128x128xbf16, #tpu.memory_space<vmem>> -> memref<128x128xbf16, #tpu.memory_space<vmem>>
    %dma_start3A_133 = arith.constant 0 : i32
    %dma_start3A_134 = tpu.memref_slice %arg11[%dma_start3A_127, %dma_start3A_133] : memref<8x128xi32, #tpu.memory_space<vmem>> -> memref<1x128xi32, #tpu.memory_space<vmem>>
    %dma_start3A_135 = tpu.memref_squeeze %dma_start3A_134 : memref<1x128xi32, #tpu.memory_space<vmem>> -> memref<128xi32, #tpu.memory_space<vmem>>
    %dma_start3A_136 = arith.constant 0 : i32
    %dma_start3A_137 = arith.constant 0 : i32
    %dma_start3A_138 = tpu.memref_slice %arg2[%dma_start3A_136, %dma_start3A_137] : memref<10000x128xbf16, #tpu.memory_space<hbm>> -> memref<10000x128xbf16, #tpu.memory_space<hbm>>
    tpu.enqueue_indirect_dma source(%dma_start3A_138 : memref<10000x128xbf16, #tpu.memory_space<hbm>>) target(%dma_start3A_132 : memref<128x128xbf16, #tpu.memory_space<vmem>>) offsets(%dma_start3A_135 : memref<128xi32, #tpu.memory_space<vmem>>) semaphore(%arg16 : memref<!tpu.dma_semaphore, #tpu.memory_space<semaphore_mem>>)
    %dma_wait3A_139 = arith.constant 1 : i32
    %dma_wait3A_140 = arith.constant 1 : i32
    %dma_wait3A_141 = arith.constant 0 : i32
    %dma_wait3A_142 = tpu.memref_slice %arg11[%dma_wait3A_140, %dma_wait3A_141] : memref<8x128xi32, #tpu.memory_space<vmem>> -> memref<1x128xi32, #tpu.memory_space<vmem>>
    %dma_wait3A_143 = tpu.memref_squeeze %dma_wait3A_142 : memref<1x128xi32, #tpu.memory_space<vmem>> -> memref<128xi32, #tpu.memory_space<vmem>>
    %dma_wait3A_144 = arith.constant 0 : i32
    %dma_wait3A_145 = tpu.memref_slice %arg3[%add3A, %dma_wait3A_139, %dma_wait3A_144] : memref<32x80x128xi32, #tpu.memory_space<hbm>> -> memref<1x1x128xi32, #tpu.memory_space<hbm>>
    %dma_wait3A_146 = tpu.memref_squeeze %dma_wait3A_145 : memref<1x1x128xi32, #tpu.memory_space<hbm>> -> memref<128xi32, #tpu.memory_space<hbm>>
    %dma_wait3A_147 = arith.constant 0 : i32
    %dma_wait3A_148 = tpu.memref_slice %arg11[%dma_wait3A_140, %dma_wait3A_147] : memref<8x128xi32, #tpu.memory_space<vmem>> -> memref<1x128xi32, #tpu.memory_space<vmem>>
    %dma_wait3A_149 = tpu.memref_squeeze %dma_wait3A_148 : memref<1x128xi32, #tpu.memory_space<vmem>> -> memref<128xi32, #tpu.memory_space<vmem>>
    %dma_wait3A_150 = arith.constant 0 : i32
    %dma_wait3A_151 = tpu.memref_slice %arg3[%add3A, %dma_wait3A_139, %dma_wait3A_150] : memref<32x80x128xi32, #tpu.memory_space<hbm>> -> memref<1x1x128xi32, #tpu.memory_space<hbm>>
    %dma_wait3A_152 = tpu.memref_squeeze %dma_wait3A_151 : memref<1x1x128xi32, #tpu.memory_space<hbm>> -> memref<128xi32, #tpu.memory_space<hbm>>
    tpu.wait_dma2 semaphore(%arg21 : memref<!tpu.dma_semaphore, #tpu.memory_space<semaphore_mem>>) src(%dma_wait3A_152 : memref<128xi32, #tpu.memory_space<hbm>>) dst(%dma_wait3A_149 : memref<128xi32, #tpu.memory_space<vmem>>)
    %dma_start3A_153 = arith.constant 1 : i32
    %dma_start3A_154 = arith.constant 1 : i32
    %dma_start3A_155 = arith.constant 0 : i32
    %dma_start3A_156 = arith.constant 0 : i32
    %dma_start3A_157 = tpu.memref_slice %arg12[%dma_start3A_154, %dma_start3A_155, %dma_start3A_156] : memref<4x128x128xbf16, #tpu.memory_space<vmem>> -> memref<1x128x128xbf16, #tpu.memory_space<vmem>>
    %dma_start3A_158 = tpu.memref_squeeze %dma_start3A_157 : memref<1x128x128xbf16, #tpu.memory_space<vmem>> -> memref<128x128xbf16, #tpu.memory_space<vmem>>
    %dma_start3A_159 = arith.constant 0 : i32
    %dma_start3A_160 = tpu.memref_slice %arg11[%dma_start3A_153, %dma_start3A_159] : memref<8x128xi32, #tpu.memory_space<vmem>> -> memref<1x128xi32, #tpu.memory_space<vmem>>
    %dma_start3A_161 = tpu.memref_squeeze %dma_start3A_160 : memref<1x128xi32, #tpu.memory_space<vmem>> -> memref<128xi32, #tpu.memory_space<vmem>>
    %dma_start3A_162 = arith.constant 0 : i32
    %dma_start3A_163 = arith.constant 0 : i32
    %dma_start3A_164 = tpu.memref_slice %arg2[%dma_start3A_162, %dma_start3A_163] : memref<10000x128xbf16, #tpu.memory_space<hbm>> -> memref<10000x128xbf16, #tpu.memory_space<hbm>>
    tpu.enqueue_indirect_dma source(%dma_start3A_164 : memref<10000x128xbf16, #tpu.memory_space<hbm>>) target(%dma_start3A_158 : memref<128x128xbf16, #tpu.memory_space<vmem>>) offsets(%dma_start3A_161 : memref<128xi32, #tpu.memory_space<vmem>>) semaphore(%arg17 : memref<!tpu.dma_semaphore, #tpu.memory_space<semaphore_mem>>)
    %dma_wait3A_165 = arith.constant 2 : i32
    %dma_wait3A_166 = arith.constant 2 : i32
    %dma_wait3A_167 = arith.constant 0 : i32
    %dma_wait3A_168 = tpu.memref_slice %arg11[%dma_wait3A_166, %dma_wait3A_167] : memref<8x128xi32, #tpu.memory_space<vmem>> -> memref<1x128xi32, #tpu.memory_space<vmem>>
    %dma_wait3A_169 = tpu.memref_squeeze %dma_wait3A_168 : memref<1x128xi32, #tpu.memory_space<vmem>> -> memref<128xi32, #tpu.memory_space<vmem>>
    %dma_wait3A_170 = arith.constant 0 : i32
    %dma_wait3A_171 = tpu.memref_slice %arg3[%add3A, %dma_wait3A_165, %dma_wait3A_170] : memref<32x80x128xi32, #tpu.memory_space<hbm>> -> memref<1x1x128xi32, #tpu.memory_space<hbm>>
    %dma_wait3A_172 = tpu.memref_squeeze %dma_wait3A_171 : memref<1x1x128xi32, #tpu.memory_space<hbm>> -> memref<128xi32, #tpu.memory_space<hbm>>
    %dma_wait3A_173 = arith.constant 0 : i32
    %dma_wait3A_174 = tpu.memref_slice %arg11[%dma_wait3A_166, %dma_wait3A_173] : memref<8x128xi32, #tpu.memory_space<vmem>> -> memref<1x128xi32, #tpu.memory_space<vmem>>
    %dma_wait3A_175 = tpu.memref_squeeze %dma_wait3A_174 : memref<1x128xi32, #tpu.memory_space<vmem>> -> memref<128xi32, #tpu.memory_space<vmem>>
    %dma_wait3A_176 = arith.constant 0 : i32
    %dma_wait3A_177 = tpu.memref_slice %arg3[%add3A, %dma_wait3A_165, %dma_wait3A_176] : memref<32x80x128xi32, #tpu.memory_space<hbm>> -> memref<1x1x128xi32, #tpu.memory_space<hbm>>
    %dma_wait3A_178 = tpu.memref_squeeze %dma_wait3A_177 : memref<1x1x128xi32, #tpu.memory_space<hbm>> -> memref<128xi32, #tpu.memory_space<hbm>>
    tpu.wait_dma2 semaphore(%arg22 : memref<!tpu.dma_semaphore, #tpu.memory_space<semaphore_mem>>) src(%dma_wait3A_178 : memref<128xi32, #tpu.memory_space<hbm>>) dst(%dma_wait3A_175 : memref<128xi32, #tpu.memory_space<vmem>>)
    %dma_start3A_179 = arith.constant 2 : i32
    %dma_start3A_180 = arith.constant 2 : i32
    %dma_start3A_181 = arith.constant 0 : i32
    %dma_start3A_182 = arith.constant 0 : i32
    %dma_start3A_183 = tpu.memref_slice %arg12[%dma_start3A_180, %dma_start3A_181, %dma_start3A_182] : memref<4x128x128xbf16, #tpu.memory_space<vmem>> -> memref<1x128x128xbf16, #tpu.memory_space<vmem>>
    %dma_start3A_184 = tpu.memref_squeeze %dma_start3A_183 : memref<1x128x128xbf16, #tpu.memory_space<vmem>> -> memref<128x128xbf16, #tpu.memory_space<vmem>>
    %dma_start3A_185 = arith.constant 0 : i32
    %dma_start3A_186 = tpu.memref_slice %arg11[%dma_start3A_179, %dma_start3A_185] : memref<8x128xi32, #tpu.memory_space<vmem>> -> memref<1x128xi32, #tpu.memory_space<vmem>>
    %dma_start3A_187 = tpu.memref_squeeze %dma_start3A_186 : memref<1x128xi32, #tpu.memory_space<vmem>> -> memref<128xi32, #tpu.memory_space<vmem>>
    %dma_start3A_188 = arith.constant 0 : i32
    %dma_start3A_189 = arith.constant 0 : i32
    %dma_start3A_190 = tpu.memref_slice %arg2[%dma_start3A_188, %dma_start3A_189] : memref<10000x128xbf16, #tpu.memory_space<hbm>> -> memref<10000x128xbf16, #tpu.memory_space<hbm>>
    tpu.enqueue_indirect_dma source(%dma_start3A_190 : memref<10000x128xbf16, #tpu.memory_space<hbm>>) target(%dma_start3A_184 : memref<128x128xbf16, #tpu.memory_space<vmem>>) offsets(%dma_start3A_187 : memref<128xi32, #tpu.memory_space<vmem>>) semaphore(%arg18 : memref<!tpu.dma_semaphore, #tpu.memory_space<semaphore_mem>>)
    %dma_wait3A_191 = arith.constant 3 : i32
    %dma_wait3A_192 = arith.constant 3 : i32
    %dma_wait3A_193 = arith.constant 0 : i32
    %dma_wait3A_194 = tpu.memref_slice %arg11[%dma_wait3A_192, %dma_wait3A_193] : memref<8x128xi32, #tpu.memory_space<vmem>> -> memref<1x128xi32, #tpu.memory_space<vmem>>
    %dma_wait3A_195 = tpu.memref_squeeze %dma_wait3A_194 : memref<1x128xi32, #tpu.memory_space<vmem>> -> memref<128xi32, #tpu.memory_space<vmem>>
    %dma_wait3A_196 = arith.constant 0 : i32
    %dma_wait3A_197 = tpu.memref_slice %arg3[%add3A, %dma_wait3A_191, %dma_wait3A_196] : memref<32x80x128xi32, #tpu.memory_space<hbm>> -> memref<1x1x128xi32, #tpu.memory_space<hbm>>
    %dma_wait3A_198 = tpu.memref_squeeze %dma_wait3A_197 : memref<1x1x128xi32, #tpu.memory_space<hbm>> -> memref<128xi32, #tpu.memory_space<hbm>>
    %dma_wait3A_199 = arith.constant 0 : i32
    %dma_wait3A_200 = tpu.memref_slice %arg11[%dma_wait3A_192, %dma_wait3A_199] : memref<8x128xi32, #tpu.memory_space<vmem>> -> memref<1x128xi32, #tpu.memory_space<vmem>>
    %dma_wait3A_201 = tpu.memref_squeeze %dma_wait3A_200 : memref<1x128xi32, #tpu.memory_space<vmem>> -> memref<128xi32, #tpu.memory_space<vmem>>
    %dma_wait3A_202 = arith.constant 0 : i32
    %dma_wait3A_203 = tpu.memref_slice %arg3[%add3A, %dma_wait3A_191, %dma_wait3A_202] : memref<32x80x128xi32, #tpu.memory_space<hbm>> -> memref<1x1x128xi32, #tpu.memory_space<hbm>>
    %dma_wait3A_204 = tpu.memref_squeeze %dma_wait3A_203 : memref<1x1x128xi32, #tpu.memory_space<hbm>> -> memref<128xi32, #tpu.memory_space<hbm>>
    tpu.wait_dma2 semaphore(%arg23 : memref<!tpu.dma_semaphore, #tpu.memory_space<semaphore_mem>>) src(%dma_wait3A_204 : memref<128xi32, #tpu.memory_space<hbm>>) dst(%dma_wait3A_201 : memref<128xi32, #tpu.memory_space<vmem>>)
    %dma_start3A_205 = arith.constant 3 : i32
    %dma_start3A_206 = arith.constant 3 : i32
    %dma_start3A_207 = arith.constant 0 : i32
    %dma_start3A_208 = arith.constant 0 : i32
    %dma_start3A_209 = tpu.memref_slice %arg12[%dma_start3A_206, %dma_start3A_207, %dma_start3A_208] : memref<4x128x128xbf16, #tpu.memory_space<vmem>> -> memref<1x128x128xbf16, #tpu.memory_space<vmem>>
    %dma_start3A_210 = tpu.memref_squeeze %dma_start3A_209 : memref<1x128x128xbf16, #tpu.memory_space<vmem>> -> memref<128x128xbf16, #tpu.memory_space<vmem>>
    %dma_start3A_211 = arith.constant 0 : i32
    %dma_start3A_212 = tpu.memref_slice %arg11[%dma_start3A_205, %dma_start3A_211] : memref<8x128xi32, #tpu.memory_space<vmem>> -> memref<1x128xi32, #tpu.memory_space<vmem>>
    %dma_start3A_213 = tpu.memref_squeeze %dma_start3A_212 : memref<1x128xi32, #tpu.memory_space<vmem>> -> memref<128xi32, #tpu.memory_space<vmem>>
    %dma_start3A_214 = arith.constant 0 : i32
    %dma_start3A_215 = arith.constant 0 : i32
    %dma_start3A_216 = tpu.memref_slice %arg2[%dma_start3A_214, %dma_start3A_215] : memref<10000x128xbf16, #tpu.memory_space<hbm>> -> memref<10000x128xbf16, #tpu.memory_space<hbm>>
    tpu.enqueue_indirect_dma source(%dma_start3A_216 : memref<10000x128xbf16, #tpu.memory_space<hbm>>) target(%dma_start3A_210 : memref<128x128xbf16, #tpu.memory_space<vmem>>) offsets(%dma_start3A_213 : memref<128xi32, #tpu.memory_space<vmem>>) semaphore(%arg19 : memref<!tpu.dma_semaphore, #tpu.memory_space<semaphore_mem>>)
    "tpu.region"() ({
      %run_scoped3A_446 = tpu.sem_alloc : memref<!tpu.dma_semaphore, #tpu.memory_space<semaphore_mem>>
      %dma_start3A_447 = arith.constant 0 : i32
      %dma_start3A_448 = tpu.memref_slice %arg14[%mul3A_2, %dma_start3A_447] : memref<10240x128xbf16, #tpu.memory_space<vmem_shared>> -> memref<640x128xbf16, #tpu.memory_space<vmem_shared>>
      tpu.enqueue_dma source(%arg5 : memref<640x128xbf16, #tpu.memory_space<hbm>>) target(%dma_start3A_448 : memref<640x128xbf16, #tpu.memory_space<vmem_shared>>) target_semaphore(%run_scoped3A_446 : memref<!tpu.dma_semaphore, #tpu.memory_space<semaphore_mem>>)
      %dma_wait3A_449 = arith.constant 0 : i32
      %dma_wait3A_450 = tpu.memref_slice %arg14[%mul3A_2, %dma_wait3A_449] : memref<10240x128xbf16, #tpu.memory_space<vmem_shared>> -> memref<640x128xbf16, #tpu.memory_space<vmem_shared>>
      tpu.wait_dma2 semaphore(%run_scoped3A_446 : memref<!tpu.dma_semaphore, #tpu.memory_space<semaphore_mem>>) src(%arg5 : memref<640x128xbf16, #tpu.memory_space<hbm>>) dst(%dma_wait3A_450 : memref<640x128xbf16, #tpu.memory_space<vmem_shared>>)
      tpu.yield
    }) : () -> ()
    "tpu.region"() ({
      %run_scoped3A_446 = tpu.sem_alloc : memref<!tpu.dma_semaphore, #tpu.memory_space<semaphore_mem>>
      %dma_start3A_447 = tpu.memref_slice %arg15[%mul3A_2] : memref<10240xf32, #tpu.memory_space<vmem_shared>> -> memref<640xf32, #tpu.memory_space<vmem_shared>>
      tpu.enqueue_dma source(%arg7 : memref<640xf32, #tpu.memory_space<hbm>>) target(%dma_start3A_447 : memref<640xf32, #tpu.memory_space<vmem_shared>>) target_semaphore(%run_scoped3A_446 : memref<!tpu.dma_semaphore, #tpu.memory_space<semaphore_mem>>)
      %dma_wait3A_448 = tpu.memref_slice %arg15[%mul3A_2] : memref<10240xf32, #tpu.memory_space<vmem_shared>> -> memref<640xf32, #tpu.memory_space<vmem_shared>>
      tpu.wait_dma2 semaphore(%run_scoped3A_446 : memref<!tpu.dma_semaphore, #tpu.memory_space<semaphore_mem>>) src(%arg7 : memref<640xf32, #tpu.memory_space<hbm>>) dst(%dma_wait3A_448 : memref<640xf32, #tpu.memory_space<vmem_shared>>)
      tpu.yield
    }) : () -> ()
    "tpu.region"() ({
      %run_scoped3A_446 = tpu.sem_alloc : memref<!tpu.dma_semaphore, #tpu.memory_space<semaphore_mem>>
      %dma_start3A_447 = arith.constant 0 : i32
      %dma_start3A_448 = arith.constant 0 : i32
      %dma_start3A_449 = tpu.memref_slice %arg4[%add3A, %dma_start3A_447, %dma_start3A_448] : memref<32x80x128xi32, #tpu.memory_space<hbm>> -> memref<1x80x128xi32, #tpu.memory_space<hbm>>
      %dma_start3A_450 = tpu.memref_squeeze %dma_start3A_449 : memref<1x80x128xi32, #tpu.memory_space<hbm>> -> memref<80x128xi32, #tpu.memory_space<hbm>>
      %dma_start3A_451 = arith.constant 0 : i32
      %dma_start3A_452 = arith.constant 0 : i32
      %dma_start3A_453 = tpu.memref_slice %arg4[%add3A, %dma_start3A_451, %dma_start3A_452] : memref<32x80x128xi32, #tpu.memory_space<hbm>> -> memref<1x80x128xi32, #tpu.memory_space<hbm>>
      %dma_start3A_454 = tpu.memref_squeeze %dma_start3A_453 : memref<1x80x128xi32, #tpu.memory_space<hbm>> -> memref<80x128xi32, #tpu.memory_space<hbm>>
      tpu.enqueue_dma source(%dma_start3A_454 : memref<80x128xi32, #tpu.memory_space<hbm>>) target(%arg10 : memref<80x128xi32, #tpu.memory_space<vmem>>) target_semaphore(%run_scoped3A_446 : memref<!tpu.dma_semaphore, #tpu.memory_space<semaphore_mem>>)
      %dma_wait3A_455 = arith.constant 0 : i32
      %dma_wait3A_456 = arith.constant 0 : i32
      %dma_wait3A_457 = tpu.memref_slice %arg4[%add3A, %dma_wait3A_455, %dma_wait3A_456] : memref<32x80x128xi32, #tpu.memory_space<hbm>> -> memref<1x80x128xi32, #tpu.memory_space<hbm>>
      %dma_wait3A_458 = tpu.memref_squeeze %dma_wait3A_457 : memref<1x80x128xi32, #tpu.memory_space<hbm>> -> memref<80x128xi32, #tpu.memory_space<hbm>>
      %dma_wait3A_459 = arith.constant 0 : i32
      %dma_wait3A_460 = arith.constant 0 : i32
      %dma_wait3A_461 = tpu.memref_slice %arg4[%add3A, %dma_wait3A_459, %dma_wait3A_460] : memref<32x80x128xi32, #tpu.memory_space<hbm>> -> memref<1x80x128xi32, #tpu.memory_space<hbm>>
      %dma_wait3A_462 = tpu.memref_squeeze %dma_wait3A_461 : memref<1x80x128xi32, #tpu.memory_space<hbm>> -> memref<80x128xi32, #tpu.memory_space<hbm>>
      tpu.wait_dma2 semaphore(%run_scoped3A_446 : memref<!tpu.dma_semaphore, #tpu.memory_space<semaphore_mem>>) src(%dma_wait3A_462 : memref<80x128xi32, #tpu.memory_space<hbm>>) dst(%arg10 : memref<80x128xi32, #tpu.memory_space<vmem>>)
      tpu.yield
    }) : () -> ()
    "tpu.region"() ({
      %run_scoped3A_446 = tpu.sem_alloc : memref<!tpu.dma_semaphore, #tpu.memory_space<semaphore_mem>>
      tpu.enqueue_dma source(%arg6 : memref<128xf32, #tpu.memory_space<hbm>>) target(%arg13 : memref<128xf32, #tpu.memory_space<vmem>>) target_semaphore(%run_scoped3A_446 : memref<!tpu.dma_semaphore, #tpu.memory_space<semaphore_mem>>)
      tpu.wait_dma2 semaphore(%run_scoped3A_446 : memref<!tpu.dma_semaphore, #tpu.memory_space<semaphore_mem>>) src(%arg6 : memref<128xf32, #tpu.memory_space<hbm>>) dst(%arg13 : memref<128xf32, #tpu.memory_space<vmem>>)
      tpu.yield
    }) : () -> ()
    %barrier3A = arith.constant 0 : index
    tpu.barrier barrier_id(%barrier3A)
    %scan3A = arith.constant 0 : i32
    %scan3A_217 = arith.constant 0 : i32
    %scan3A_218 = arith.constant 9 : i32
    %scan3A_219 = arith.addi %scan3A_217, %scan3A_218 : i32
    %scan3A_220 = arith.constant 1 : i32
    scf.for %scan3A_446 = %scan3A_217 to %scan3A_219 step %scan3A_220  : i32 {
      %mul3A_447 = arith.constant 8 : i32
      %mul3A_448 = arith.muli %scan3A_446, %mul3A_447 : i32
      %add3A_449 = arith.constant 0 : i32
      %add3A_450 = arith.addi %mul3A_448, %add3A_449 : i32
      %dma_wait3A_451 = arith.constant 0 : i32
      %dma_wait3A_452 = arith.constant 0 : i32
      %dma_wait3A_453 = arith.constant 0 : i32
      %dma_wait3A_454 = arith.constant 0 : i32
      %dma_wait3A_455 = tpu.memref_slice %arg12[%dma_wait3A_452, %dma_wait3A_453, %dma_wait3A_454] : memref<4x128x128xbf16, #tpu.memory_space<vmem>> -> memref<1x128x128xbf16, #tpu.memory_space<vmem>>
      %dma_wait3A_456 = tpu.memref_squeeze %dma_wait3A_455 : memref<1x128x128xbf16, #tpu.memory_space<vmem>> -> memref<128x128xbf16, #tpu.memory_space<vmem>>
      %dma_wait3A_457 = arith.constant 0 : i32
      %dma_wait3A_458 = tpu.memref_slice %arg11[%dma_wait3A_451, %dma_wait3A_457] : memref<8x128xi32, #tpu.memory_space<vmem>> -> memref<1x128xi32, #tpu.memory_space<vmem>>
      %dma_wait3A_459 = tpu.memref_squeeze %dma_wait3A_458 : memref<1x128xi32, #tpu.memory_space<vmem>> -> memref<128xi32, #tpu.memory_space<vmem>>
      %dma_wait3A_460 = arith.constant 0 : i32
      %dma_wait3A_461 = arith.constant 0 : i32
      %dma_wait3A_462 = tpu.memref_slice %arg2[%dma_wait3A_460, %dma_wait3A_461] : memref<10000x128xbf16, #tpu.memory_space<hbm>> -> memref<10000x128xbf16, #tpu.memory_space<hbm>>
      tpu.wait_indirect_dma semaphore(%arg16 : memref<!tpu.dma_semaphore, #tpu.memory_space<semaphore_mem>>) src(%dma_wait3A_462 : memref<10000x128xbf16, #tpu.memory_space<hbm>>) dst(%dma_wait3A_456 : memref<128x128xbf16, #tpu.memory_space<vmem>>)
      %run_scoped3A_463 = arith.constant 0 : i32
      "tpu.region"() ({
        %run_scoped3A_919 = tpu.sem_alloc : memref<!tpu.dma_semaphore, #tpu.memory_space<semaphore_mem>>
        %dma_start3A_920 = arith.constant 0 : i32
        %dma_start3A_921 = arith.constant 0 : i32
        %dma_start3A_922 = tpu.memref_slice %arg12[%run_scoped3A_463, %dma_start3A_920, %dma_start3A_921] : memref<4x128x128xbf16, #tpu.memory_space<vmem>> -> memref<1x128x128xbf16, #tpu.memory_space<vmem>>
        %dma_start3A_923 = tpu.memref_squeeze %dma_start3A_922 : memref<1x128x128xbf16, #tpu.memory_space<vmem>> -> memref<128x128xbf16, #tpu.memory_space<vmem>>
        %dma_start3A_924 = arith.constant 0 : i32
        %dma_start3A_925 = tpu.memref_slice %arg10[%add3A_450, %dma_start3A_924] : memref<80x128xi32, #tpu.memory_space<vmem>> -> memref<1x128xi32, #tpu.memory_space<vmem>>
        %dma_start3A_926 = tpu.memref_squeeze %dma_start3A_925 : memref<1x128xi32, #tpu.memory_space<vmem>> -> memref<128xi32, #tpu.memory_space<vmem>>
        %dma_start3A_927 = arith.constant 0 : i32
        %dma_start3A_928 = arith.constant 0 : i32
        %dma_start3A_929 = tpu.memref_slice %arg14[%dma_start3A_927, %dma_start3A_928] : memref<10240x128xbf16, #tpu.memory_space<vmem_shared>> -> memref<10240x128xbf16, #tpu.memory_space<vmem_shared>>
        tpu.enqueue_indirect_dma source(%dma_start3A_923 : memref<128x128xbf16, #tpu.memory_space<vmem>>) target(%dma_start3A_929 : memref<10240x128xbf16, #tpu.memory_space<vmem_shared>>) offsets(%dma_start3A_926 : memref<128xi32, #tpu.memory_space<vmem>>) semaphore(%run_scoped3A_919 : memref<!tpu.dma_semaphore, #tpu.memory_space<semaphore_mem>>) {add = true}
        %dma_wait3A_930 = arith.constant 0 : i32
        %dma_wait3A_931 = arith.constant 0 : i32
        %dma_wait3A_932 = tpu.memref_slice %arg12[%run_scoped3A_463, %dma_wait3A_930, %dma_wait3A_931] : memref<4x128x128xbf16, #tpu.memory_space<vmem>> -> memref<1x128x128xbf16, #tpu.memory_space<vmem>>
        %dma_wait3A_933 = tpu.memref_squeeze %dma_wait3A_932 : memref<1x128x128xbf16, #tpu.memory_space<vmem>> -> memref<128x128xbf16, #tpu.memory_space<vmem>>
        %dma_wait3A_934 = arith.constant 0 : i32
        %dma_wait3A_935 = tpu.memref_slice %arg10[%add3A_450, %dma_wait3A_934] : memref<80x128xi32, #tpu.memory_space<vmem>> -> memref<1x128xi32, #tpu.memory_space<vmem>>
        %dma_wait3A_936 = tpu.memref_squeeze %dma_wait3A_935 : memref<1x128xi32, #tpu.memory_space<vmem>> -> memref<128xi32, #tpu.memory_space<vmem>>
        %dma_wait3A_937 = arith.constant 0 : i32
        %dma_wait3A_938 = arith.constant 0 : i32
        %dma_wait3A_939 = tpu.memref_slice %arg14[%dma_wait3A_937, %dma_wait3A_938] : memref<10240x128xbf16, #tpu.memory_space<vmem_shared>> -> memref<10240x128xbf16, #tpu.memory_space<vmem_shared>>
        tpu.wait_indirect_dma semaphore(%run_scoped3A_919 : memref<!tpu.dma_semaphore, #tpu.memory_space<semaphore_mem>>) src(%dma_wait3A_933 : memref<128x128xbf16, #tpu.memory_space<vmem>>) dst(%dma_wait3A_939 : memref<10240x128xbf16, #tpu.memory_space<vmem_shared>>)
        tpu.yield
      }) : () -> ()
      "tpu.region"() ({
        %run_scoped3A_919 = tpu.sem_alloc : memref<!tpu.dma_semaphore, #tpu.memory_space<semaphore_mem>>
        %dma_start3A_920 = arith.constant 0 : i32
        %dma_start3A_921 = tpu.memref_slice %arg10[%add3A_450, %dma_start3A_920] : memref<80x128xi32, #tpu.memory_space<vmem>> -> memref<1x128xi32, #tpu.memory_space<vmem>>
        %dma_start3A_922 = tpu.memref_squeeze %dma_start3A_921 : memref<1x128xi32, #tpu.memory_space<vmem>> -> memref<128xi32, #tpu.memory_space<vmem>>
        %dma_start3A_923 = arith.constant 0 : i32
        %dma_start3A_924 = tpu.memref_slice %arg15[%dma_start3A_923] : memref<10240xf32, #tpu.memory_space<vmem_shared>> -> memref<10240xf32, #tpu.memory_space<vmem_shared>>
        tpu.enqueue_indirect_dma source(%arg13 : memref<128xf32, #tpu.memory_space<vmem>>) target(%dma_start3A_924 : memref<10240xf32, #tpu.memory_space<vmem_shared>>) offsets(%dma_start3A_922 : memref<128xi32, #tpu.memory_space<vmem>>) semaphore(%run_scoped3A_919 : memref<!tpu.dma_semaphore, #tpu.memory_space<semaphore_mem>>) {add = true}
        %dma_wait3A_925 = arith.constant 0 : i32
        %dma_wait3A_926 = tpu.memref_slice %arg10[%add3A_450, %dma_wait3A_925] : memref<80x128xi32, #tpu.memory_space<vmem>> -> memref<1x128xi32, #tpu.memory_space<vmem>>
        %dma_wait3A_927 = tpu.memref_squeeze %dma_wait3A_926 : memref<1x128xi32, #tpu.memory_space<vmem>> -> memref<128xi32, #tpu.memory_space<vmem>>
        %dma_wait3A_928 = arith.constant 0 : i32
        %dma_wait3A_929 = tpu.memref_slice %arg15[%dma_wait3A_928] : memref<10240xf32, #tpu.memory_space<vmem_shared>> -> memref<10240xf32, #tpu.memory_space<vmem_shared>>
        tpu.wait_indirect_dma semaphore(%run_scoped3A_919 : memref<!tpu.dma_semaphore, #tpu.memory_space<semaphore_mem>>) src(%arg13 : memref<128xf32, #tpu.memory_space<vmem>>) dst(%dma_wait3A_929 : memref<10240xf32, #tpu.memory_space<vmem_shared>>)
        tpu.yield
      }) : () -> ()
      %add3A_464 = arith.constant 4 : i32
      %add3A_465 = arith.addi %add3A_450, %add3A_464 : i32
      %dma_wait3A_466 = arith.constant 4 : i32
      %dma_wait3A_467 = arith.constant 0 : i32
      %dma_wait3A_468 = tpu.memref_slice %arg11[%dma_wait3A_466, %dma_wait3A_467] : memref<8x128xi32, #tpu.memory_space<vmem>> -> memref<1x128xi32, #tpu.memory_space<vmem>>
      %dma_wait3A_469 = tpu.memref_squeeze %dma_wait3A_468 : memref<1x128xi32, #tpu.memory_space<vmem>> -> memref<128xi32, #tpu.memory_space<vmem>>
      %dma_wait3A_470 = arith.constant 0 : i32
      %dma_wait3A_471 = tpu.memref_slice %arg3[%add3A, %add3A_465, %dma_wait3A_470] : memref<32x80x128xi32, #tpu.memory_space<hbm>> -> memref<1x1x128xi32, #tpu.memory_space<hbm>>
      %dma_wait3A_472 = tpu.memref_squeeze %dma_wait3A_471 : memref<1x1x128xi32, #tpu.memory_space<hbm>> -> memref<128xi32, #tpu.memory_space<hbm>>
      %dma_wait3A_473 = arith.constant 0 : i32
      %dma_wait3A_474 = tpu.memref_slice %arg11[%dma_wait3A_466, %dma_wait3A_473] : memref<8x128xi32, #tpu.memory_space<vmem>> -> memref<1x128xi32, #tpu.memory_space<vmem>>
      %dma_wait3A_475 = tpu.memref_squeeze %dma_wait3A_474 : memref<1x128xi32, #tpu.memory_space<vmem>> -> memref<128xi32, #tpu.memory_space<vmem>>
      %dma_wait3A_476 = arith.constant 0 : i32
      %dma_wait3A_477 = tpu.memref_slice %arg3[%add3A, %add3A_465, %dma_wait3A_476] : memref<32x80x128xi32, #tpu.memory_space<hbm>> -> memref<1x1x128xi32, #tpu.memory_space<hbm>>
      %dma_wait3A_478 = tpu.memref_squeeze %dma_wait3A_477 : memref<1x1x128xi32, #tpu.memory_space<hbm>> -> memref<128xi32, #tpu.memory_space<hbm>>
      tpu.wait_dma2 semaphore(%arg24 : memref<!tpu.dma_semaphore, #tpu.memory_space<semaphore_mem>>) src(%dma_wait3A_478 : memref<128xi32, #tpu.memory_space<hbm>>) dst(%dma_wait3A_475 : memref<128xi32, #tpu.memory_space<vmem>>)
      %dma_start3A_479 = arith.constant 4 : i32
      %dma_start3A_480 = arith.constant 0 : i32
      %dma_start3A_481 = arith.constant 0 : i32
      %dma_start3A_482 = arith.constant 0 : i32
      %dma_start3A_483 = tpu.memref_slice %arg12[%dma_start3A_480, %dma_start3A_481, %dma_start3A_482] : memref<4x128x128xbf16, #tpu.memory_space<vmem>> -> memref<1x128x128xbf16, #tpu.memory_space<vmem>>
      %dma_start3A_484 = tpu.memref_squeeze %dma_start3A_483 : memref<1x128x128xbf16, #tpu.memory_space<vmem>> -> memref<128x128xbf16, #tpu.memory_space<vmem>>
      %dma_start3A_485 = arith.constant 0 : i32
      %dma_start3A_486 = tpu.memref_slice %arg11[%dma_start3A_479, %dma_start3A_485] : memref<8x128xi32, #tpu.memory_space<vmem>> -> memref<1x128xi32, #tpu.memory_space<vmem>>
      %dma_start3A_487 = tpu.memref_squeeze %dma_start3A_486 : memref<1x128xi32, #tpu.memory_space<vmem>> -> memref<128xi32, #tpu.memory_space<vmem>>
      %dma_start3A_488 = arith.constant 0 : i32
      %dma_start3A_489 = arith.constant 0 : i32
      %dma_start3A_490 = tpu.memref_slice %arg2[%dma_start3A_488, %dma_start3A_489] : memref<10000x128xbf16, #tpu.memory_space<hbm>> -> memref<10000x128xbf16, #tpu.memory_space<hbm>>
      tpu.enqueue_indirect_dma source(%dma_start3A_490 : memref<10000x128xbf16, #tpu.memory_space<hbm>>) target(%dma_start3A_484 : memref<128x128xbf16, #tpu.memory_space<vmem>>) offsets(%dma_start3A_487 : memref<128xi32, #tpu.memory_space<vmem>>) semaphore(%arg16 : memref<!tpu.dma_semaphore, #tpu.memory_space<semaphore_mem>>)
      %add3A_491 = arith.constant 8 : i32
      %add3A_492 = arith.addi %add3A_450, %add3A_491 : i32
      %dma_start3A_493 = arith.constant 0 : i32
      %dma_start3A_494 = arith.constant 0 : i32
      %dma_start3A_495 = tpu.memref_slice %arg11[%dma_start3A_493, %dma_start3A_494] : memref<8x128xi32, #tpu.memory_space<vmem>> -> memref<1x128xi32, #tpu.memory_space<vmem>>
      %dma_start3A_496 = tpu.memref_squeeze %dma_start3A_495 : memref<1x128xi32, #tpu.memory_space<vmem>> -> memref<128xi32, #tpu.memory_space<vmem>>
      %dma_start3A_497 = arith.constant 0 : i32
      %dma_start3A_498 = tpu.memref_slice %arg3[%add3A, %add3A_492, %dma_start3A_497] : memref<32x80x128xi32, #tpu.memory_space<hbm>> -> memref<1x1x128xi32, #tpu.memory_space<hbm>>
      %dma_start3A_499 = tpu.memref_squeeze %dma_start3A_498 : memref<1x1x128xi32, #tpu.memory_space<hbm>> -> memref<128xi32, #tpu.memory_space<hbm>>
      %dma_start3A_500 = arith.constant 0 : i32
      %dma_start3A_501 = tpu.memref_slice %arg11[%dma_start3A_493, %dma_start3A_500] : memref<8x128xi32, #tpu.memory_space<vmem>> -> memref<1x128xi32, #tpu.memory_space<vmem>>
      %dma_start3A_502 = tpu.memref_squeeze %dma_start3A_501 : memref<1x128xi32, #tpu.memory_space<vmem>> -> memref<128xi32, #tpu.memory_space<vmem>>
      %dma_start3A_503 = arith.constant 0 : i32
      %dma_start3A_504 = tpu.memref_slice %arg3[%add3A, %add3A_492, %dma_start3A_503] : memref<32x80x128xi32, #tpu.memory_space<hbm>> -> memref<1x1x128xi32, #tpu.memory_space<hbm>>
      %dma_start3A_505 = tpu.memref_squeeze %dma_start3A_504 : memref<1x1x128xi32, #tpu.memory_space<hbm>> -> memref<128xi32, #tpu.memory_space<hbm>>
      tpu.enqueue_dma source(%dma_start3A_505 : memref<128xi32, #tpu.memory_space<hbm>>) target(%dma_start3A_502 : memref<128xi32, #tpu.memory_space<vmem>>) target_semaphore(%arg20 : memref<!tpu.dma_semaphore, #tpu.memory_space<semaphore_mem>>)
      %mul3A_506 = arith.constant 8 : i32
      %mul3A_507 = arith.muli %scan3A_446, %mul3A_506 : i32
      %add3A_508 = arith.constant 1 : i32
      %add3A_509 = arith.addi %mul3A_507, %add3A_508 : i32
      %dma_wait3A_510 = arith.constant 1 : i32
      %dma_wait3A_511 = arith.constant 1 : i32
      %dma_wait3A_512 = arith.constant 0 : i32
      %dma_wait3A_513 = arith.constant 0 : i32
      %dma_wait3A_514 = tpu.memref_slice %arg12[%dma_wait3A_511, %dma_wait3A_512, %dma_wait3A_513] : memref<4x128x128xbf16, #tpu.memory_space<vmem>> -> memref<1x128x128xbf16, #tpu.memory_space<vmem>>
      %dma_wait3A_515 = tpu.memref_squeeze %dma_wait3A_514 : memref<1x128x128xbf16, #tpu.memory_space<vmem>> -> memref<128x128xbf16, #tpu.memory_space<vmem>>
      %dma_wait3A_516 = arith.constant 0 : i32
      %dma_wait3A_517 = tpu.memref_slice %arg11[%dma_wait3A_510, %dma_wait3A_516] : memref<8x128xi32, #tpu.memory_space<vmem>> -> memref<1x128xi32, #tpu.memory_space<vmem>>
      %dma_wait3A_518 = tpu.memref_squeeze %dma_wait3A_517 : memref<1x128xi32, #tpu.memory_space<vmem>> -> memref<128xi32, #tpu.memory_space<vmem>>
      %dma_wait3A_519 = arith.constant 0 : i32
      %dma_wait3A_520 = arith.constant 0 : i32
      %dma_wait3A_521 = tpu.memref_slice %arg2[%dma_wait3A_519, %dma_wait3A_520] : memref<10000x128xbf16, #tpu.memory_space<hbm>> -> memref<10000x128xbf16, #tpu.memory_space<hbm>>
      tpu.wait_indirect_dma semaphore(%arg17 : memref<!tpu.dma_semaphore, #tpu.memory_space<semaphore_mem>>) src(%dma_wait3A_521 : memref<10000x128xbf16, #tpu.memory_space<hbm>>) dst(%dma_wait3A_515 : memref<128x128xbf16, #tpu.memory_space<vmem>>)
      %run_scoped3A_522 = arith.constant 1 : i32
      "tpu.region"() ({
        %run_scoped3A_919 = tpu.sem_alloc : memref<!tpu.dma_semaphore, #tpu.memory_space<semaphore_mem>>
        %dma_start3A_920 = arith.constant 0 : i32
        %dma_start3A_921 = arith.constant 0 : i32
        %dma_start3A_922 = tpu.memref_slice %arg12[%run_scoped3A_522, %dma_start3A_920, %dma_start3A_921] : memref<4x128x128xbf16, #tpu.memory_space<vmem>> -> memref<1x128x128xbf16, #tpu.memory_space<vmem>>
        %dma_start3A_923 = tpu.memref_squeeze %dma_start3A_922 : memref<1x128x128xbf16, #tpu.memory_space<vmem>> -> memref<128x128xbf16, #tpu.memory_space<vmem>>
        %dma_start3A_924 = arith.constant 0 : i32
        %dma_start3A_925 = tpu.memref_slice %arg10[%add3A_509, %dma_start3A_924] : memref<80x128xi32, #tpu.memory_space<vmem>> -> memref<1x128xi32, #tpu.memory_space<vmem>>
        %dma_start3A_926 = tpu.memref_squeeze %dma_start3A_925 : memref<1x128xi32, #tpu.memory_space<vmem>> -> memref<128xi32, #tpu.memory_space<vmem>>
        %dma_start3A_927 = arith.constant 0 : i32
        %dma_start3A_928 = arith.constant 0 : i32
        %dma_start3A_929 = tpu.memref_slice %arg14[%dma_start3A_927, %dma_start3A_928] : memref<10240x128xbf16, #tpu.memory_space<vmem_shared>> -> memref<10240x128xbf16, #tpu.memory_space<vmem_shared>>
        tpu.enqueue_indirect_dma source(%dma_start3A_923 : memref<128x128xbf16, #tpu.memory_space<vmem>>) target(%dma_start3A_929 : memref<10240x128xbf16, #tpu.memory_space<vmem_shared>>) offsets(%dma_start3A_926 : memref<128xi32, #tpu.memory_space<vmem>>) semaphore(%run_scoped3A_919 : memref<!tpu.dma_semaphore, #tpu.memory_space<semaphore_mem>>) {add = true}
        %dma_wait3A_930 = arith.constant 0 : i32
        %dma_wait3A_931 = arith.constant 0 : i32
        %dma_wait3A_932 = tpu.memref_slice %arg12[%run_scoped3A_522, %dma_wait3A_930, %dma_wait3A_931] : memref<4x128x128xbf16, #tpu.memory_space<vmem>> -> memref<1x128x128xbf16, #tpu.memory_space<vmem>>
        %dma_wait3A_933 = tpu.memref_squeeze %dma_wait3A_932 : memref<1x128x128xbf16, #tpu.memory_space<vmem>> -> memref<128x128xbf16, #tpu.memory_space<vmem>>
        %dma_wait3A_934 = arith.constant 0 : i32
        %dma_wait3A_935 = tpu.memref_slice %arg10[%add3A_509, %dma_wait3A_934] : memref<80x128xi32, #tpu.memory_space<vmem>> -> memref<1x128xi32, #tpu.memory_space<vmem>>
        %dma_wait3A_936 = tpu.memref_squeeze %dma_wait3A_935 : memref<1x128xi32, #tpu.memory_space<vmem>> -> memref<128xi32, #tpu.memory_space<vmem>>
        %dma_wait3A_937 = arith.constant 0 : i32
        %dma_wait3A_938 = arith.constant 0 : i32
        %dma_wait3A_939 = tpu.memref_slice %arg14[%dma_wait3A_937, %dma_wait3A_938] : memref<10240x128xbf16, #tpu.memory_space<vmem_shared>> -> memref<10240x128xbf16, #tpu.memory_space<vmem_shared>>
        tpu.wait_indirect_dma semaphore(%run_scoped3A_919 : memref<!tpu.dma_semaphore, #tpu.memory_space<semaphore_mem>>) src(%dma_wait3A_933 : memref<128x128xbf16, #tpu.memory_space<vmem>>) dst(%dma_wait3A_939 : memref<10240x128xbf16, #tpu.memory_space<vmem_shared>>)
        tpu.yield
      }) : () -> ()
      "tpu.region"() ({
        %run_scoped3A_919 = tpu.sem_alloc : memref<!tpu.dma_semaphore, #tpu.memory_space<semaphore_mem>>
        %dma_start3A_920 = arith.constant 0 : i32
        %dma_start3A_921 = tpu.memref_slice %arg10[%add3A_509, %dma_start3A_920] : memref<80x128xi32, #tpu.memory_space<vmem>> -> memref<1x128xi32, #tpu.memory_space<vmem>>
        %dma_start3A_922 = tpu.memref_squeeze %dma_start3A_921 : memref<1x128xi32, #tpu.memory_space<vmem>> -> memref<128xi32, #tpu.memory_space<vmem>>
        %dma_start3A_923 = arith.constant 0 : i32
        %dma_start3A_924 = tpu.memref_slice %arg15[%dma_start3A_923] : memref<10240xf32, #tpu.memory_space<vmem_shared>> -> memref<10240xf32, #tpu.memory_space<vmem_shared>>
        tpu.enqueue_indirect_dma source(%arg13 : memref<128xf32, #tpu.memory_space<vmem>>) target(%dma_start3A_924 : memref<10240xf32, #tpu.memory_space<vmem_shared>>) offsets(%dma_start3A_922 : memref<128xi32, #tpu.memory_space<vmem>>) semaphore(%run_scoped3A_919 : memref<!tpu.dma_semaphore, #tpu.memory_space<semaphore_mem>>) {add = true}
        %dma_wait3A_925 = arith.constant 0 : i32
        %dma_wait3A_926 = tpu.memref_slice %arg10[%add3A_509, %dma_wait3A_925] : memref<80x128xi32, #tpu.memory_space<vmem>> -> memref<1x128xi32, #tpu.memory_space<vmem>>
        %dma_wait3A_927 = tpu.memref_squeeze %dma_wait3A_926 : memref<1x128xi32, #tpu.memory_space<vmem>> -> memref<128xi32, #tpu.memory_space<vmem>>
        %dma_wait3A_928 = arith.constant 0 : i32
        %dma_wait3A_929 = tpu.memref_slice %arg15[%dma_wait3A_928] : memref<10240xf32, #tpu.memory_space<vmem_shared>> -> memref<10240xf32, #tpu.memory_space<vmem_shared>>
        tpu.wait_indirect_dma semaphore(%run_scoped3A_919 : memref<!tpu.dma_semaphore, #tpu.memory_space<semaphore_mem>>) src(%arg13 : memref<128xf32, #tpu.memory_space<vmem>>) dst(%dma_wait3A_929 : memref<10240xf32, #tpu.memory_space<vmem_shared>>)
        tpu.yield
      }) : () -> ()
      %add3A_523 = arith.constant 4 : i32
      %add3A_524 = arith.addi %add3A_509, %add3A_523 : i32
      %dma_wait3A_525 = arith.constant 5 : i32
      %dma_wait3A_526 = arith.constant 0 : i32
      %dma_wait3A_527 = tpu.memref_slice %arg11[%dma_wait3A_525, %dma_wait3A_526] : memref<8x128xi32, #tpu.memory_space<vmem>> -> memref<1x128xi32, #tpu.memory_space<vmem>>
      %dma_wait3A_528 = tpu.memref_squeeze %dma_wait3A_527 : memref<1x128xi32, #tpu.memory_space<vmem>> -> memref<128xi32, #tpu.memory_space<vmem>>
      %dma_wait3A_529 = arith.constant 0 : i32
      %dma_wait3A_530 = tpu.memref_slice %arg3[%add3A, %add3A_524, %dma_wait3A_529] : memref<32x80x128xi32, #tpu.memory_space<hbm>> -> memref<1x1x128xi32, #tpu.memory_space<hbm>>
      %dma_wait3A_531 = tpu.memref_squeeze %dma_wait3A_530 : memref<1x1x128xi32, #tpu.memory_space<hbm>> -> memref<128xi32, #tpu.memory_space<hbm>>
      %dma_wait3A_532 = arith.constant 0 : i32
      %dma_wait3A_533 = tpu.memref_slice %arg11[%dma_wait3A_525, %dma_wait3A_532] : memref<8x128xi32, #tpu.memory_space<vmem>> -> memref<1x128xi32, #tpu.memory_space<vmem>>
      %dma_wait3A_534 = tpu.memref_squeeze %dma_wait3A_533 : memref<1x128xi32, #tpu.memory_space<vmem>> -> memref<128xi32, #tpu.memory_space<vmem>>
      %dma_wait3A_535 = arith.constant 0 : i32
      %dma_wait3A_536 = tpu.memref_slice %arg3[%add3A, %add3A_524, %dma_wait3A_535] : memref<32x80x128xi32, #tpu.memory_space<hbm>> -> memref<1x1x128xi32, #tpu.memory_space<hbm>>
      %dma_wait3A_537 = tpu.memref_squeeze %dma_wait3A_536 : memref<1x1x128xi32, #tpu.memory_space<hbm>> -> memref<128xi32, #tpu.memory_space<hbm>>
      tpu.wait_dma2 semaphore(%arg25 : memref<!tpu.dma_semaphore, #tpu.memory_space<semaphore_mem>>) src(%dma_wait3A_537 : memref<128xi32, #tpu.memory_space<hbm>>) dst(%dma_wait3A_534 : memref<128xi32, #tpu.memory_space<vmem>>)
      %dma_start3A_538 = arith.constant 5 : i32
      %dma_start3A_539 = arith.constant 1 : i32
      %dma_start3A_540 = arith.constant 0 : i32
      %dma_start3A_541 = arith.constant 0 : i32
      %dma_start3A_542 = tpu.memref_slice %arg12[%dma_start3A_539, %dma_start3A_540, %dma_start3A_541] : memref<4x128x128xbf16, #tpu.memory_space<vmem>> -> memref<1x128x128xbf16, #tpu.memory_space<vmem>>
      %dma_start3A_543 = tpu.memref_squeeze %dma_start3A_542 : memref<1x128x128xbf16, #tpu.memory_space<vmem>> -> memref<128x128xbf16, #tpu.memory_space<vmem>>
      %dma_start3A_544 = arith.constant 0 : i32
      %dma_start3A_545 = tpu.memref_slice %arg11[%dma_start3A_538, %dma_start3A_544] : memref<8x128xi32, #tpu.memory_space<vmem>> -> memref<1x128xi32, #tpu.memory_space<vmem>>
      %dma_start3A_546 = tpu.memref_squeeze %dma_start3A_545 : memref<1x128xi32, #tpu.memory_space<vmem>> -> memref<128xi32, #tpu.memory_space<vmem>>
      %dma_start3A_547 = arith.constant 0 : i32
      %dma_start3A_548 = arith.constant 0 : i32
      %dma_start3A_549 = tpu.memref_slice %arg2[%dma_start3A_547, %dma_start3A_548] : memref<10000x128xbf16, #tpu.memory_space<hbm>> -> memref<10000x128xbf16, #tpu.memory_space<hbm>>
      tpu.enqueue_indirect_dma source(%dma_start3A_549 : memref<10000x128xbf16, #tpu.memory_space<hbm>>) target(%dma_start3A_543 : memref<128x128xbf16, #tpu.memory_space<vmem>>) offsets(%dma_start3A_546 : memref<128xi32, #tpu.memory_space<vmem>>) semaphore(%arg17 : memref<!tpu.dma_semaphore, #tpu.memory_space<semaphore_mem>>)
      %add3A_550 = arith.constant 8 : i32
      %add3A_551 = arith.addi %add3A_509, %add3A_550 : i32
      %dma_start3A_552 = arith.constant 1 : i32
      %dma_start3A_553 = arith.constant 0 : i32
      %dma_start3A_554 = tpu.memref_slice %arg11[%dma_start3A_552, %dma_start3A_553] : memref<8x128xi32, #tpu.memory_space<vmem>> -> memref<1x128xi32, #tpu.memory_space<vmem>>
      %dma_start3A_555 = tpu.memref_squeeze %dma_start3A_554 : memref<1x128xi32, #tpu.memory_space<vmem>> -> memref<128xi32, #tpu.memory_space<vmem>>
      %dma_start3A_556 = arith.constant 0 : i32
      %dma_start3A_557 = tpu.memref_slice %arg3[%add3A, %add3A_551, %dma_start3A_556] : memref<32x80x128xi32, #tpu.memory_space<hbm>> -> memref<1x1x128xi32, #tpu.memory_space<hbm>>
      %dma_start3A_558 = tpu.memref_squeeze %dma_start3A_557 : memref<1x1x128xi32, #tpu.memory_space<hbm>> -> memref<128xi32, #tpu.memory_space<hbm>>
      %dma_start3A_559 = arith.constant 0 : i32
      %dma_start3A_560 = tpu.memref_slice %arg11[%dma_start3A_552, %dma_start3A_559] : memref<8x128xi32, #tpu.memory_space<vmem>> -> memref<1x128xi32, #tpu.memory_space<vmem>>
      %dma_start3A_561 = tpu.memref_squeeze %dma_start3A_560 : memref<1x128xi32, #tpu.memory_space<vmem>> -> memref<128xi32, #tpu.memory_space<vmem>>
      %dma_start3A_562 = arith.constant 0 : i32
      %dma_start3A_563 = tpu.memref_slice %arg3[%add3A, %add3A_551, %dma_start3A_562] : memref<32x80x128xi32, #tpu.memory_space<hbm>> -> memref<1x1x128xi32, #tpu.memory_space<hbm>>
      %dma_start3A_564 = tpu.memref_squeeze %dma_start3A_563 : memref<1x1x128xi32, #tpu.memory_space<hbm>> -> memref<128xi32, #tpu.memory_space<hbm>>
      tpu.enqueue_dma source(%dma_start3A_564 : memref<128xi32, #tpu.memory_space<hbm>>) target(%dma_start3A_561 : memref<128xi32, #tpu.memory_space<vmem>>) target_semaphore(%arg21 : memref<!tpu.dma_semaphore, #tpu.memory_space<semaphore_mem>>)
      %mul3A_565 = arith.constant 8 : i32
      %mul3A_566 = arith.muli %scan3A_446, %mul3A_565 : i32
      %add3A_567 = arith.constant 2 : i32
      %add3A_568 = arith.addi %mul3A_566, %add3A_567 : i32
      %dma_wait3A_569 = arith.constant 2 : i32
      %dma_wait3A_570 = arith.constant 2 : i32
      %dma_wait3A_571 = arith.constant 0 : i32
      %dma_wait3A_572 = arith.constant 0 : i32
      %dma_wait3A_573 = tpu.memref_slice %arg12[%dma_wait3A_570, %dma_wait3A_571, %dma_wait3A_572] : memref<4x128x128xbf16, #tpu.memory_space<vmem>> -> memref<1x128x128xbf16, #tpu.memory_space<vmem>>
      %dma_wait3A_574 = tpu.memref_squeeze %dma_wait3A_573 : memref<1x128x128xbf16, #tpu.memory_space<vmem>> -> memref<128x128xbf16, #tpu.memory_space<vmem>>
      %dma_wait3A_575 = arith.constant 0 : i32
      %dma_wait3A_576 = tpu.memref_slice %arg11[%dma_wait3A_569, %dma_wait3A_575] : memref<8x128xi32, #tpu.memory_space<vmem>> -> memref<1x128xi32, #tpu.memory_space<vmem>>
      %dma_wait3A_577 = tpu.memref_squeeze %dma_wait3A_576 : memref<1x128xi32, #tpu.memory_space<vmem>> -> memref<128xi32, #tpu.memory_space<vmem>>
      %dma_wait3A_578 = arith.constant 0 : i32
      %dma_wait3A_579 = arith.constant 0 : i32
      %dma_wait3A_580 = tpu.memref_slice %arg2[%dma_wait3A_578, %dma_wait3A_579] : memref<10000x128xbf16, #tpu.memory_space<hbm>> -> memref<10000x128xbf16, #tpu.memory_space<hbm>>
      tpu.wait_indirect_dma semaphore(%arg18 : memref<!tpu.dma_semaphore, #tpu.memory_space<semaphore_mem>>) src(%dma_wait3A_580 : memref<10000x128xbf16, #tpu.memory_space<hbm>>) dst(%dma_wait3A_574 : memref<128x128xbf16, #tpu.memory_space<vmem>>)
      %run_scoped3A_581 = arith.constant 2 : i32
      "tpu.region"() ({
        %run_scoped3A_919 = tpu.sem_alloc : memref<!tpu.dma_semaphore, #tpu.memory_space<semaphore_mem>>
        %dma_start3A_920 = arith.constant 0 : i32
        %dma_start3A_921 = arith.constant 0 : i32
        %dma_start3A_922 = tpu.memref_slice %arg12[%run_scoped3A_581, %dma_start3A_920, %dma_start3A_921] : memref<4x128x128xbf16, #tpu.memory_space<vmem>> -> memref<1x128x128xbf16, #tpu.memory_space<vmem>>
        %dma_start3A_923 = tpu.memref_squeeze %dma_start3A_922 : memref<1x128x128xbf16, #tpu.memory_space<vmem>> -> memref<128x128xbf16, #tpu.memory_space<vmem>>
        %dma_start3A_924 = arith.constant 0 : i32
        %dma_start3A_925 = tpu.memref_slice %arg10[%add3A_568, %dma_start3A_924] : memref<80x128xi32, #tpu.memory_space<vmem>> -> memref<1x128xi32, #tpu.memory_space<vmem>>
        %dma_start3A_926 = tpu.memref_squeeze %dma_start3A_925 : memref<1x128xi32, #tpu.memory_space<vmem>> -> memref<128xi32, #tpu.memory_space<vmem>>
        %dma_start3A_927 = arith.constant 0 : i32
        %dma_start3A_928 = arith.constant 0 : i32
        %dma_start3A_929 = tpu.memref_slice %arg14[%dma_start3A_927, %dma_start3A_928] : memref<10240x128xbf16, #tpu.memory_space<vmem_shared>> -> memref<10240x128xbf16, #tpu.memory_space<vmem_shared>>
        tpu.enqueue_indirect_dma source(%dma_start3A_923 : memref<128x128xbf16, #tpu.memory_space<vmem>>) target(%dma_start3A_929 : memref<10240x128xbf16, #tpu.memory_space<vmem_shared>>) offsets(%dma_start3A_926 : memref<128xi32, #tpu.memory_space<vmem>>) semaphore(%run_scoped3A_919 : memref<!tpu.dma_semaphore, #tpu.memory_space<semaphore_mem>>) {add = true}
        %dma_wait3A_930 = arith.constant 0 : i32
        %dma_wait3A_931 = arith.constant 0 : i32
        %dma_wait3A_932 = tpu.memref_slice %arg12[%run_scoped3A_581, %dma_wait3A_930, %dma_wait3A_931] : memref<4x128x128xbf16, #tpu.memory_space<vmem>> -> memref<1x128x128xbf16, #tpu.memory_space<vmem>>
        %dma_wait3A_933 = tpu.memref_squeeze %dma_wait3A_932 : memref<1x128x128xbf16, #tpu.memory_space<vmem>> -> memref<128x128xbf16, #tpu.memory_space<vmem>>
        %dma_wait3A_934 = arith.constant 0 : i32
        %dma_wait3A_935 = tpu.memref_slice %arg10[%add3A_568, %dma_wait3A_934] : memref<80x128xi32, #tpu.memory_space<vmem>> -> memref<1x128xi32, #tpu.memory_space<vmem>>
        %dma_wait3A_936 = tpu.memref_squeeze %dma_wait3A_935 : memref<1x128xi32, #tpu.memory_space<vmem>> -> memref<128xi32, #tpu.memory_space<vmem>>
        %dma_wait3A_937 = arith.constant 0 : i32
        %dma_wait3A_938 = arith.constant 0 : i32
        %dma_wait3A_939 = tpu.memref_slice %arg14[%dma_wait3A_937, %dma_wait3A_938] : memref<10240x128xbf16, #tpu.memory_space<vmem_shared>> -> memref<10240x128xbf16, #tpu.memory_space<vmem_shared>>
        tpu.wait_indirect_dma semaphore(%run_scoped3A_919 : memref<!tpu.dma_semaphore, #tpu.memory_space<semaphore_mem>>) src(%dma_wait3A_933 : memref<128x128xbf16, #tpu.memory_space<vmem>>) dst(%dma_wait3A_939 : memref<10240x128xbf16, #tpu.memory_space<vmem_shared>>)
        tpu.yield
      }) : () -> ()
      "tpu.region"() ({
        %run_scoped3A_919 = tpu.sem_alloc : memref<!tpu.dma_semaphore, #tpu.memory_space<semaphore_mem>>
        %dma_start3A_920 = arith.constant 0 : i32
        %dma_start3A_921 = tpu.memref_slice %arg10[%add3A_568, %dma_start3A_920] : memref<80x128xi32, #tpu.memory_space<vmem>> -> memref<1x128xi32, #tpu.memory_space<vmem>>
        %dma_start3A_922 = tpu.memref_squeeze %dma_start3A_921 : memref<1x128xi32, #tpu.memory_space<vmem>> -> memref<128xi32, #tpu.memory_space<vmem>>
        %dma_start3A_923 = arith.constant 0 : i32
        %dma_start3A_924 = tpu.memref_slice %arg15[%dma_start3A_923] : memref<10240xf32, #tpu.memory_space<vmem_shared>> -> memref<10240xf32, #tpu.memory_space<vmem_shared>>
        tpu.enqueue_indirect_dma source(%arg13 : memref<128xf32, #tpu.memory_space<vmem>>) target(%dma_start3A_924 : memref<10240xf32, #tpu.memory_space<vmem_shared>>) offsets(%dma_start3A_922 : memref<128xi32, #tpu.memory_space<vmem>>) semaphore(%run_scoped3A_919 : memref<!tpu.dma_semaphore, #tpu.memory_space<semaphore_mem>>) {add = true}
        %dma_wait3A_925 = arith.constant 0 : i32
        %dma_wait3A_926 = tpu.memref_slice %arg10[%add3A_568, %dma_wait3A_925] : memref<80x128xi32, #tpu.memory_space<vmem>> -> memref<1x128xi32, #tpu.memory_space<vmem>>
        %dma_wait3A_927 = tpu.memref_squeeze %dma_wait3A_926 : memref<1x128xi32, #tpu.memory_space<vmem>> -> memref<128xi32, #tpu.memory_space<vmem>>
        %dma_wait3A_928 = arith.constant 0 : i32
        %dma_wait3A_929 = tpu.memref_slice %arg15[%dma_wait3A_928] : memref<10240xf32, #tpu.memory_space<vmem_shared>> -> memref<10240xf32, #tpu.memory_space<vmem_shared>>
        tpu.wait_indirect_dma semaphore(%run_scoped3A_919 : memref<!tpu.dma_semaphore, #tpu.memory_space<semaphore_mem>>) src(%arg13 : memref<128xf32, #tpu.memory_space<vmem>>) dst(%dma_wait3A_929 : memref<10240xf32, #tpu.memory_space<vmem_shared>>)
        tpu.yield
      }) : () -> ()
      %add3A_582 = arith.constant 4 : i32
      %add3A_583 = arith.addi %add3A_568, %add3A_582 : i32
      %dma_wait3A_584 = arith.constant 6 : i32
      %dma_wait3A_585 = arith.constant 0 : i32
      %dma_wait3A_586 = tpu.memref_slice %arg11[%dma_wait3A_584, %dma_wait3A_585] : memref<8x128xi32, #tpu.memory_space<vmem>> -> memref<1x128xi32, #tpu.memory_space<vmem>>
      %dma_wait3A_587 = tpu.memref_squeeze %dma_wait3A_586 : memref<1x128xi32, #tpu.memory_space<vmem>> -> memref<128xi32, #tpu.memory_space<vmem>>
      %dma_wait3A_588 = arith.constant 0 : i32
      %dma_wait3A_589 = tpu.memref_slice %arg3[%add3A, %add3A_583, %dma_wait3A_588] : memref<32x80x128xi32, #tpu.memory_space<hbm>> -> memref<1x1x128xi32, #tpu.memory_space<hbm>>
      %dma_wait3A_590 = tpu.memref_squeeze %dma_wait3A_589 : memref<1x1x128xi32, #tpu.memory_space<hbm>> -> memref<128xi32, #tpu.memory_space<hbm>>
      %dma_wait3A_591 = arith.constant 0 : i32
      %dma_wait3A_592 = tpu.memref_slice %arg11[%dma_wait3A_584, %dma_wait3A_591] : memref<8x128xi32, #tpu.memory_space<vmem>> -> memref<1x128xi32, #tpu.memory_space<vmem>>
      %dma_wait3A_593 = tpu.memref_squeeze %dma_wait3A_592 : memref<1x128xi32, #tpu.memory_space<vmem>> -> memref<128xi32, #tpu.memory_space<vmem>>
      %dma_wait3A_594 = arith.constant 0 : i32
      %dma_wait3A_595 = tpu.memref_slice %arg3[%add3A, %add3A_583, %dma_wait3A_594] : memref<32x80x128xi32, #tpu.memory_space<hbm>> -> memref<1x1x128xi32, #tpu.memory_space<hbm>>
      %dma_wait3A_596 = tpu.memref_squeeze %dma_wait3A_595 : memref<1x1x128xi32, #tpu.memory_space<hbm>> -> memref<128xi32, #tpu.memory_space<hbm>>
      tpu.wait_dma2 semaphore(%arg26 : memref<!tpu.dma_semaphore, #tpu.memory_space<semaphore_mem>>) src(%dma_wait3A_596 : memref<128xi32, #tpu.memory_space<hbm>>) dst(%dma_wait3A_593 : memref<128xi32, #tpu.memory_space<vmem>>)
      %dma_start3A_597 = arith.constant 6 : i32
      %dma_start3A_598 = arith.constant 2 : i32
      %dma_start3A_599 = arith.constant 0 : i32
      %dma_start3A_600 = arith.constant 0 : i32
      %dma_start3A_601 = tpu.memref_slice %arg12[%dma_start3A_598, %dma_start3A_599, %dma_start3A_600] : memref<4x128x128xbf16, #tpu.memory_space<vmem>> -> memref<1x128x128xbf16, #tpu.memory_space<vmem>>
      %dma_start3A_602 = tpu.memref_squeeze %dma_start3A_601 : memref<1x128x128xbf16, #tpu.memory_space<vmem>> -> memref<128x128xbf16, #tpu.memory_space<vmem>>
      %dma_start3A_603 = arith.constant 0 : i32
      %dma_start3A_604 = tpu.memref_slice %arg11[%dma_start3A_597, %dma_start3A_603] : memref<8x128xi32, #tpu.memory_space<vmem>> -> memref<1x128xi32, #tpu.memory_space<vmem>>
      %dma_start3A_605 = tpu.memref_squeeze %dma_start3A_604 : memref<1x128xi32, #tpu.memory_space<vmem>> -> memref<128xi32, #tpu.memory_space<vmem>>
      %dma_start3A_606 = arith.constant 0 : i32
      %dma_start3A_607 = arith.constant 0 : i32
      %dma_start3A_608 = tpu.memref_slice %arg2[%dma_start3A_606, %dma_start3A_607] : memref<10000x128xbf16, #tpu.memory_space<hbm>> -> memref<10000x128xbf16, #tpu.memory_space<hbm>>
      tpu.enqueue_indirect_dma source(%dma_start3A_608 : memref<10000x128xbf16, #tpu.memory_space<hbm>>) target(%dma_start3A_602 : memref<128x128xbf16, #tpu.memory_space<vmem>>) offsets(%dma_start3A_605 : memref<128xi32, #tpu.memory_space<vmem>>) semaphore(%arg18 : memref<!tpu.dma_semaphore, #tpu.memory_space<semaphore_mem>>)
      %add3A_609 = arith.constant 8 : i32
      %add3A_610 = arith.addi %add3A_568, %add3A_609 : i32
      %dma_start3A_611 = arith.constant 2 : i32
      %dma_start3A_612 = arith.constant 0 : i32
      %dma_start3A_613 = tpu.memref_slice %arg11[%dma_start3A_611, %dma_start3A_612] : memref<8x128xi32, #tpu.memory_space<vmem>> -> memref<1x128xi32, #tpu.memory_space<vmem>>
      %dma_start3A_614 = tpu.memref_squeeze %dma_start3A_613 : memref<1x128xi32, #tpu.memory_space<vmem>> -> memref<128xi32, #tpu.memory_space<vmem>>
      %dma_start3A_615 = arith.constant 0 : i32
      %dma_start3A_616 = tpu.memref_slice %arg3[%add3A, %add3A_610, %dma_start3A_615] : memref<32x80x128xi32, #tpu.memory_space<hbm>> -> memref<1x1x128xi32, #tpu.memory_space<hbm>>
      %dma_start3A_617 = tpu.memref_squeeze %dma_start3A_616 : memref<1x1x128xi32, #tpu.memory_space<hbm>> -> memref<128xi32, #tpu.memory_space<hbm>>
      %dma_start3A_618 = arith.constant 0 : i32
      %dma_start3A_619 = tpu.memref_slice %arg11[%dma_start3A_611, %dma_start3A_618] : memref<8x128xi32, #tpu.memory_space<vmem>> -> memref<1x128xi32, #tpu.memory_space<vmem>>
      %dma_start3A_620 = tpu.memref_squeeze %dma_start3A_619 : memref<1x128xi32, #tpu.memory_space<vmem>> -> memref<128xi32, #tpu.memory_space<vmem>>
      %dma_start3A_621 = arith.constant 0 : i32
      %dma_start3A_622 = tpu.memref_slice %arg3[%add3A, %add3A_610, %dma_start3A_621] : memref<32x80x128xi32, #tpu.memory_space<hbm>> -> memref<1x1x128xi32, #tpu.memory_space<hbm>>
      %dma_start3A_623 = tpu.memref_squeeze %dma_start3A_622 : memref<1x1x128xi32, #tpu.memory_space<hbm>> -> memref<128xi32, #tpu.memory_space<hbm>>
      tpu.enqueue_dma source(%dma_start3A_623 : memref<128xi32, #tpu.memory_space<hbm>>) target(%dma_start3A_620 : memref<128xi32, #tpu.memory_space<vmem>>) target_semaphore(%arg22 : memref<!tpu.dma_semaphore, #tpu.memory_space<semaphore_mem>>)
      %mul3A_624 = arith.constant 8 : i32
      %mul3A_625 = arith.muli %scan3A_446, %mul3A_624 : i32
      %add3A_626 = arith.constant 3 : i32
      %add3A_627 = arith.addi %mul3A_625, %add3A_626 : i32
      %dma_wait3A_628 = arith.constant 3 : i32
      %dma_wait3A_629 = arith.constant 3 : i32
      %dma_wait3A_630 = arith.constant 0 : i32
      %dma_wait3A_631 = arith.constant 0 : i32
      %dma_wait3A_632 = tpu.memref_slice %arg12[%dma_wait3A_629, %dma_wait3A_630, %dma_wait3A_631] : memref<4x128x128xbf16, #tpu.memory_space<vmem>> -> memref<1x128x128xbf16, #tpu.memory_space<vmem>>
      %dma_wait3A_633 = tpu.memref_squeeze %dma_wait3A_632 : memref<1x128x128xbf16, #tpu.memory_space<vmem>> -> memref<128x128xbf16, #tpu.memory_space<vmem>>
      %dma_wait3A_634 = arith.constant 0 : i32
      %dma_wait3A_635 = tpu.memref_slice %arg11[%dma_wait3A_628, %dma_wait3A_634] : memref<8x128xi32, #tpu.memory_space<vmem>> -> memref<1x128xi32, #tpu.memory_space<vmem>>
      %dma_wait3A_636 = tpu.memref_squeeze %dma_wait3A_635 : memref<1x128xi32, #tpu.memory_space<vmem>> -> memref<128xi32, #tpu.memory_space<vmem>>
      %dma_wait3A_637 = arith.constant 0 : i32
      %dma_wait3A_638 = arith.constant 0 : i32
      %dma_wait3A_639 = tpu.memref_slice %arg2[%dma_wait3A_637, %dma_wait3A_638] : memref<10000x128xbf16, #tpu.memory_space<hbm>> -> memref<10000x128xbf16, #tpu.memory_space<hbm>>
      tpu.wait_indirect_dma semaphore(%arg19 : memref<!tpu.dma_semaphore, #tpu.memory_space<semaphore_mem>>) src(%dma_wait3A_639 : memref<10000x128xbf16, #tpu.memory_space<hbm>>) dst(%dma_wait3A_633 : memref<128x128xbf16, #tpu.memory_space<vmem>>)
      %run_scoped3A_640 = arith.constant 3 : i32
      "tpu.region"() ({
        %run_scoped3A_919 = tpu.sem_alloc : memref<!tpu.dma_semaphore, #tpu.memory_space<semaphore_mem>>
        %dma_start3A_920 = arith.constant 0 : i32
        %dma_start3A_921 = arith.constant 0 : i32
        %dma_start3A_922 = tpu.memref_slice %arg12[%run_scoped3A_640, %dma_start3A_920, %dma_start3A_921] : memref<4x128x128xbf16, #tpu.memory_space<vmem>> -> memref<1x128x128xbf16, #tpu.memory_space<vmem>>
        %dma_start3A_923 = tpu.memref_squeeze %dma_start3A_922 : memref<1x128x128xbf16, #tpu.memory_space<vmem>> -> memref<128x128xbf16, #tpu.memory_space<vmem>>
        %dma_start3A_924 = arith.constant 0 : i32
        %dma_start3A_925 = tpu.memref_slice %arg10[%add3A_627, %dma_start3A_924] : memref<80x128xi32, #tpu.memory_space<vmem>> -> memref<1x128xi32, #tpu.memory_space<vmem>>
        %dma_start3A_926 = tpu.memref_squeeze %dma_start3A_925 : memref<1x128xi32, #tpu.memory_space<vmem>> -> memref<128xi32, #tpu.memory_space<vmem>>
        %dma_start3A_927 = arith.constant 0 : i32
        %dma_start3A_928 = arith.constant 0 : i32
        %dma_start3A_929 = tpu.memref_slice %arg14[%dma_start3A_927, %dma_start3A_928] : memref<10240x128xbf16, #tpu.memory_space<vmem_shared>> -> memref<10240x128xbf16, #tpu.memory_space<vmem_shared>>
        tpu.enqueue_indirect_dma source(%dma_start3A_923 : memref<128x128xbf16, #tpu.memory_space<vmem>>) target(%dma_start3A_929 : memref<10240x128xbf16, #tpu.memory_space<vmem_shared>>) offsets(%dma_start3A_926 : memref<128xi32, #tpu.memory_space<vmem>>) semaphore(%run_scoped3A_919 : memref<!tpu.dma_semaphore, #tpu.memory_space<semaphore_mem>>) {add = true}
        %dma_wait3A_930 = arith.constant 0 : i32
        %dma_wait3A_931 = arith.constant 0 : i32
        %dma_wait3A_932 = tpu.memref_slice %arg12[%run_scoped3A_640, %dma_wait3A_930, %dma_wait3A_931] : memref<4x128x128xbf16, #tpu.memory_space<vmem>> -> memref<1x128x128xbf16, #tpu.memory_space<vmem>>
        %dma_wait3A_933 = tpu.memref_squeeze %dma_wait3A_932 : memref<1x128x128xbf16, #tpu.memory_space<vmem>> -> memref<128x128xbf16, #tpu.memory_space<vmem>>
        %dma_wait3A_934 = arith.constant 0 : i32
        %dma_wait3A_935 = tpu.memref_slice %arg10[%add3A_627, %dma_wait3A_934] : memref<80x128xi32, #tpu.memory_space<vmem>> -> memref<1x128xi32, #tpu.memory_space<vmem>>
        %dma_wait3A_936 = tpu.memref_squeeze %dma_wait3A_935 : memref<1x128xi32, #tpu.memory_space<vmem>> -> memref<128xi32, #tpu.memory_space<vmem>>
        %dma_wait3A_937 = arith.constant 0 : i32
        %dma_wait3A_938 = arith.constant 0 : i32
        %dma_wait3A_939 = tpu.memref_slice %arg14[%dma_wait3A_937, %dma_wait3A_938] : memref<10240x128xbf16, #tpu.memory_space<vmem_shared>> -> memref<10240x128xbf16, #tpu.memory_space<vmem_shared>>
        tpu.wait_indirect_dma semaphore(%run_scoped3A_919 : memref<!tpu.dma_semaphore, #tpu.memory_space<semaphore_mem>>) src(%dma_wait3A_933 : memref<128x128xbf16, #tpu.memory_space<vmem>>) dst(%dma_wait3A_939 : memref<10240x128xbf16, #tpu.memory_space<vmem_shared>>)
        tpu.yield
      }) : () -> ()
      "tpu.region"() ({
        %run_scoped3A_919 = tpu.sem_alloc : memref<!tpu.dma_semaphore, #tpu.memory_space<semaphore_mem>>
        %dma_start3A_920 = arith.constant 0 : i32
        %dma_start3A_921 = tpu.memref_slice %arg10[%add3A_627, %dma_start3A_920] : memref<80x128xi32, #tpu.memory_space<vmem>> -> memref<1x128xi32, #tpu.memory_space<vmem>>
        %dma_start3A_922 = tpu.memref_squeeze %dma_start3A_921 : memref<1x128xi32, #tpu.memory_space<vmem>> -> memref<128xi32, #tpu.memory_space<vmem>>
        %dma_start3A_923 = arith.constant 0 : i32
        %dma_start3A_924 = tpu.memref_slice %arg15[%dma_start3A_923] : memref<10240xf32, #tpu.memory_space<vmem_shared>> -> memref<10240xf32, #tpu.memory_space<vmem_shared>>
        tpu.enqueue_indirect_dma source(%arg13 : memref<128xf32, #tpu.memory_space<vmem>>) target(%dma_start3A_924 : memref<10240xf32, #tpu.memory_space<vmem_shared>>) offsets(%dma_start3A_922 : memref<128xi32, #tpu.memory_space<vmem>>) semaphore(%run_scoped3A_919 : memref<!tpu.dma_semaphore, #tpu.memory_space<semaphore_mem>>) {add = true}
        %dma_wait3A_925 = arith.constant 0 : i32
        %dma_wait3A_926 = tpu.memref_slice %arg10[%add3A_627, %dma_wait3A_925] : memref<80x128xi32, #tpu.memory_space<vmem>> -> memref<1x128xi32, #tpu.memory_space<vmem>>
        %dma_wait3A_927 = tpu.memref_squeeze %dma_wait3A_926 : memref<1x128xi32, #tpu.memory_space<vmem>> -> memref<128xi32, #tpu.memory_space<vmem>>
        %dma_wait3A_928 = arith.constant 0 : i32
        %dma_wait3A_929 = tpu.memref_slice %arg15[%dma_wait3A_928] : memref<10240xf32, #tpu.memory_space<vmem_shared>> -> memref<10240xf32, #tpu.memory_space<vmem_shared>>
        tpu.wait_indirect_dma semaphore(%run_scoped3A_919 : memref<!tpu.dma_semaphore, #tpu.memory_space<semaphore_mem>>) src(%arg13 : memref<128xf32, #tpu.memory_space<vmem>>) dst(%dma_wait3A_929 : memref<10240xf32, #tpu.memory_space<vmem_shared>>)
        tpu.yield
      }) : () -> ()
      %add3A_641 = arith.constant 4 : i32
      %add3A_642 = arith.addi %add3A_627, %add3A_641 : i32
      %dma_wait3A_643 = arith.constant 7 : i32
      %dma_wait3A_644 = arith.constant 0 : i32
      %dma_wait3A_645 = tpu.memref_slice %arg11[%dma_wait3A_643, %dma_wait3A_644] : memref<8x128xi32, #tpu.memory_space<vmem>> -> memref<1x128xi32, #tpu.memory_space<vmem>>
      %dma_wait3A_646 = tpu.memref_squeeze %dma_wait3A_645 : memref<1x128xi32, #tpu.memory_space<vmem>> -> memref<128xi32, #tpu.memory_space<vmem>>
      %dma_wait3A_647 = arith.constant 0 : i32
      %dma_wait3A_648 = tpu.memref_slice %arg3[%add3A, %add3A_642, %dma_wait3A_647] : memref<32x80x128xi32, #tpu.memory_space<hbm>> -> memref<1x1x128xi32, #tpu.memory_space<hbm>>
      %dma_wait3A_649 = tpu.memref_squeeze %dma_wait3A_648 : memref<1x1x128xi32, #tpu.memory_space<hbm>> -> memref<128xi32, #tpu.memory_space<hbm>>
      %dma_wait3A_650 = arith.constant 0 : i32
      %dma_wait3A_651 = tpu.memref_slice %arg11[%dma_wait3A_643, %dma_wait3A_650] : memref<8x128xi32, #tpu.memory_space<vmem>> -> memref<1x128xi32, #tpu.memory_space<vmem>>
      %dma_wait3A_652 = tpu.memref_squeeze %dma_wait3A_651 : memref<1x128xi32, #tpu.memory_space<vmem>> -> memref<128xi32, #tpu.memory_space<vmem>>
      %dma_wait3A_653 = arith.constant 0 : i32
      %dma_wait3A_654 = tpu.memref_slice %arg3[%add3A, %add3A_642, %dma_wait3A_653] : memref<32x80x128xi32, #tpu.memory_space<hbm>> -> memref<1x1x128xi32, #tpu.memory_space<hbm>>
      %dma_wait3A_655 = tpu.memref_squeeze %dma_wait3A_654 : memref<1x1x128xi32, #tpu.memory_space<hbm>> -> memref<128xi32, #tpu.memory_space<hbm>>
      tpu.wait_dma2 semaphore(%arg27 : memref<!tpu.dma_semaphore, #tpu.memory_space<semaphore_mem>>) src(%dma_wait3A_655 : memref<128xi32, #tpu.memory_space<hbm>>) dst(%dma_wait3A_652 : memref<128xi32, #tpu.memory_space<vmem>>)
      %dma_start3A_656 = arith.constant 7 : i32
      %dma_start3A_657 = arith.constant 3 : i32
      %dma_start3A_658 = arith.constant 0 : i32
      %dma_start3A_659 = arith.constant 0 : i32
      %dma_start3A_660 = tpu.memref_slice %arg12[%dma_start3A_657, %dma_start3A_658, %dma_start3A_659] : memref<4x128x128xbf16, #tpu.memory_space<vmem>> -> memref<1x128x128xbf16, #tpu.memory_space<vmem>>
      %dma_start3A_661 = tpu.memref_squeeze %dma_start3A_660 : memref<1x128x128xbf16, #tpu.memory_space<vmem>> -> memref<128x128xbf16, #tpu.memory_space<vmem>>
      %dma_start3A_662 = arith.constant 0 : i32
      %dma_start3A_663 = tpu.memref_slice %arg11[%dma_start3A_656, %dma_start3A_662] : memref<8x128xi32, #tpu.memory_space<vmem>> -> memref<1x128xi32, #tpu.memory_space<vmem>>
      %dma_start3A_664 = tpu.memref_squeeze %dma_start3A_663 : memref<1x128xi32, #tpu.memory_space<vmem>> -> memref<128xi32, #tpu.memory_space<vmem>>
      %dma_start3A_665 = arith.constant 0 : i32
      %dma_start3A_666 = arith.constant 0 : i32
      %dma_start3A_667 = tpu.memref_slice %arg2[%dma_start3A_665, %dma_start3A_666] : memref<10000x128xbf16, #tpu.memory_space<hbm>> -> memref<10000x128xbf16, #tpu.memory_space<hbm>>
      tpu.enqueue_indirect_dma source(%dma_start3A_667 : memref<10000x128xbf16, #tpu.memory_space<hbm>>) target(%dma_start3A_661 : memref<128x128xbf16, #tpu.memory_space<vmem>>) offsets(%dma_start3A_664 : memref<128xi32, #tpu.memory_space<vmem>>) semaphore(%arg19 : memref<!tpu.dma_semaphore, #tpu.memory_space<semaphore_mem>>)
      %add3A_668 = arith.constant 8 : i32
      %add3A_669 = arith.addi %add3A_627, %add3A_668 : i32
      %dma_start3A_670 = arith.constant 3 : i32
      %dma_start3A_671 = arith.constant 0 : i32
      %dma_start3A_672 = tpu.memref_slice %arg11[%dma_start3A_670, %dma_start3A_671] : memref<8x128xi32, #tpu.memory_space<vmem>> -> memref<1x128xi32, #tpu.memory_space<vmem>>
      %dma_start3A_673 = tpu.memref_squeeze %dma_start3A_672 : memref<1x128xi32, #tpu.memory_space<vmem>> -> memref<128xi32, #tpu.memory_space<vmem>>
      %dma_start3A_674 = arith.constant 0 : i32
      %dma_start3A_675 = tpu.memref_slice %arg3[%add3A, %add3A_669, %dma_start3A_674] : memref<32x80x128xi32, #tpu.memory_space<hbm>> -> memref<1x1x128xi32, #tpu.memory_space<hbm>>
      %dma_start3A_676 = tpu.memref_squeeze %dma_start3A_675 : memref<1x1x128xi32, #tpu.memory_space<hbm>> -> memref<128xi32, #tpu.memory_space<hbm>>
      %dma_start3A_677 = arith.constant 0 : i32
      %dma_start3A_678 = tpu.memref_slice %arg11[%dma_start3A_670, %dma_start3A_677] : memref<8x128xi32, #tpu.memory_space<vmem>> -> memref<1x128xi32, #tpu.memory_space<vmem>>
      %dma_start3A_679 = tpu.memref_squeeze %dma_start3A_678 : memref<1x128xi32, #tpu.memory_space<vmem>> -> memref<128xi32, #tpu.memory_space<vmem>>
      %dma_start3A_680 = arith.constant 0 : i32
      %dma_start3A_681 = tpu.memref_slice %arg3[%add3A, %add3A_669, %dma_start3A_680] : memref<32x80x128xi32, #tpu.memory_space<hbm>> -> memref<1x1x128xi32, #tpu.memory_space<hbm>>
      %dma_start3A_682 = tpu.memref_squeeze %dma_start3A_681 : memref<1x1x128xi32, #tpu.memory_space<hbm>> -> memref<128xi32, #tpu.memory_space<hbm>>
      tpu.enqueue_dma source(%dma_start3A_682 : memref<128xi32, #tpu.memory_space<hbm>>) target(%dma_start3A_679 : memref<128xi32, #tpu.memory_space<vmem>>) target_semaphore(%arg23 : memref<!tpu.dma_semaphore, #tpu.memory_space<semaphore_mem>>)
      %mul3A_683 = arith.constant 8 : i32
      %mul3A_684 = arith.muli %scan3A_446, %mul3A_683 : i32
      %add3A_685 = arith.constant 4 : i32
      %add3A_686 = arith.addi %mul3A_684, %add3A_685 : i32
      %dma_wait3A_687 = arith.constant 4 : i32
      %dma_wait3A_688 = arith.constant 0 : i32
      %dma_wait3A_689 = arith.constant 0 : i32
      %dma_wait3A_690 = arith.constant 0 : i32
      %dma_wait3A_691 = tpu.memref_slice %arg12[%dma_wait3A_688, %dma_wait3A_689, %dma_wait3A_690] : memref<4x128x128xbf16, #tpu.memory_space<vmem>> -> memref<1x128x128xbf16, #tpu.memory_space<vmem>>
      %dma_wait3A_692 = tpu.memref_squeeze %dma_wait3A_691 : memref<1x128x128xbf16, #tpu.memory_space<vmem>> -> memref<128x128xbf16, #tpu.memory_space<vmem>>
      %dma_wait3A_693 = arith.constant 0 : i32
      %dma_wait3A_694 = tpu.memref_slice %arg11[%dma_wait3A_687, %dma_wait3A_693] : memref<8x128xi32, #tpu.memory_space<vmem>> -> memref<1x128xi32, #tpu.memory_space<vmem>>
      %dma_wait3A_695 = tpu.memref_squeeze %dma_wait3A_694 : memref<1x128xi32, #tpu.memory_space<vmem>> -> memref<128xi32, #tpu.memory_space<vmem>>
      %dma_wait3A_696 = arith.constant 0 : i32
      %dma_wait3A_697 = arith.constant 0 : i32
      %dma_wait3A_698 = tpu.memref_slice %arg2[%dma_wait3A_696, %dma_wait3A_697] : memref<10000x128xbf16, #tpu.memory_space<hbm>> -> memref<10000x128xbf16, #tpu.memory_space<hbm>>
      tpu.wait_indirect_dma semaphore(%arg16 : memref<!tpu.dma_semaphore, #tpu.memory_space<semaphore_mem>>) src(%dma_wait3A_698 : memref<10000x128xbf16, #tpu.memory_space<hbm>>) dst(%dma_wait3A_692 : memref<128x128xbf16, #tpu.memory_space<vmem>>)
      %run_scoped3A_699 = arith.constant 0 : i32
      "tpu.region"() ({
        %run_scoped3A_919 = tpu.sem_alloc : memref<!tpu.dma_semaphore, #tpu.memory_space<semaphore_mem>>
        %dma_start3A_920 = arith.constant 0 : i32
        %dma_start3A_921 = arith.constant 0 : i32
        %dma_start3A_922 = tpu.memref_slice %arg12[%run_scoped3A_699, %dma_start3A_920, %dma_start3A_921] : memref<4x128x128xbf16, #tpu.memory_space<vmem>> -> memref<1x128x128xbf16, #tpu.memory_space<vmem>>
        %dma_start3A_923 = tpu.memref_squeeze %dma_start3A_922 : memref<1x128x128xbf16, #tpu.memory_space<vmem>> -> memref<128x128xbf16, #tpu.memory_space<vmem>>
        %dma_start3A_924 = arith.constant 0 : i32
        %dma_start3A_925 = tpu.memref_slice %arg10[%add3A_686, %dma_start3A_924] : memref<80x128xi32, #tpu.memory_space<vmem>> -> memref<1x128xi32, #tpu.memory_space<vmem>>
        %dma_start3A_926 = tpu.memref_squeeze %dma_start3A_925 : memref<1x128xi32, #tpu.memory_space<vmem>> -> memref<128xi32, #tpu.memory_space<vmem>>
        %dma_start3A_927 = arith.constant 0 : i32
        %dma_start3A_928 = arith.constant 0 : i32
        %dma_start3A_929 = tpu.memref_slice %arg14[%dma_start3A_927, %dma_start3A_928] : memref<10240x128xbf16, #tpu.memory_space<vmem_shared>> -> memref<10240x128xbf16, #tpu.memory_space<vmem_shared>>
        tpu.enqueue_indirect_dma source(%dma_start3A_923 : memref<128x128xbf16, #tpu.memory_space<vmem>>) target(%dma_start3A_929 : memref<10240x128xbf16, #tpu.memory_space<vmem_shared>>) offsets(%dma_start3A_926 : memref<128xi32, #tpu.memory_space<vmem>>) semaphore(%run_scoped3A_919 : memref<!tpu.dma_semaphore, #tpu.memory_space<semaphore_mem>>) {add = true}
        %dma_wait3A_930 = arith.constant 0 : i32
        %dma_wait3A_931 = arith.constant 0 : i32
        %dma_wait3A_932 = tpu.memref_slice %arg12[%run_scoped3A_699, %dma_wait3A_930, %dma_wait3A_931] : memref<4x128x128xbf16, #tpu.memory_space<vmem>> -> memref<1x128x128xbf16, #tpu.memory_space<vmem>>
        %dma_wait3A_933 = tpu.memref_squeeze %dma_wait3A_932 : memref<1x128x128xbf16, #tpu.memory_space<vmem>> -> memref<128x128xbf16, #tpu.memory_space<vmem>>
        %dma_wait3A_934 = arith.constant 0 : i32
        %dma_wait3A_935 = tpu.memref_slice %arg10[%add3A_686, %dma_wait3A_934] : memref<80x128xi32, #tpu.memory_space<vmem>> -> memref<1x128xi32, #tpu.memory_space<vmem>>
        %dma_wait3A_936 = tpu.memref_squeeze %dma_wait3A_935 : memref<1x128xi32, #tpu.memory_space<vmem>> -> memref<128xi32, #tpu.memory_space<vmem>>
        %dma_wait3A_937 = arith.constant 0 : i32
        %dma_wait3A_938 = arith.constant 0 : i32
        %dma_wait3A_939 = tpu.memref_slice %arg14[%dma_wait3A_937, %dma_wait3A_938] : memref<10240x128xbf16, #tpu.memory_space<vmem_shared>> -> memref<10240x128xbf16, #tpu.memory_space<vmem_shared>>
        tpu.wait_indirect_dma semaphore(%run_scoped3A_919 : memref<!tpu.dma_semaphore, #tpu.memory_space<semaphore_mem>>) src(%dma_wait3A_933 : memref<128x128xbf16, #tpu.memory_space<vmem>>) dst(%dma_wait3A_939 : memref<10240x128xbf16, #tpu.memory_space<vmem_shared>>)
        tpu.yield
      }) : () -> ()
      "tpu.region"() ({
        %run_scoped3A_919 = tpu.sem_alloc : memref<!tpu.dma_semaphore, #tpu.memory_space<semaphore_mem>>
        %dma_start3A_920 = arith.constant 0 : i32
        %dma_start3A_921 = tpu.memref_slice %arg10[%add3A_686, %dma_start3A_920] : memref<80x128xi32, #tpu.memory_space<vmem>> -> memref<1x128xi32, #tpu.memory_space<vmem>>
        %dma_start3A_922 = tpu.memref_squeeze %dma_start3A_921 : memref<1x128xi32, #tpu.memory_space<vmem>> -> memref<128xi32, #tpu.memory_space<vmem>>
        %dma_start3A_923 = arith.constant 0 : i32
        %dma_start3A_924 = tpu.memref_slice %arg15[%dma_start3A_923] : memref<10240xf32, #tpu.memory_space<vmem_shared>> -> memref<10240xf32, #tpu.memory_space<vmem_shared>>
        tpu.enqueue_indirect_dma source(%arg13 : memref<128xf32, #tpu.memory_space<vmem>>) target(%dma_start3A_924 : memref<10240xf32, #tpu.memory_space<vmem_shared>>) offsets(%dma_start3A_922 : memref<128xi32, #tpu.memory_space<vmem>>) semaphore(%run_scoped3A_919 : memref<!tpu.dma_semaphore, #tpu.memory_space<semaphore_mem>>) {add = true}
        %dma_wait3A_925 = arith.constant 0 : i32
        %dma_wait3A_926 = tpu.memref_slice %arg10[%add3A_686, %dma_wait3A_925] : memref<80x128xi32, #tpu.memory_space<vmem>> -> memref<1x128xi32, #tpu.memory_space<vmem>>
        %dma_wait3A_927 = tpu.memref_squeeze %dma_wait3A_926 : memref<1x128xi32, #tpu.memory_space<vmem>> -> memref<128xi32, #tpu.memory_space<vmem>>
        %dma_wait3A_928 = arith.constant 0 : i32
        %dma_wait3A_929 = tpu.memref_slice %arg15[%dma_wait3A_928] : memref<10240xf32, #tpu.memory_space<vmem_shared>> -> memref<10240xf32, #tpu.memory_space<vmem_shared>>
        tpu.wait_indirect_dma semaphore(%run_scoped3A_919 : memref<!tpu.dma_semaphore, #tpu.memory_space<semaphore_mem>>) src(%arg13 : memref<128xf32, #tpu.memory_space<vmem>>) dst(%dma_wait3A_929 : memref<10240xf32, #tpu.memory_space<vmem_shared>>)
        tpu.yield
      }) : () -> ()
      %add3A_700 = arith.constant 4 : i32
      %add3A_701 = arith.addi %add3A_686, %add3A_700 : i32
      %dma_wait3A_702 = arith.constant 0 : i32
      %dma_wait3A_703 = arith.constant 0 : i32
      %dma_wait3A_704 = tpu.memref_slice %arg11[%dma_wait3A_702, %dma_wait3A_703] : memref<8x128xi32, #tpu.memory_space<vmem>> -> memref<1x128xi32, #tpu.memory_space<vmem>>
      %dma_wait3A_705 = tpu.memref_squeeze %dma_wait3A_704 : memref<1x128xi32, #tpu.memory_space<vmem>> -> memref<128xi32, #tpu.memory_space<vmem>>
      %dma_wait3A_706 = arith.constant 0 : i32
      %dma_wait3A_707 = tpu.memref_slice %arg3[%add3A, %add3A_701, %dma_wait3A_706] : memref<32x80x128xi32, #tpu.memory_space<hbm>> -> memref<1x1x128xi32, #tpu.memory_space<hbm>>
      %dma_wait3A_708 = tpu.memref_squeeze %dma_wait3A_707 : memref<1x1x128xi32, #tpu.memory_space<hbm>> -> memref<128xi32, #tpu.memory_space<hbm>>
      %dma_wait3A_709 = arith.constant 0 : i32
      %dma_wait3A_710 = tpu.memref_slice %arg11[%dma_wait3A_702, %dma_wait3A_709] : memref<8x128xi32, #tpu.memory_space<vmem>> -> memref<1x128xi32, #tpu.memory_space<vmem>>
      %dma_wait3A_711 = tpu.memref_squeeze %dma_wait3A_710 : memref<1x128xi32, #tpu.memory_space<vmem>> -> memref<128xi32, #tpu.memory_space<vmem>>
      %dma_wait3A_712 = arith.constant 0 : i32
      %dma_wait3A_713 = tpu.memref_slice %arg3[%add3A, %add3A_701, %dma_wait3A_712] : memref<32x80x128xi32, #tpu.memory_space<hbm>> -> memref<1x1x128xi32, #tpu.memory_space<hbm>>
      %dma_wait3A_714 = tpu.memref_squeeze %dma_wait3A_713 : memref<1x1x128xi32, #tpu.memory_space<hbm>> -> memref<128xi32, #tpu.memory_space<hbm>>
      tpu.wait_dma2 semaphore(%arg20 : memref<!tpu.dma_semaphore, #tpu.memory_space<semaphore_mem>>) src(%dma_wait3A_714 : memref<128xi32, #tpu.memory_space<hbm>>) dst(%dma_wait3A_711 : memref<128xi32, #tpu.memory_space<vmem>>)
      %dma_start3A_715 = arith.constant 0 : i32
      %dma_start3A_716 = arith.constant 0 : i32
      %dma_start3A_717 = arith.constant 0 : i32
      %dma_start3A_718 = arith.constant 0 : i32
      %dma_start3A_719 = tpu.memref_slice %arg12[%dma_start3A_716, %dma_start3A_717, %dma_start3A_718] : memref<4x128x128xbf16, #tpu.memory_space<vmem>> -> memref<1x128x128xbf16, #tpu.memory_space<vmem>>
      %dma_start3A_720 = tpu.memref_squeeze %dma_start3A_719 : memref<1x128x128xbf16, #tpu.memory_space<vmem>> -> memref<128x128xbf16, #tpu.memory_space<vmem>>
      %dma_start3A_721 = arith.constant 0 : i32
      %dma_start3A_722 = tpu.memref_slice %arg11[%dma_start3A_715, %dma_start3A_721] : memref<8x128xi32, #tpu.memory_space<vmem>> -> memref<1x128xi32, #tpu.memory_space<vmem>>
      %dma_start3A_723 = tpu.memref_squeeze %dma_start3A_722 : memref<1x128xi32, #tpu.memory_space<vmem>> -> memref<128xi32, #tpu.memory_space<vmem>>
      %dma_start3A_724 = arith.constant 0 : i32
      %dma_start3A_725 = arith.constant 0 : i32
      %dma_start3A_726 = tpu.memref_slice %arg2[%dma_start3A_724, %dma_start3A_725] : memref<10000x128xbf16, #tpu.memory_space<hbm>> -> memref<10000x128xbf16, #tpu.memory_space<hbm>>
      tpu.enqueue_indirect_dma source(%dma_start3A_726 : memref<10000x128xbf16, #tpu.memory_space<hbm>>) target(%dma_start3A_720 : memref<128x128xbf16, #tpu.memory_space<vmem>>) offsets(%dma_start3A_723 : memref<128xi32, #tpu.memory_space<vmem>>) semaphore(%arg16 : memref<!tpu.dma_semaphore, #tpu.memory_space<semaphore_mem>>)
      %add3A_727 = arith.constant 8 : i32
      %add3A_728 = arith.addi %add3A_686, %add3A_727 : i32
      %dma_start3A_729 = arith.constant 4 : i32
      %dma_start3A_730 = arith.constant 0 : i32
      %dma_start3A_731 = tpu.memref_slice %arg11[%dma_start3A_729, %dma_start3A_730] : memref<8x128xi32, #tpu.memory_space<vmem>> -> memref<1x128xi32, #tpu.memory_space<vmem>>
      %dma_start3A_732 = tpu.memref_squeeze %dma_start3A_731 : memref<1x128xi32, #tpu.memory_space<vmem>> -> memref<128xi32, #tpu.memory_space<vmem>>
      %dma_start3A_733 = arith.constant 0 : i32
      %dma_start3A_734 = tpu.memref_slice %arg3[%add3A, %add3A_728, %dma_start3A_733] : memref<32x80x128xi32, #tpu.memory_space<hbm>> -> memref<1x1x128xi32, #tpu.memory_space<hbm>>
      %dma_start3A_735 = tpu.memref_squeeze %dma_start3A_734 : memref<1x1x128xi32, #tpu.memory_space<hbm>> -> memref<128xi32, #tpu.memory_space<hbm>>
      %dma_start3A_736 = arith.constant 0 : i32
      %dma_start3A_737 = tpu.memref_slice %arg11[%dma_start3A_729, %dma_start3A_736] : memref<8x128xi32, #tpu.memory_space<vmem>> -> memref<1x128xi32, #tpu.memory_space<vmem>>
      %dma_start3A_738 = tpu.memref_squeeze %dma_start3A_737 : memref<1x128xi32, #tpu.memory_space<vmem>> -> memref<128xi32, #tpu.memory_space<vmem>>
      %dma_start3A_739 = arith.constant 0 : i32
      %dma_start3A_740 = tpu.memref_slice %arg3[%add3A, %add3A_728, %dma_start3A_739] : memref<32x80x128xi32, #tpu.memory_space<hbm>> -> memref<1x1x128xi32, #tpu.memory_space<hbm>>
      %dma_start3A_741 = tpu.memref_squeeze %dma_start3A_740 : memref<1x1x128xi32, #tpu.memory_space<hbm>> -> memref<128xi32, #tpu.memory_space<hbm>>
      tpu.enqueue_dma source(%dma_start3A_741 : memref<128xi32, #tpu.memory_space<hbm>>) target(%dma_start3A_738 : memref<128xi32, #tpu.memory_space<vmem>>) target_semaphore(%arg24 : memref<!tpu.dma_semaphore, #tpu.memory_space<semaphore_mem>>)
      %mul3A_742 = arith.constant 8 : i32
      %mul3A_743 = arith.muli %scan3A_446, %mul3A_742 : i32
      %add3A_744 = arith.constant 5 : i32
      %add3A_745 = arith.addi %mul3A_743, %add3A_744 : i32
      %dma_wait3A_746 = arith.constant 5 : i32
      %dma_wait3A_747 = arith.constant 1 : i32
      %dma_wait3A_748 = arith.constant 0 : i32
      %dma_wait3A_749 = arith.constant 0 : i32
      %dma_wait3A_750 = tpu.memref_slice %arg12[%dma_wait3A_747, %dma_wait3A_748, %dma_wait3A_749] : memref<4x128x128xbf16, #tpu.memory_space<vmem>> -> memref<1x128x128xbf16, #tpu.memory_space<vmem>>
      %dma_wait3A_751 = tpu.memref_squeeze %dma_wait3A_750 : memref<1x128x128xbf16, #tpu.memory_space<vmem>> -> memref<128x128xbf16, #tpu.memory_space<vmem>>
      %dma_wait3A_752 = arith.constant 0 : i32
      %dma_wait3A_753 = tpu.memref_slice %arg11[%dma_wait3A_746, %dma_wait3A_752] : memref<8x128xi32, #tpu.memory_space<vmem>> -> memref<1x128xi32, #tpu.memory_space<vmem>>
      %dma_wait3A_754 = tpu.memref_squeeze %dma_wait3A_753 : memref<1x128xi32, #tpu.memory_space<vmem>> -> memref<128xi32, #tpu.memory_space<vmem>>
      %dma_wait3A_755 = arith.constant 0 : i32
      %dma_wait3A_756 = arith.constant 0 : i32
      %dma_wait3A_757 = tpu.memref_slice %arg2[%dma_wait3A_755, %dma_wait3A_756] : memref<10000x128xbf16, #tpu.memory_space<hbm>> -> memref<10000x128xbf16, #tpu.memory_space<hbm>>
      tpu.wait_indirect_dma semaphore(%arg17 : memref<!tpu.dma_semaphore, #tpu.memory_space<semaphore_mem>>) src(%dma_wait3A_757 : memref<10000x128xbf16, #tpu.memory_space<hbm>>) dst(%dma_wait3A_751 : memref<128x128xbf16, #tpu.memory_space<vmem>>)
      %run_scoped3A_758 = arith.constant 1 : i32
      "tpu.region"() ({
        %run_scoped3A_919 = tpu.sem_alloc : memref<!tpu.dma_semaphore, #tpu.memory_space<semaphore_mem>>
        %dma_start3A_920 = arith.constant 0 : i32
        %dma_start3A_921 = arith.constant 0 : i32
        %dma_start3A_922 = tpu.memref_slice %arg12[%run_scoped3A_758, %dma_start3A_920, %dma_start3A_921] : memref<4x128x128xbf16, #tpu.memory_space<vmem>> -> memref<1x128x128xbf16, #tpu.memory_space<vmem>>
        %dma_start3A_923 = tpu.memref_squeeze %dma_start3A_922 : memref<1x128x128xbf16, #tpu.memory_space<vmem>> -> memref<128x128xbf16, #tpu.memory_space<vmem>>
        %dma_start3A_924 = arith.constant 0 : i32
        %dma_start3A_925 = tpu.memref_slice %arg10[%add3A_745, %dma_start3A_924] : memref<80x128xi32, #tpu.memory_space<vmem>> -> memref<1x128xi32, #tpu.memory_space<vmem>>
        %dma_start3A_926 = tpu.memref_squeeze %dma_start3A_925 : memref<1x128xi32, #tpu.memory_space<vmem>> -> memref<128xi32, #tpu.memory_space<vmem>>
        %dma_start3A_927 = arith.constant 0 : i32
        %dma_start3A_928 = arith.constant 0 : i32
        %dma_start3A_929 = tpu.memref_slice %arg14[%dma_start3A_927, %dma_start3A_928] : memref<10240x128xbf16, #tpu.memory_space<vmem_shared>> -> memref<10240x128xbf16, #tpu.memory_space<vmem_shared>>
        tpu.enqueue_indirect_dma source(%dma_start3A_923 : memref<128x128xbf16, #tpu.memory_space<vmem>>) target(%dma_start3A_929 : memref<10240x128xbf16, #tpu.memory_space<vmem_shared>>) offsets(%dma_start3A_926 : memref<128xi32, #tpu.memory_space<vmem>>) semaphore(%run_scoped3A_919 : memref<!tpu.dma_semaphore, #tpu.memory_space<semaphore_mem>>) {add = true}
        %dma_wait3A_930 = arith.constant 0 : i32
        %dma_wait3A_931 = arith.constant 0 : i32
        %dma_wait3A_932 = tpu.memref_slice %arg12[%run_scoped3A_758, %dma_wait3A_930, %dma_wait3A_931] : memref<4x128x128xbf16, #tpu.memory_space<vmem>> -> memref<1x128x128xbf16, #tpu.memory_space<vmem>>
        %dma_wait3A_933 = tpu.memref_squeeze %dma_wait3A_932 : memref<1x128x128xbf16, #tpu.memory_space<vmem>> -> memref<128x128xbf16, #tpu.memory_space<vmem>>
        %dma_wait3A_934 = arith.constant 0 : i32
        %dma_wait3A_935 = tpu.memref_slice %arg10[%add3A_745, %dma_wait3A_934] : memref<80x128xi32, #tpu.memory_space<vmem>> -> memref<1x128xi32, #tpu.memory_space<vmem>>
        %dma_wait3A_936 = tpu.memref_squeeze %dma_wait3A_935 : memref<1x128xi32, #tpu.memory_space<vmem>> -> memref<128xi32, #tpu.memory_space<vmem>>
        %dma_wait3A_937 = arith.constant 0 : i32
        %dma_wait3A_938 = arith.constant 0 : i32
        %dma_wait3A_939 = tpu.memref_slice %arg14[%dma_wait3A_937, %dma_wait3A_938] : memref<10240x128xbf16, #tpu.memory_space<vmem_shared>> -> memref<10240x128xbf16, #tpu.memory_space<vmem_shared>>
        tpu.wait_indirect_dma semaphore(%run_scoped3A_919 : memref<!tpu.dma_semaphore, #tpu.memory_space<semaphore_mem>>) src(%dma_wait3A_933 : memref<128x128xbf16, #tpu.memory_space<vmem>>) dst(%dma_wait3A_939 : memref<10240x128xbf16, #tpu.memory_space<vmem_shared>>)
        tpu.yield
      }) : () -> ()
      "tpu.region"() ({
        %run_scoped3A_919 = tpu.sem_alloc : memref<!tpu.dma_semaphore, #tpu.memory_space<semaphore_mem>>
        %dma_start3A_920 = arith.constant 0 : i32
        %dma_start3A_921 = tpu.memref_slice %arg10[%add3A_745, %dma_start3A_920] : memref<80x128xi32, #tpu.memory_space<vmem>> -> memref<1x128xi32, #tpu.memory_space<vmem>>
        %dma_start3A_922 = tpu.memref_squeeze %dma_start3A_921 : memref<1x128xi32, #tpu.memory_space<vmem>> -> memref<128xi32, #tpu.memory_space<vmem>>
        %dma_start3A_923 = arith.constant 0 : i32
        %dma_start3A_924 = tpu.memref_slice %arg15[%dma_start3A_923] : memref<10240xf32, #tpu.memory_space<vmem_shared>> -> memref<10240xf32, #tpu.memory_space<vmem_shared>>
        tpu.enqueue_indirect_dma source(%arg13 : memref<128xf32, #tpu.memory_space<vmem>>) target(%dma_start3A_924 : memref<10240xf32, #tpu.memory_space<vmem_shared>>) offsets(%dma_start3A_922 : memref<128xi32, #tpu.memory_space<vmem>>) semaphore(%run_scoped3A_919 : memref<!tpu.dma_semaphore, #tpu.memory_space<semaphore_mem>>) {add = true}
        %dma_wait3A_925 = arith.constant 0 : i32
        %dma_wait3A_926 = tpu.memref_slice %arg10[%add3A_745, %dma_wait3A_925] : memref<80x128xi32, #tpu.memory_space<vmem>> -> memref<1x128xi32, #tpu.memory_space<vmem>>
        %dma_wait3A_927 = tpu.memref_squeeze %dma_wait3A_926 : memref<1x128xi32, #tpu.memory_space<vmem>> -> memref<128xi32, #tpu.memory_space<vmem>>
        %dma_wait3A_928 = arith.constant 0 : i32
        %dma_wait3A_929 = tpu.memref_slice %arg15[%dma_wait3A_928] : memref<10240xf32, #tpu.memory_space<vmem_shared>> -> memref<10240xf32, #tpu.memory_space<vmem_shared>>
        tpu.wait_indirect_dma semaphore(%run_scoped3A_919 : memref<!tpu.dma_semaphore, #tpu.memory_space<semaphore_mem>>) src(%arg13 : memref<128xf32, #tpu.memory_space<vmem>>) dst(%dma_wait3A_929 : memref<10240xf32, #tpu.memory_space<vmem_shared>>)
        tpu.yield
      }) : () -> ()
      %add3A_759 = arith.constant 4 : i32
      %add3A_760 = arith.addi %add3A_745, %add3A_759 : i32
      %dma_wait3A_761 = arith.constant 1 : i32
      %dma_wait3A_762 = arith.constant 0 : i32
      %dma_wait3A_763 = tpu.memref_slice %arg11[%dma_wait3A_761, %dma_wait3A_762] : memref<8x128xi32, #tpu.memory_space<vmem>> -> memref<1x128xi32, #tpu.memory_space<vmem>>
      %dma_wait3A_764 = tpu.memref_squeeze %dma_wait3A_763 : memref<1x128xi32, #tpu.memory_space<vmem>> -> memref<128xi32, #tpu.memory_space<vmem>>
      %dma_wait3A_765 = arith.constant 0 : i32
      %dma_wait3A_766 = tpu.memref_slice %arg3[%add3A, %add3A_760, %dma_wait3A_765] : memref<32x80x128xi32, #tpu.memory_space<hbm>> -> memref<1x1x128xi32, #tpu.memory_space<hbm>>
      %dma_wait3A_767 = tpu.memref_squeeze %dma_wait3A_766 : memref<1x1x128xi32, #tpu.memory_space<hbm>> -> memref<128xi32, #tpu.memory_space<hbm>>
      %dma_wait3A_768 = arith.constant 0 : i32
      %dma_wait3A_769 = tpu.memref_slice %arg11[%dma_wait3A_761, %dma_wait3A_768] : memref<8x128xi32, #tpu.memory_space<vmem>> -> memref<1x128xi32, #tpu.memory_space<vmem>>
      %dma_wait3A_770 = tpu.memref_squeeze %dma_wait3A_769 : memref<1x128xi32, #tpu.memory_space<vmem>> -> memref<128xi32, #tpu.memory_space<vmem>>
      %dma_wait3A_771 = arith.constant 0 : i32
      %dma_wait3A_772 = tpu.memref_slice %arg3[%add3A, %add3A_760, %dma_wait3A_771] : memref<32x80x128xi32, #tpu.memory_space<hbm>> -> memref<1x1x128xi32, #tpu.memory_space<hbm>>
      %dma_wait3A_773 = tpu.memref_squeeze %dma_wait3A_772 : memref<1x1x128xi32, #tpu.memory_space<hbm>> -> memref<128xi32, #tpu.memory_space<hbm>>
      tpu.wait_dma2 semaphore(%arg21 : memref<!tpu.dma_semaphore, #tpu.memory_space<semaphore_mem>>) src(%dma_wait3A_773 : memref<128xi32, #tpu.memory_space<hbm>>) dst(%dma_wait3A_770 : memref<128xi32, #tpu.memory_space<vmem>>)
      %dma_start3A_774 = arith.constant 1 : i32
      %dma_start3A_775 = arith.constant 1 : i32
      %dma_start3A_776 = arith.constant 0 : i32
      %dma_start3A_777 = arith.constant 0 : i32
      %dma_start3A_778 = tpu.memref_slice %arg12[%dma_start3A_775, %dma_start3A_776, %dma_start3A_777] : memref<4x128x128xbf16, #tpu.memory_space<vmem>> -> memref<1x128x128xbf16, #tpu.memory_space<vmem>>
      %dma_start3A_779 = tpu.memref_squeeze %dma_start3A_778 : memref<1x128x128xbf16, #tpu.memory_space<vmem>> -> memref<128x128xbf16, #tpu.memory_space<vmem>>
      %dma_start3A_780 = arith.constant 0 : i32
      %dma_start3A_781 = tpu.memref_slice %arg11[%dma_start3A_774, %dma_start3A_780] : memref<8x128xi32, #tpu.memory_space<vmem>> -> memref<1x128xi32, #tpu.memory_space<vmem>>
      %dma_start3A_782 = tpu.memref_squeeze %dma_start3A_781 : memref<1x128xi32, #tpu.memory_space<vmem>> -> memref<128xi32, #tpu.memory_space<vmem>>
      %dma_start3A_783 = arith.constant 0 : i32
      %dma_start3A_784 = arith.constant 0 : i32
      %dma_start3A_785 = tpu.memref_slice %arg2[%dma_start3A_783, %dma_start3A_784] : memref<10000x128xbf16, #tpu.memory_space<hbm>> -> memref<10000x128xbf16, #tpu.memory_space<hbm>>
      tpu.enqueue_indirect_dma source(%dma_start3A_785 : memref<10000x128xbf16, #tpu.memory_space<hbm>>) target(%dma_start3A_779 : memref<128x128xbf16, #tpu.memory_space<vmem>>) offsets(%dma_start3A_782 : memref<128xi32, #tpu.memory_space<vmem>>) semaphore(%arg17 : memref<!tpu.dma_semaphore, #tpu.memory_space<semaphore_mem>>)
      %add3A_786 = arith.constant 8 : i32
      %add3A_787 = arith.addi %add3A_745, %add3A_786 : i32
      %dma_start3A_788 = arith.constant 5 : i32
      %dma_start3A_789 = arith.constant 0 : i32
      %dma_start3A_790 = tpu.memref_slice %arg11[%dma_start3A_788, %dma_start3A_789] : memref<8x128xi32, #tpu.memory_space<vmem>> -> memref<1x128xi32, #tpu.memory_space<vmem>>
      %dma_start3A_791 = tpu.memref_squeeze %dma_start3A_790 : memref<1x128xi32, #tpu.memory_space<vmem>> -> memref<128xi32, #tpu.memory_space<vmem>>
      %dma_start3A_792 = arith.constant 0 : i32
      %dma_start3A_793 = tpu.memref_slice %arg3[%add3A, %add3A_787, %dma_start3A_792] : memref<32x80x128xi32, #tpu.memory_space<hbm>> -> memref<1x1x128xi32, #tpu.memory_space<hbm>>
      %dma_start3A_794 = tpu.memref_squeeze %dma_start3A_793 : memref<1x1x128xi32, #tpu.memory_space<hbm>> -> memref<128xi32, #tpu.memory_space<hbm>>
      %dma_start3A_795 = arith.constant 0 : i32
      %dma_start3A_796 = tpu.memref_slice %arg11[%dma_start3A_788, %dma_start3A_795] : memref<8x128xi32, #tpu.memory_space<vmem>> -> memref<1x128xi32, #tpu.memory_space<vmem>>
      %dma_start3A_797 = tpu.memref_squeeze %dma_start3A_796 : memref<1x128xi32, #tpu.memory_space<vmem>> -> memref<128xi32, #tpu.memory_space<vmem>>
      %dma_start3A_798 = arith.constant 0 : i32
      %dma_start3A_799 = tpu.memref_slice %arg3[%add3A, %add3A_787, %dma_start3A_798] : memref<32x80x128xi32, #tpu.memory_space<hbm>> -> memref<1x1x128xi32, #tpu.memory_space<hbm>>
      %dma_start3A_800 = tpu.memref_squeeze %dma_start3A_799 : memref<1x1x128xi32, #tpu.memory_space<hbm>> -> memref<128xi32, #tpu.memory_space<hbm>>
      tpu.enqueue_dma source(%dma_start3A_800 : memref<128xi32, #tpu.memory_space<hbm>>) target(%dma_start3A_797 : memref<128xi32, #tpu.memory_space<vmem>>) target_semaphore(%arg25 : memref<!tpu.dma_semaphore, #tpu.memory_space<semaphore_mem>>)
      %mul3A_801 = arith.constant 8 : i32
      %mul3A_802 = arith.muli %scan3A_446, %mul3A_801 : i32
      %add3A_803 = arith.constant 6 : i32
      %add3A_804 = arith.addi %mul3A_802, %add3A_803 : i32
      %dma_wait3A_805 = arith.constant 6 : i32
      %dma_wait3A_806 = arith.constant 2 : i32
      %dma_wait3A_807 = arith.constant 0 : i32
      %dma_wait3A_808 = arith.constant 0 : i32
      %dma_wait3A_809 = tpu.memref_slice %arg12[%dma_wait3A_806, %dma_wait3A_807, %dma_wait3A_808] : memref<4x128x128xbf16, #tpu.memory_space<vmem>> -> memref<1x128x128xbf16, #tpu.memory_space<vmem>>
      %dma_wait3A_810 = tpu.memref_squeeze %dma_wait3A_809 : memref<1x128x128xbf16, #tpu.memory_space<vmem>> -> memref<128x128xbf16, #tpu.memory_space<vmem>>
      %dma_wait3A_811 = arith.constant 0 : i32
      %dma_wait3A_812 = tpu.memref_slice %arg11[%dma_wait3A_805, %dma_wait3A_811] : memref<8x128xi32, #tpu.memory_space<vmem>> -> memref<1x128xi32, #tpu.memory_space<vmem>>
      %dma_wait3A_813 = tpu.memref_squeeze %dma_wait3A_812 : memref<1x128xi32, #tpu.memory_space<vmem>> -> memref<128xi32, #tpu.memory_space<vmem>>
      %dma_wait3A_814 = arith.constant 0 : i32
      %dma_wait3A_815 = arith.constant 0 : i32
      %dma_wait3A_816 = tpu.memref_slice %arg2[%dma_wait3A_814, %dma_wait3A_815] : memref<10000x128xbf16, #tpu.memory_space<hbm>> -> memref<10000x128xbf16, #tpu.memory_space<hbm>>
      tpu.wait_indirect_dma semaphore(%arg18 : memref<!tpu.dma_semaphore, #tpu.memory_space<semaphore_mem>>) src(%dma_wait3A_816 : memref<10000x128xbf16, #tpu.memory_space<hbm>>) dst(%dma_wait3A_810 : memref<128x128xbf16, #tpu.memory_space<vmem>>)
      %run_scoped3A_817 = arith.constant 2 : i32
      "tpu.region"() ({
        %run_scoped3A_919 = tpu.sem_alloc : memref<!tpu.dma_semaphore, #tpu.memory_space<semaphore_mem>>
        %dma_start3A_920 = arith.constant 0 : i32
        %dma_start3A_921 = arith.constant 0 : i32
        %dma_start3A_922 = tpu.memref_slice %arg12[%run_scoped3A_817, %dma_start3A_920, %dma_start3A_921] : memref<4x128x128xbf16, #tpu.memory_space<vmem>> -> memref<1x128x128xbf16, #tpu.memory_space<vmem>>
        %dma_start3A_923 = tpu.memref_squeeze %dma_start3A_922 : memref<1x128x128xbf16, #tpu.memory_space<vmem>> -> memref<128x128xbf16, #tpu.memory_space<vmem>>
        %dma_start3A_924 = arith.constant 0 : i32
        %dma_start3A_925 = tpu.memref_slice %arg10[%add3A_804, %dma_start3A_924] : memref<80x128xi32, #tpu.memory_space<vmem>> -> memref<1x128xi32, #tpu.memory_space<vmem>>
        %dma_start3A_926 = tpu.memref_squeeze %dma_start3A_925 : memref<1x128xi32, #tpu.memory_space<vmem>> -> memref<128xi32, #tpu.memory_space<vmem>>
        %dma_start3A_927 = arith.constant 0 : i32
        %dma_start3A_928 = arith.constant 0 : i32
        %dma_start3A_929 = tpu.memref_slice %arg14[%dma_start3A_927, %dma_start3A_928] : memref<10240x128xbf16, #tpu.memory_space<vmem_shared>> -> memref<10240x128xbf16, #tpu.memory_space<vmem_shared>>
        tpu.enqueue_indirect_dma source(%dma_start3A_923 : memref<128x128xbf16, #tpu.memory_space<vmem>>) target(%dma_start3A_929 : memref<10240x128xbf16, #tpu.memory_space<vmem_shared>>) offsets(%dma_start3A_926 : memref<128xi32, #tpu.memory_space<vmem>>) semaphore(%run_scoped3A_919 : memref<!tpu.dma_semaphore, #tpu.memory_space<semaphore_mem>>) {add = true}
        %dma_wait3A_930 = arith.constant 0 : i32
        %dma_wait3A_931 = arith.constant 0 : i32
        %dma_wait3A_932 = tpu.memref_slice %arg12[%run_scoped3A_817, %dma_wait3A_930, %dma_wait3A_931] : memref<4x128x128xbf16, #tpu.memory_space<vmem>> -> memref<1x128x128xbf16, #tpu.memory_space<vmem>>
        %dma_wait3A_933 = tpu.memref_squeeze %dma_wait3A_932 : memref<1x128x128xbf16, #tpu.memory_space<vmem>> -> memref<128x128xbf16, #tpu.memory_space<vmem>>
        %dma_wait3A_934 = arith.constant 0 : i32
        %dma_wait3A_935 = tpu.memref_slice %arg10[%add3A_804, %dma_wait3A_934] : memref<80x128xi32, #tpu.memory_space<vmem>> -> memref<1x128xi32, #tpu.memory_space<vmem>>
        %dma_wait3A_936 = tpu.memref_squeeze %dma_wait3A_935 : memref<1x128xi32, #tpu.memory_space<vmem>> -> memref<128xi32, #tpu.memory_space<vmem>>
        %dma_wait3A_937 = arith.constant 0 : i32
        %dma_wait3A_938 = arith.constant 0 : i32
        %dma_wait3A_939 = tpu.memref_slice %arg14[%dma_wait3A_937, %dma_wait3A_938] : memref<10240x128xbf16, #tpu.memory_space<vmem_shared>> -> memref<10240x128xbf16, #tpu.memory_space<vmem_shared>>
        tpu.wait_indirect_dma semaphore(%run_scoped3A_919 : memref<!tpu.dma_semaphore, #tpu.memory_space<semaphore_mem>>) src(%dma_wait3A_933 : memref<128x128xbf16, #tpu.memory_space<vmem>>) dst(%dma_wait3A_939 : memref<10240x128xbf16, #tpu.memory_space<vmem_shared>>)
        tpu.yield
      }) : () -> ()
      "tpu.region"() ({
        %run_scoped3A_919 = tpu.sem_alloc : memref<!tpu.dma_semaphore, #tpu.memory_space<semaphore_mem>>
        %dma_start3A_920 = arith.constant 0 : i32
        %dma_start3A_921 = tpu.memref_slice %arg10[%add3A_804, %dma_start3A_920] : memref<80x128xi32, #tpu.memory_space<vmem>> -> memref<1x128xi32, #tpu.memory_space<vmem>>
        %dma_start3A_922 = tpu.memref_squeeze %dma_start3A_921 : memref<1x128xi32, #tpu.memory_space<vmem>> -> memref<128xi32, #tpu.memory_space<vmem>>
        %dma_start3A_923 = arith.constant 0 : i32
        %dma_start3A_924 = tpu.memref_slice %arg15[%dma_start3A_923] : memref<10240xf32, #tpu.memory_space<vmem_shared>> -> memref<10240xf32, #tpu.memory_space<vmem_shared>>
        tpu.enqueue_indirect_dma source(%arg13 : memref<128xf32, #tpu.memory_space<vmem>>) target(%dma_start3A_924 : memref<10240xf32, #tpu.memory_space<vmem_shared>>) offsets(%dma_start3A_922 : memref<128xi32, #tpu.memory_space<vmem>>) semaphore(%run_scoped3A_919 : memref<!tpu.dma_semaphore, #tpu.memory_space<semaphore_mem>>) {add = true}
        %dma_wait3A_925 = arith.constant 0 : i32
        %dma_wait3A_926 = tpu.memref_slice %arg10[%add3A_804, %dma_wait3A_925] : memref<80x128xi32, #tpu.memory_space<vmem>> -> memref<1x128xi32, #tpu.memory_space<vmem>>
        %dma_wait3A_927 = tpu.memref_squeeze %dma_wait3A_926 : memref<1x128xi32, #tpu.memory_space<vmem>> -> memref<128xi32, #tpu.memory_space<vmem>>
        %dma_wait3A_928 = arith.constant 0 : i32
        %dma_wait3A_929 = tpu.memref_slice %arg15[%dma_wait3A_928] : memref<10240xf32, #tpu.memory_space<vmem_shared>> -> memref<10240xf32, #tpu.memory_space<vmem_shared>>
        tpu.wait_indirect_dma semaphore(%run_scoped3A_919 : memref<!tpu.dma_semaphore, #tpu.memory_space<semaphore_mem>>) src(%arg13 : memref<128xf32, #tpu.memory_space<vmem>>) dst(%dma_wait3A_929 : memref<10240xf32, #tpu.memory_space<vmem_shared>>)
        tpu.yield
      }) : () -> ()
      %add3A_818 = arith.constant 4 : i32
      %add3A_819 = arith.addi %add3A_804, %add3A_818 : i32
      %dma_wait3A_820 = arith.constant 2 : i32
      %dma_wait3A_821 = arith.constant 0 : i32
      %dma_wait3A_822 = tpu.memref_slice %arg11[%dma_wait3A_820, %dma_wait3A_821] : memref<8x128xi32, #tpu.memory_space<vmem>> -> memref<1x128xi32, #tpu.memory_space<vmem>>
      %dma_wait3A_823 = tpu.memref_squeeze %dma_wait3A_822 : memref<1x128xi32, #tpu.memory_space<vmem>> -> memref<128xi32, #tpu.memory_space<vmem>>
      %dma_wait3A_824 = arith.constant 0 : i32
      %dma_wait3A_825 = tpu.memref_slice %arg3[%add3A, %add3A_819, %dma_wait3A_824] : memref<32x80x128xi32, #tpu.memory_space<hbm>> -> memref<1x1x128xi32, #tpu.memory_space<hbm>>
      %dma_wait3A_826 = tpu.memref_squeeze %dma_wait3A_825 : memref<1x1x128xi32, #tpu.memory_space<hbm>> -> memref<128xi32, #tpu.memory_space<hbm>>
      %dma_wait3A_827 = arith.constant 0 : i32
      %dma_wait3A_828 = tpu.memref_slice %arg11[%dma_wait3A_820, %dma_wait3A_827] : memref<8x128xi32, #tpu.memory_space<vmem>> -> memref<1x128xi32, #tpu.memory_space<vmem>>
      %dma_wait3A_829 = tpu.memref_squeeze %dma_wait3A_828 : memref<1x128xi32, #tpu.memory_space<vmem>> -> memref<128xi32, #tpu.memory_space<vmem>>
      %dma_wait3A_830 = arith.constant 0 : i32
      %dma_wait3A_831 = tpu.memref_slice %arg3[%add3A, %add3A_819, %dma_wait3A_830] : memref<32x80x128xi32, #tpu.memory_space<hbm>> -> memref<1x1x128xi32, #tpu.memory_space<hbm>>
      %dma_wait3A_832 = tpu.memref_squeeze %dma_wait3A_831 : memref<1x1x128xi32, #tpu.memory_space<hbm>> -> memref<128xi32, #tpu.memory_space<hbm>>
      tpu.wait_dma2 semaphore(%arg22 : memref<!tpu.dma_semaphore, #tpu.memory_space<semaphore_mem>>) src(%dma_wait3A_832 : memref<128xi32, #tpu.memory_space<hbm>>) dst(%dma_wait3A_829 : memref<128xi32, #tpu.memory_space<vmem>>)
      %dma_start3A_833 = arith.constant 2 : i32
      %dma_start3A_834 = arith.constant 2 : i32
      %dma_start3A_835 = arith.constant 0 : i32
      %dma_start3A_836 = arith.constant 0 : i32
      %dma_start3A_837 = tpu.memref_slice %arg12[%dma_start3A_834, %dma_start3A_835, %dma_start3A_836] : memref<4x128x128xbf16, #tpu.memory_space<vmem>> -> memref<1x128x128xbf16, #tpu.memory_space<vmem>>
      %dma_start3A_838 = tpu.memref_squeeze %dma_start3A_837 : memref<1x128x128xbf16, #tpu.memory_space<vmem>> -> memref<128x128xbf16, #tpu.memory_space<vmem>>
      %dma_start3A_839 = arith.constant 0 : i32
      %dma_start3A_840 = tpu.memref_slice %arg11[%dma_start3A_833, %dma_start3A_839] : memref<8x128xi32, #tpu.memory_space<vmem>> -> memref<1x128xi32, #tpu.memory_space<vmem>>
      %dma_start3A_841 = tpu.memref_squeeze %dma_start3A_840 : memref<1x128xi32, #tpu.memory_space<vmem>> -> memref<128xi32, #tpu.memory_space<vmem>>
      %dma_start3A_842 = arith.constant 0 : i32
      %dma_start3A_843 = arith.constant 0 : i32
      %dma_start3A_844 = tpu.memref_slice %arg2[%dma_start3A_842, %dma_start3A_843] : memref<10000x128xbf16, #tpu.memory_space<hbm>> -> memref<10000x128xbf16, #tpu.memory_space<hbm>>
      tpu.enqueue_indirect_dma source(%dma_start3A_844 : memref<10000x128xbf16, #tpu.memory_space<hbm>>) target(%dma_start3A_838 : memref<128x128xbf16, #tpu.memory_space<vmem>>) offsets(%dma_start3A_841 : memref<128xi32, #tpu.memory_space<vmem>>) semaphore(%arg18 : memref<!tpu.dma_semaphore, #tpu.memory_space<semaphore_mem>>)
      %add3A_845 = arith.constant 8 : i32
      %add3A_846 = arith.addi %add3A_804, %add3A_845 : i32
      %dma_start3A_847 = arith.constant 6 : i32
      %dma_start3A_848 = arith.constant 0 : i32
      %dma_start3A_849 = tpu.memref_slice %arg11[%dma_start3A_847, %dma_start3A_848] : memref<8x128xi32, #tpu.memory_space<vmem>> -> memref<1x128xi32, #tpu.memory_space<vmem>>
      %dma_start3A_850 = tpu.memref_squeeze %dma_start3A_849 : memref<1x128xi32, #tpu.memory_space<vmem>> -> memref<128xi32, #tpu.memory_space<vmem>>
      %dma_start3A_851 = arith.constant 0 : i32
      %dma_start3A_852 = tpu.memref_slice %arg3[%add3A, %add3A_846, %dma_start3A_851] : memref<32x80x128xi32, #tpu.memory_space<hbm>> -> memref<1x1x128xi32, #tpu.memory_space<hbm>>
      %dma_start3A_853 = tpu.memref_squeeze %dma_start3A_852 : memref<1x1x128xi32, #tpu.memory_space<hbm>> -> memref<128xi32, #tpu.memory_space<hbm>>
      %dma_start3A_854 = arith.constant 0 : i32
      %dma_start3A_855 = tpu.memref_slice %arg11[%dma_start3A_847, %dma_start3A_854] : memref<8x128xi32, #tpu.memory_space<vmem>> -> memref<1x128xi32, #tpu.memory_space<vmem>>
      %dma_start3A_856 = tpu.memref_squeeze %dma_start3A_855 : memref<1x128xi32, #tpu.memory_space<vmem>> -> memref<128xi32, #tpu.memory_space<vmem>>
      %dma_start3A_857 = arith.constant 0 : i32
      %dma_start3A_858 = tpu.memref_slice %arg3[%add3A, %add3A_846, %dma_start3A_857] : memref<32x80x128xi32, #tpu.memory_space<hbm>> -> memref<1x1x128xi32, #tpu.memory_space<hbm>>
      %dma_start3A_859 = tpu.memref_squeeze %dma_start3A_858 : memref<1x1x128xi32, #tpu.memory_space<hbm>> -> memref<128xi32, #tpu.memory_space<hbm>>
      tpu.enqueue_dma source(%dma_start3A_859 : memref<128xi32, #tpu.memory_space<hbm>>) target(%dma_start3A_856 : memref<128xi32, #tpu.memory_space<vmem>>) target_semaphore(%arg26 : memref<!tpu.dma_semaphore, #tpu.memory_space<semaphore_mem>>)
      %mul3A_860 = arith.constant 8 : i32
      %mul3A_861 = arith.muli %scan3A_446, %mul3A_860 : i32
      %add3A_862 = arith.constant 7 : i32
      %add3A_863 = arith.addi %mul3A_861, %add3A_862 : i32
      %dma_wait3A_864 = arith.constant 7 : i32
      %dma_wait3A_865 = arith.constant 3 : i32
      %dma_wait3A_866 = arith.constant 0 : i32
      %dma_wait3A_867 = arith.constant 0 : i32
      %dma_wait3A_868 = tpu.memref_slice %arg12[%dma_wait3A_865, %dma_wait3A_866, %dma_wait3A_867] : memref<4x128x128xbf16, #tpu.memory_space<vmem>> -> memref<1x128x128xbf16, #tpu.memory_space<vmem>>
      %dma_wait3A_869 = tpu.memref_squeeze %dma_wait3A_868 : memref<1x128x128xbf16, #tpu.memory_space<vmem>> -> memref<128x128xbf16, #tpu.memory_space<vmem>>
      %dma_wait3A_870 = arith.constant 0 : i32
      %dma_wait3A_871 = tpu.memref_slice %arg11[%dma_wait3A_864, %dma_wait3A_870] : memref<8x128xi32, #tpu.memory_space<vmem>> -> memref<1x128xi32, #tpu.memory_space<vmem>>
      %dma_wait3A_872 = tpu.memref_squeeze %dma_wait3A_871 : memref<1x128xi32, #tpu.memory_space<vmem>> -> memref<128xi32, #tpu.memory_space<vmem>>
      %dma_wait3A_873 = arith.constant 0 : i32
      %dma_wait3A_874 = arith.constant 0 : i32
      %dma_wait3A_875 = tpu.memref_slice %arg2[%dma_wait3A_873, %dma_wait3A_874] : memref<10000x128xbf16, #tpu.memory_space<hbm>> -> memref<10000x128xbf16, #tpu.memory_space<hbm>>
      tpu.wait_indirect_dma semaphore(%arg19 : memref<!tpu.dma_semaphore, #tpu.memory_space<semaphore_mem>>) src(%dma_wait3A_875 : memref<10000x128xbf16, #tpu.memory_space<hbm>>) dst(%dma_wait3A_869 : memref<128x128xbf16, #tpu.memory_space<vmem>>)
      %run_scoped3A_876 = arith.constant 3 : i32
      "tpu.region"() ({
        %run_scoped3A_919 = tpu.sem_alloc : memref<!tpu.dma_semaphore, #tpu.memory_space<semaphore_mem>>
        %dma_start3A_920 = arith.constant 0 : i32
        %dma_start3A_921 = arith.constant 0 : i32
        %dma_start3A_922 = tpu.memref_slice %arg12[%run_scoped3A_876, %dma_start3A_920, %dma_start3A_921] : memref<4x128x128xbf16, #tpu.memory_space<vmem>> -> memref<1x128x128xbf16, #tpu.memory_space<vmem>>
        %dma_start3A_923 = tpu.memref_squeeze %dma_start3A_922 : memref<1x128x128xbf16, #tpu.memory_space<vmem>> -> memref<128x128xbf16, #tpu.memory_space<vmem>>
        %dma_start3A_924 = arith.constant 0 : i32
        %dma_start3A_925 = tpu.memref_slice %arg10[%add3A_863, %dma_start3A_924] : memref<80x128xi32, #tpu.memory_space<vmem>> -> memref<1x128xi32, #tpu.memory_space<vmem>>
        %dma_start3A_926 = tpu.memref_squeeze %dma_start3A_925 : memref<1x128xi32, #tpu.memory_space<vmem>> -> memref<128xi32, #tpu.memory_space<vmem>>
        %dma_start3A_927 = arith.constant 0 : i32
        %dma_start3A_928 = arith.constant 0 : i32
        %dma_start3A_929 = tpu.memref_slice %arg14[%dma_start3A_927, %dma_start3A_928] : memref<10240x128xbf16, #tpu.memory_space<vmem_shared>> -> memref<10240x128xbf16, #tpu.memory_space<vmem_shared>>
        tpu.enqueue_indirect_dma source(%dma_start3A_923 : memref<128x128xbf16, #tpu.memory_space<vmem>>) target(%dma_start3A_929 : memref<10240x128xbf16, #tpu.memory_space<vmem_shared>>) offsets(%dma_start3A_926 : memref<128xi32, #tpu.memory_space<vmem>>) semaphore(%run_scoped3A_919 : memref<!tpu.dma_semaphore, #tpu.memory_space<semaphore_mem>>) {add = true}
        %dma_wait3A_930 = arith.constant 0 : i32
        %dma_wait3A_931 = arith.constant 0 : i32
        %dma_wait3A_932 = tpu.memref_slice %arg12[%run_scoped3A_876, %dma_wait3A_930, %dma_wait3A_931] : memref<4x128x128xbf16, #tpu.memory_space<vmem>> -> memref<1x128x128xbf16, #tpu.memory_space<vmem>>
        %dma_wait3A_933 = tpu.memref_squeeze %dma_wait3A_932 : memref<1x128x128xbf16, #tpu.memory_space<vmem>> -> memref<128x128xbf16, #tpu.memory_space<vmem>>
        %dma_wait3A_934 = arith.constant 0 : i32
        %dma_wait3A_935 = tpu.memref_slice %arg10[%add3A_863, %dma_wait3A_934] : memref<80x128xi32, #tpu.memory_space<vmem>> -> memref<1x128xi32, #tpu.memory_space<vmem>>
        %dma_wait3A_936 = tpu.memref_squeeze %dma_wait3A_935 : memref<1x128xi32, #tpu.memory_space<vmem>> -> memref<128xi32, #tpu.memory_space<vmem>>
        %dma_wait3A_937 = arith.constant 0 : i32
        %dma_wait3A_938 = arith.constant 0 : i32
        %dma_wait3A_939 = tpu.memref_slice %arg14[%dma_wait3A_937, %dma_wait3A_938] : memref<10240x128xbf16, #tpu.memory_space<vmem_shared>> -> memref<10240x128xbf16, #tpu.memory_space<vmem_shared>>
        tpu.wait_indirect_dma semaphore(%run_scoped3A_919 : memref<!tpu.dma_semaphore, #tpu.memory_space<semaphore_mem>>) src(%dma_wait3A_933 : memref<128x128xbf16, #tpu.memory_space<vmem>>) dst(%dma_wait3A_939 : memref<10240x128xbf16, #tpu.memory_space<vmem_shared>>)
        tpu.yield
      }) : () -> ()
      "tpu.region"() ({
        %run_scoped3A_919 = tpu.sem_alloc : memref<!tpu.dma_semaphore, #tpu.memory_space<semaphore_mem>>
        %dma_start3A_920 = arith.constant 0 : i32
        %dma_start3A_921 = tpu.memref_slice %arg10[%add3A_863, %dma_start3A_920] : memref<80x128xi32, #tpu.memory_space<vmem>> -> memref<1x128xi32, #tpu.memory_space<vmem>>
        %dma_start3A_922 = tpu.memref_squeeze %dma_start3A_921 : memref<1x128xi32, #tpu.memory_space<vmem>> -> memref<128xi32, #tpu.memory_space<vmem>>
        %dma_start3A_923 = arith.constant 0 : i32
        %dma_start3A_924 = tpu.memref_slice %arg15[%dma_start3A_923] : memref<10240xf32, #tpu.memory_space<vmem_shared>> -> memref<10240xf32, #tpu.memory_space<vmem_shared>>
        tpu.enqueue_indirect_dma source(%arg13 : memref<128xf32, #tpu.memory_space<vmem>>) target(%dma_start3A_924 : memref<10240xf32, #tpu.memory_space<vmem_shared>>) offsets(%dma_start3A_922 : memref<128xi32, #tpu.memory_space<vmem>>) semaphore(%run_scoped3A_919 : memref<!tpu.dma_semaphore, #tpu.memory_space<semaphore_mem>>) {add = true}
        %dma_wait3A_925 = arith.constant 0 : i32
        %dma_wait3A_926 = tpu.memref_slice %arg10[%add3A_863, %dma_wait3A_925] : memref<80x128xi32, #tpu.memory_space<vmem>> -> memref<1x128xi32, #tpu.memory_space<vmem>>
        %dma_wait3A_927 = tpu.memref_squeeze %dma_wait3A_926 : memref<1x128xi32, #tpu.memory_space<vmem>> -> memref<128xi32, #tpu.memory_space<vmem>>
        %dma_wait3A_928 = arith.constant 0 : i32
        %dma_wait3A_929 = tpu.memref_slice %arg15[%dma_wait3A_928] : memref<10240xf32, #tpu.memory_space<vmem_shared>> -> memref<10240xf32, #tpu.memory_space<vmem_shared>>
        tpu.wait_indirect_dma semaphore(%run_scoped3A_919 : memref<!tpu.dma_semaphore, #tpu.memory_space<semaphore_mem>>) src(%arg13 : memref<128xf32, #tpu.memory_space<vmem>>) dst(%dma_wait3A_929 : memref<10240xf32, #tpu.memory_space<vmem_shared>>)
        tpu.yield
      }) : () -> ()
      %add3A_877 = arith.constant 4 : i32
      %add3A_878 = arith.addi %add3A_863, %add3A_877 : i32
      %dma_wait3A_879 = arith.constant 3 : i32
      %dma_wait3A_880 = arith.constant 0 : i32
      %dma_wait3A_881 = tpu.memref_slice %arg11[%dma_wait3A_879, %dma_wait3A_880] : memref<8x128xi32, #tpu.memory_space<vmem>> -> memref<1x128xi32, #tpu.memory_space<vmem>>
      %dma_wait3A_882 = tpu.memref_squeeze %dma_wait3A_881 : memref<1x128xi32, #tpu.memory_space<vmem>> -> memref<128xi32, #tpu.memory_space<vmem>>
      %dma_wait3A_883 = arith.constant 0 : i32
      %dma_wait3A_884 = tpu.memref_slice %arg3[%add3A, %add3A_878, %dma_wait3A_883] : memref<32x80x128xi32, #tpu.memory_space<hbm>> -> memref<1x1x128xi32, #tpu.memory_space<hbm>>
      %dma_wait3A_885 = tpu.memref_squeeze %dma_wait3A_884 : memref<1x1x128xi32, #tpu.memory_space<hbm>> -> memref<128xi32, #tpu.memory_space<hbm>>
      %dma_wait3A_886 = arith.constant 0 : i32
      %dma_wait3A_887 = tpu.memref_slice %arg11[%dma_wait3A_879, %dma_wait3A_886] : memref<8x128xi32, #tpu.memory_space<vmem>> -> memref<1x128xi32, #tpu.memory_space<vmem>>
      %dma_wait3A_888 = tpu.memref_squeeze %dma_wait3A_887 : memref<1x128xi32, #tpu.memory_space<vmem>> -> memref<128xi32, #tpu.memory_space<vmem>>
      %dma_wait3A_889 = arith.constant 0 : i32
      %dma_wait3A_890 = tpu.memref_slice %arg3[%add3A, %add3A_878, %dma_wait3A_889] : memref<32x80x128xi32, #tpu.memory_space<hbm>> -> memref<1x1x128xi32, #tpu.memory_space<hbm>>
      %dma_wait3A_891 = tpu.memref_squeeze %dma_wait3A_890 : memref<1x1x128xi32, #tpu.memory_space<hbm>> -> memref<128xi32, #tpu.memory_space<hbm>>
      tpu.wait_dma2 semaphore(%arg23 : memref<!tpu.dma_semaphore, #tpu.memory_space<semaphore_mem>>) src(%dma_wait3A_891 : memref<128xi32, #tpu.memory_space<hbm>>) dst(%dma_wait3A_888 : memref<128xi32, #tpu.memory_space<vmem>>)
      %dma_start3A_892 = arith.constant 3 : i32
      %dma_start3A_893 = arith.constant 3 : i32
      %dma_start3A_894 = arith.constant 0 : i32
      %dma_start3A_895 = arith.constant 0 : i32
      %dma_start3A_896 = tpu.memref_slice %arg12[%dma_start3A_893, %dma_start3A_894, %dma_start3A_895] : memref<4x128x128xbf16, #tpu.memory_space<vmem>> -> memref<1x128x128xbf16, #tpu.memory_space<vmem>>
      %dma_start3A_897 = tpu.memref_squeeze %dma_start3A_896 : memref<1x128x128xbf16, #tpu.memory_space<vmem>> -> memref<128x128xbf16, #tpu.memory_space<vmem>>
      %dma_start3A_898 = arith.constant 0 : i32
      %dma_start3A_899 = tpu.memref_slice %arg11[%dma_start3A_892, %dma_start3A_898] : memref<8x128xi32, #tpu.memory_space<vmem>> -> memref<1x128xi32, #tpu.memory_space<vmem>>
      %dma_start3A_900 = tpu.memref_squeeze %dma_start3A_899 : memref<1x128xi32, #tpu.memory_space<vmem>> -> memref<128xi32, #tpu.memory_space<vmem>>
      %dma_start3A_901 = arith.constant 0 : i32
      %dma_start3A_902 = arith.constant 0 : i32
      %dma_start3A_903 = tpu.memref_slice %arg2[%dma_start3A_901, %dma_start3A_902] : memref<10000x128xbf16, #tpu.memory_space<hbm>> -> memref<10000x128xbf16, #tpu.memory_space<hbm>>
      tpu.enqueue_indirect_dma source(%dma_start3A_903 : memref<10000x128xbf16, #tpu.memory_space<hbm>>) target(%dma_start3A_897 : memref<128x128xbf16, #tpu.memory_space<vmem>>) offsets(%dma_start3A_900 : memref<128xi32, #tpu.memory_space<vmem>>) semaphore(%arg19 : memref<!tpu.dma_semaphore, #tpu.memory_space<semaphore_mem>>)
      %add3A_904 = arith.constant 8 : i32
      %add3A_905 = arith.addi %add3A_863, %add3A_904 : i32
      %dma_start3A_906 = arith.constant 7 : i32
      %dma_start3A_907 = arith.constant 0 : i32
      %dma_start3A_908 = tpu.memref_slice %arg11[%dma_start3A_906, %dma_start3A_907] : memref<8x128xi32, #tpu.memory_space<vmem>> -> memref<1x128xi32, #tpu.memory_space<vmem>>
      %dma_start3A_909 = tpu.memref_squeeze %dma_start3A_908 : memref<1x128xi32, #tpu.memory_space<vmem>> -> memref<128xi32, #tpu.memory_space<vmem>>
      %dma_start3A_910 = arith.constant 0 : i32
      %dma_start3A_911 = tpu.memref_slice %arg3[%add3A, %add3A_905, %dma_start3A_910] : memref<32x80x128xi32, #tpu.memory_space<hbm>> -> memref<1x1x128xi32, #tpu.memory_space<hbm>>
      %dma_start3A_912 = tpu.memref_squeeze %dma_start3A_911 : memref<1x1x128xi32, #tpu.memory_space<hbm>> -> memref<128xi32, #tpu.memory_space<hbm>>
      %dma_start3A_913 = arith.constant 0 : i32
      %dma_start3A_914 = tpu.memref_slice %arg11[%dma_start3A_906, %dma_start3A_913] : memref<8x128xi32, #tpu.memory_space<vmem>> -> memref<1x128xi32, #tpu.memory_space<vmem>>
      %dma_start3A_915 = tpu.memref_squeeze %dma_start3A_914 : memref<1x128xi32, #tpu.memory_space<vmem>> -> memref<128xi32, #tpu.memory_space<vmem>>
      %dma_start3A_916 = arith.constant 0 : i32
      %dma_start3A_917 = tpu.memref_slice %arg3[%add3A, %add3A_905, %dma_start3A_916] : memref<32x80x128xi32, #tpu.memory_space<hbm>> -> memref<1x1x128xi32, #tpu.memory_space<hbm>>
      %dma_start3A_918 = tpu.memref_squeeze %dma_start3A_917 : memref<1x1x128xi32, #tpu.memory_space<hbm>> -> memref<128xi32, #tpu.memory_space<hbm>>
      tpu.enqueue_dma source(%dma_start3A_918 : memref<128xi32, #tpu.memory_space<hbm>>) target(%dma_start3A_915 : memref<128xi32, #tpu.memory_space<vmem>>) target_semaphore(%arg27 : memref<!tpu.dma_semaphore, #tpu.memory_space<semaphore_mem>>)
    }
    %scan3A_221 = arith.constant 9 : i32
    %dma_wait3A_222 = arith.constant 0 : i32
    %dma_wait3A_223 = arith.constant 0 : i32
    %dma_wait3A_224 = arith.constant 0 : i32
    %dma_wait3A_225 = arith.constant 0 : i32
    %dma_wait3A_226 = tpu.memref_slice %arg12[%dma_wait3A_223, %dma_wait3A_224, %dma_wait3A_225] : memref<4x128x128xbf16, #tpu.memory_space<vmem>> -> memref<1x128x128xbf16, #tpu.memory_space<vmem>>
    %dma_wait3A_227 = tpu.memref_squeeze %dma_wait3A_226 : memref<1x128x128xbf16, #tpu.memory_space<vmem>> -> memref<128x128xbf16, #tpu.memory_space<vmem>>
    %dma_wait3A_228 = arith.constant 0 : i32
    %dma_wait3A_229 = tpu.memref_slice %arg11[%dma_wait3A_222, %dma_wait3A_228] : memref<8x128xi32, #tpu.memory_space<vmem>> -> memref<1x128xi32, #tpu.memory_space<vmem>>
    %dma_wait3A_230 = tpu.memref_squeeze %dma_wait3A_229 : memref<1x128xi32, #tpu.memory_space<vmem>> -> memref<128xi32, #tpu.memory_space<vmem>>
    %dma_wait3A_231 = arith.constant 0 : i32
    %dma_wait3A_232 = arith.constant 0 : i32
    %dma_wait3A_233 = tpu.memref_slice %arg2[%dma_wait3A_231, %dma_wait3A_232] : memref<10000x128xbf16, #tpu.memory_space<hbm>> -> memref<10000x128xbf16, #tpu.memory_space<hbm>>
    tpu.wait_indirect_dma semaphore(%arg16 : memref<!tpu.dma_semaphore, #tpu.memory_space<semaphore_mem>>) src(%dma_wait3A_233 : memref<10000x128xbf16, #tpu.memory_space<hbm>>) dst(%dma_wait3A_227 : memref<128x128xbf16, #tpu.memory_space<vmem>>)
    %run_scoped3A = arith.constant 0 : i32
    %run_scoped3A_234 = arith.constant 72 : i32
    "tpu.region"() ({
      %run_scoped3A_446 = tpu.sem_alloc : memref<!tpu.dma_semaphore, #tpu.memory_space<semaphore_mem>>
      %dma_start3A_447 = arith.constant 0 : i32
      %dma_start3A_448 = arith.constant 0 : i32
      %dma_start3A_449 = tpu.memref_slice %arg12[%run_scoped3A, %dma_start3A_447, %dma_start3A_448] : memref<4x128x128xbf16, #tpu.memory_space<vmem>> -> memref<1x128x128xbf16, #tpu.memory_space<vmem>>
      %dma_start3A_450 = tpu.memref_squeeze %dma_start3A_449 : memref<1x128x128xbf16, #tpu.memory_space<vmem>> -> memref<128x128xbf16, #tpu.memory_space<vmem>>
      %dma_start3A_451 = arith.constant 0 : i32
      %dma_start3A_452 = tpu.memref_slice %arg10[%run_scoped3A_234, %dma_start3A_451] : memref<80x128xi32, #tpu.memory_space<vmem>> -> memref<1x128xi32, #tpu.memory_space<vmem>>
      %dma_start3A_453 = tpu.memref_squeeze %dma_start3A_452 : memref<1x128xi32, #tpu.memory_space<vmem>> -> memref<128xi32, #tpu.memory_space<vmem>>
      %dma_start3A_454 = arith.constant 0 : i32
      %dma_start3A_455 = arith.constant 0 : i32
      %dma_start3A_456 = tpu.memref_slice %arg14[%dma_start3A_454, %dma_start3A_455] : memref<10240x128xbf16, #tpu.memory_space<vmem_shared>> -> memref<10240x128xbf16, #tpu.memory_space<vmem_shared>>
      tpu.enqueue_indirect_dma source(%dma_start3A_450 : memref<128x128xbf16, #tpu.memory_space<vmem>>) target(%dma_start3A_456 : memref<10240x128xbf16, #tpu.memory_space<vmem_shared>>) offsets(%dma_start3A_453 : memref<128xi32, #tpu.memory_space<vmem>>) semaphore(%run_scoped3A_446 : memref<!tpu.dma_semaphore, #tpu.memory_space<semaphore_mem>>) {add = true}
      %dma_wait3A_457 = arith.constant 0 : i32
      %dma_wait3A_458 = arith.constant 0 : i32
      %dma_wait3A_459 = tpu.memref_slice %arg12[%run_scoped3A, %dma_wait3A_457, %dma_wait3A_458] : memref<4x128x128xbf16, #tpu.memory_space<vmem>> -> memref<1x128x128xbf16, #tpu.memory_space<vmem>>
      %dma_wait3A_460 = tpu.memref_squeeze %dma_wait3A_459 : memref<1x128x128xbf16, #tpu.memory_space<vmem>> -> memref<128x128xbf16, #tpu.memory_space<vmem>>
      %dma_wait3A_461 = arith.constant 0 : i32
      %dma_wait3A_462 = tpu.memref_slice %arg10[%run_scoped3A_234, %dma_wait3A_461] : memref<80x128xi32, #tpu.memory_space<vmem>> -> memref<1x128xi32, #tpu.memory_space<vmem>>
      %dma_wait3A_463 = tpu.memref_squeeze %dma_wait3A_462 : memref<1x128xi32, #tpu.memory_space<vmem>> -> memref<128xi32, #tpu.memory_space<vmem>>
      %dma_wait3A_464 = arith.constant 0 : i32
      %dma_wait3A_465 = arith.constant 0 : i32
      %dma_wait3A_466 = tpu.memref_slice %arg14[%dma_wait3A_464, %dma_wait3A_465] : memref<10240x128xbf16, #tpu.memory_space<vmem_shared>> -> memref<10240x128xbf16, #tpu.memory_space<vmem_shared>>
      tpu.wait_indirect_dma semaphore(%run_scoped3A_446 : memref<!tpu.dma_semaphore, #tpu.memory_space<semaphore_mem>>) src(%dma_wait3A_460 : memref<128x128xbf16, #tpu.memory_space<vmem>>) dst(%dma_wait3A_466 : memref<10240x128xbf16, #tpu.memory_space<vmem_shared>>)
      tpu.yield
    }) : () -> ()
    %run_scoped3A_235 = arith.constant 72 : i32
    "tpu.region"() ({
      %run_scoped3A_446 = tpu.sem_alloc : memref<!tpu.dma_semaphore, #tpu.memory_space<semaphore_mem>>
      %dma_start3A_447 = arith.constant 0 : i32
      %dma_start3A_448 = tpu.memref_slice %arg10[%run_scoped3A_235, %dma_start3A_447] : memref<80x128xi32, #tpu.memory_space<vmem>> -> memref<1x128xi32, #tpu.memory_space<vmem>>
      %dma_start3A_449 = tpu.memref_squeeze %dma_start3A_448 : memref<1x128xi32, #tpu.memory_space<vmem>> -> memref<128xi32, #tpu.memory_space<vmem>>
      %dma_start3A_450 = arith.constant 0 : i32
      %dma_start3A_451 = tpu.memref_slice %arg15[%dma_start3A_450] : memref<10240xf32, #tpu.memory_space<vmem_shared>> -> memref<10240xf32, #tpu.memory_space<vmem_shared>>
      tpu.enqueue_indirect_dma source(%arg13 : memref<128xf32, #tpu.memory_space<vmem>>) target(%dma_start3A_451 : memref<10240xf32, #tpu.memory_space<vmem_shared>>) offsets(%dma_start3A_449 : memref<128xi32, #tpu.memory_space<vmem>>) semaphore(%run_scoped3A_446 : memref<!tpu.dma_semaphore, #tpu.memory_space<semaphore_mem>>) {add = true}
      %dma_wait3A_452 = arith.constant 0 : i32
      %dma_wait3A_453 = tpu.memref_slice %arg10[%run_scoped3A_235, %dma_wait3A_452] : memref<80x128xi32, #tpu.memory_space<vmem>> -> memref<1x128xi32, #tpu.memory_space<vmem>>
      %dma_wait3A_454 = tpu.memref_squeeze %dma_wait3A_453 : memref<1x128xi32, #tpu.memory_space<vmem>> -> memref<128xi32, #tpu.memory_space<vmem>>
      %dma_wait3A_455 = arith.constant 0 : i32
      %dma_wait3A_456 = tpu.memref_slice %arg15[%dma_wait3A_455] : memref<10240xf32, #tpu.memory_space<vmem_shared>> -> memref<10240xf32, #tpu.memory_space<vmem_shared>>
      tpu.wait_indirect_dma semaphore(%run_scoped3A_446 : memref<!tpu.dma_semaphore, #tpu.memory_space<semaphore_mem>>) src(%arg13 : memref<128xf32, #tpu.memory_space<vmem>>) dst(%dma_wait3A_456 : memref<10240xf32, #tpu.memory_space<vmem_shared>>)
      tpu.yield
    }) : () -> ()
    %dma_wait3A_236 = arith.constant 76 : i32
    %dma_wait3A_237 = arith.constant 4 : i32
    %dma_wait3A_238 = arith.constant 0 : i32
    %dma_wait3A_239 = tpu.memref_slice %arg11[%dma_wait3A_237, %dma_wait3A_238] : memref<8x128xi32, #tpu.memory_space<vmem>> -> memref<1x128xi32, #tpu.memory_space<vmem>>
    %dma_wait3A_240 = tpu.memref_squeeze %dma_wait3A_239 : memref<1x128xi32, #tpu.memory_space<vmem>> -> memref<128xi32, #tpu.memory_space<vmem>>
    %dma_wait3A_241 = arith.constant 0 : i32
    %dma_wait3A_242 = tpu.memref_slice %arg3[%add3A, %dma_wait3A_236, %dma_wait3A_241] : memref<32x80x128xi32, #tpu.memory_space<hbm>> -> memref<1x1x128xi32, #tpu.memory_space<hbm>>
    %dma_wait3A_243 = tpu.memref_squeeze %dma_wait3A_242 : memref<1x1x128xi32, #tpu.memory_space<hbm>> -> memref<128xi32, #tpu.memory_space<hbm>>
    %dma_wait3A_244 = arith.constant 0 : i32
    %dma_wait3A_245 = tpu.memref_slice %arg11[%dma_wait3A_237, %dma_wait3A_244] : memref<8x128xi32, #tpu.memory_space<vmem>> -> memref<1x128xi32, #tpu.memory_space<vmem>>
    %dma_wait3A_246 = tpu.memref_squeeze %dma_wait3A_245 : memref<1x128xi32, #tpu.memory_space<vmem>> -> memref<128xi32, #tpu.memory_space<vmem>>
    %dma_wait3A_247 = arith.constant 0 : i32
    %dma_wait3A_248 = tpu.memref_slice %arg3[%add3A, %dma_wait3A_236, %dma_wait3A_247] : memref<32x80x128xi32, #tpu.memory_space<hbm>> -> memref<1x1x128xi32, #tpu.memory_space<hbm>>
    %dma_wait3A_249 = tpu.memref_squeeze %dma_wait3A_248 : memref<1x1x128xi32, #tpu.memory_space<hbm>> -> memref<128xi32, #tpu.memory_space<hbm>>
    tpu.wait_dma2 semaphore(%arg24 : memref<!tpu.dma_semaphore, #tpu.memory_space<semaphore_mem>>) src(%dma_wait3A_249 : memref<128xi32, #tpu.memory_space<hbm>>) dst(%dma_wait3A_246 : memref<128xi32, #tpu.memory_space<vmem>>)
    %dma_start3A_250 = arith.constant 4 : i32
    %dma_start3A_251 = arith.constant 0 : i32
    %dma_start3A_252 = arith.constant 0 : i32
    %dma_start3A_253 = arith.constant 0 : i32
    %dma_start3A_254 = tpu.memref_slice %arg12[%dma_start3A_251, %dma_start3A_252, %dma_start3A_253] : memref<4x128x128xbf16, #tpu.memory_space<vmem>> -> memref<1x128x128xbf16, #tpu.memory_space<vmem>>
    %dma_start3A_255 = tpu.memref_squeeze %dma_start3A_254 : memref<1x128x128xbf16, #tpu.memory_space<vmem>> -> memref<128x128xbf16, #tpu.memory_space<vmem>>
    %dma_start3A_256 = arith.constant 0 : i32
    %dma_start3A_257 = tpu.memref_slice %arg11[%dma_start3A_250, %dma_start3A_256] : memref<8x128xi32, #tpu.memory_space<vmem>> -> memref<1x128xi32, #tpu.memory_space<vmem>>
    %dma_start3A_258 = tpu.memref_squeeze %dma_start3A_257 : memref<1x128xi32, #tpu.memory_space<vmem>> -> memref<128xi32, #tpu.memory_space<vmem>>
    %dma_start3A_259 = arith.constant 0 : i32
    %dma_start3A_260 = arith.constant 0 : i32
    %dma_start3A_261 = tpu.memref_slice %arg2[%dma_start3A_259, %dma_start3A_260] : memref<10000x128xbf16, #tpu.memory_space<hbm>> -> memref<10000x128xbf16, #tpu.memory_space<hbm>>
    tpu.enqueue_indirect_dma source(%dma_start3A_261 : memref<10000x128xbf16, #tpu.memory_space<hbm>>) target(%dma_start3A_255 : memref<128x128xbf16, #tpu.memory_space<vmem>>) offsets(%dma_start3A_258 : memref<128xi32, #tpu.memory_space<vmem>>) semaphore(%arg16 : memref<!tpu.dma_semaphore, #tpu.memory_space<semaphore_mem>>)
    %dma_wait3A_262 = arith.constant 1 : i32
    %dma_wait3A_263 = arith.constant 1 : i32
    %dma_wait3A_264 = arith.constant 0 : i32
    %dma_wait3A_265 = arith.constant 0 : i32
    %dma_wait3A_266 = tpu.memref_slice %arg12[%dma_wait3A_263, %dma_wait3A_264, %dma_wait3A_265] : memref<4x128x128xbf16, #tpu.memory_space<vmem>> -> memref<1x128x128xbf16, #tpu.memory_space<vmem>>
    %dma_wait3A_267 = tpu.memref_squeeze %dma_wait3A_266 : memref<1x128x128xbf16, #tpu.memory_space<vmem>> -> memref<128x128xbf16, #tpu.memory_space<vmem>>
    %dma_wait3A_268 = arith.constant 0 : i32
    %dma_wait3A_269 = tpu.memref_slice %arg11[%dma_wait3A_262, %dma_wait3A_268] : memref<8x128xi32, #tpu.memory_space<vmem>> -> memref<1x128xi32, #tpu.memory_space<vmem>>
    %dma_wait3A_270 = tpu.memref_squeeze %dma_wait3A_269 : memref<1x128xi32, #tpu.memory_space<vmem>> -> memref<128xi32, #tpu.memory_space<vmem>>
    %dma_wait3A_271 = arith.constant 0 : i32
    %dma_wait3A_272 = arith.constant 0 : i32
    %dma_wait3A_273 = tpu.memref_slice %arg2[%dma_wait3A_271, %dma_wait3A_272] : memref<10000x128xbf16, #tpu.memory_space<hbm>> -> memref<10000x128xbf16, #tpu.memory_space<hbm>>
    tpu.wait_indirect_dma semaphore(%arg17 : memref<!tpu.dma_semaphore, #tpu.memory_space<semaphore_mem>>) src(%dma_wait3A_273 : memref<10000x128xbf16, #tpu.memory_space<hbm>>) dst(%dma_wait3A_267 : memref<128x128xbf16, #tpu.memory_space<vmem>>)
    %run_scoped3A_274 = arith.constant 1 : i32
    %run_scoped3A_275 = arith.constant 73 : i32
    "tpu.region"() ({
      %run_scoped3A_446 = tpu.sem_alloc : memref<!tpu.dma_semaphore, #tpu.memory_space<semaphore_mem>>
      %dma_start3A_447 = arith.constant 0 : i32
      %dma_start3A_448 = arith.constant 0 : i32
      %dma_start3A_449 = tpu.memref_slice %arg12[%run_scoped3A_274, %dma_start3A_447, %dma_start3A_448] : memref<4x128x128xbf16, #tpu.memory_space<vmem>> -> memref<1x128x128xbf16, #tpu.memory_space<vmem>>
      %dma_start3A_450 = tpu.memref_squeeze %dma_start3A_449 : memref<1x128x128xbf16, #tpu.memory_space<vmem>> -> memref<128x128xbf16, #tpu.memory_space<vmem>>
      %dma_start3A_451 = arith.constant 0 : i32
      %dma_start3A_452 = tpu.memref_slice %arg10[%run_scoped3A_275, %dma_start3A_451] : memref<80x128xi32, #tpu.memory_space<vmem>> -> memref<1x128xi32, #tpu.memory_space<vmem>>
      %dma_start3A_453 = tpu.memref_squeeze %dma_start3A_452 : memref<1x128xi32, #tpu.memory_space<vmem>> -> memref<128xi32, #tpu.memory_space<vmem>>
      %dma_start3A_454 = arith.constant 0 : i32
      %dma_start3A_455 = arith.constant 0 : i32
      %dma_start3A_456 = tpu.memref_slice %arg14[%dma_start3A_454, %dma_start3A_455] : memref<10240x128xbf16, #tpu.memory_space<vmem_shared>> -> memref<10240x128xbf16, #tpu.memory_space<vmem_shared>>
      tpu.enqueue_indirect_dma source(%dma_start3A_450 : memref<128x128xbf16, #tpu.memory_space<vmem>>) target(%dma_start3A_456 : memref<10240x128xbf16, #tpu.memory_space<vmem_shared>>) offsets(%dma_start3A_453 : memref<128xi32, #tpu.memory_space<vmem>>) semaphore(%run_scoped3A_446 : memref<!tpu.dma_semaphore, #tpu.memory_space<semaphore_mem>>) {add = true}
      %dma_wait3A_457 = arith.constant 0 : i32
      %dma_wait3A_458 = arith.constant 0 : i32
      %dma_wait3A_459 = tpu.memref_slice %arg12[%run_scoped3A_274, %dma_wait3A_457, %dma_wait3A_458] : memref<4x128x128xbf16, #tpu.memory_space<vmem>> -> memref<1x128x128xbf16, #tpu.memory_space<vmem>>
      %dma_wait3A_460 = tpu.memref_squeeze %dma_wait3A_459 : memref<1x128x128xbf16, #tpu.memory_space<vmem>> -> memref<128x128xbf16, #tpu.memory_space<vmem>>
      %dma_wait3A_461 = arith.constant 0 : i32
      %dma_wait3A_462 = tpu.memref_slice %arg10[%run_scoped3A_275, %dma_wait3A_461] : memref<80x128xi32, #tpu.memory_space<vmem>> -> memref<1x128xi32, #tpu.memory_space<vmem>>
      %dma_wait3A_463 = tpu.memref_squeeze %dma_wait3A_462 : memref<1x128xi32, #tpu.memory_space<vmem>> -> memref<128xi32, #tpu.memory_space<vmem>>
      %dma_wait3A_464 = arith.constant 0 : i32
      %dma_wait3A_465 = arith.constant 0 : i32
      %dma_wait3A_466 = tpu.memref_slice %arg14[%dma_wait3A_464, %dma_wait3A_465] : memref<10240x128xbf16, #tpu.memory_space<vmem_shared>> -> memref<10240x128xbf16, #tpu.memory_space<vmem_shared>>
      tpu.wait_indirect_dma semaphore(%run_scoped3A_446 : memref<!tpu.dma_semaphore, #tpu.memory_space<semaphore_mem>>) src(%dma_wait3A_460 : memref<128x128xbf16, #tpu.memory_space<vmem>>) dst(%dma_wait3A_466 : memref<10240x128xbf16, #tpu.memory_space<vmem_shared>>)
      tpu.yield
    }) : () -> ()
    %run_scoped3A_276 = arith.constant 73 : i32
    "tpu.region"() ({
      %run_scoped3A_446 = tpu.sem_alloc : memref<!tpu.dma_semaphore, #tpu.memory_space<semaphore_mem>>
      %dma_start3A_447 = arith.constant 0 : i32
      %dma_start3A_448 = tpu.memref_slice %arg10[%run_scoped3A_276, %dma_start3A_447] : memref<80x128xi32, #tpu.memory_space<vmem>> -> memref<1x128xi32, #tpu.memory_space<vmem>>
      %dma_start3A_449 = tpu.memref_squeeze %dma_start3A_448 : memref<1x128xi32, #tpu.memory_space<vmem>> -> memref<128xi32, #tpu.memory_space<vmem>>
      %dma_start3A_450 = arith.constant 0 : i32
      %dma_start3A_451 = tpu.memref_slice %arg15[%dma_start3A_450] : memref<10240xf32, #tpu.memory_space<vmem_shared>> -> memref<10240xf32, #tpu.memory_space<vmem_shared>>
      tpu.enqueue_indirect_dma source(%arg13 : memref<128xf32, #tpu.memory_space<vmem>>) target(%dma_start3A_451 : memref<10240xf32, #tpu.memory_space<vmem_shared>>) offsets(%dma_start3A_449 : memref<128xi32, #tpu.memory_space<vmem>>) semaphore(%run_scoped3A_446 : memref<!tpu.dma_semaphore, #tpu.memory_space<semaphore_mem>>) {add = true}
      %dma_wait3A_452 = arith.constant 0 : i32
      %dma_wait3A_453 = tpu.memref_slice %arg10[%run_scoped3A_276, %dma_wait3A_452] : memref<80x128xi32, #tpu.memory_space<vmem>> -> memref<1x128xi32, #tpu.memory_space<vmem>>
      %dma_wait3A_454 = tpu.memref_squeeze %dma_wait3A_453 : memref<1x128xi32, #tpu.memory_space<vmem>> -> memref<128xi32, #tpu.memory_space<vmem>>
      %dma_wait3A_455 = arith.constant 0 : i32
      %dma_wait3A_456 = tpu.memref_slice %arg15[%dma_wait3A_455] : memref<10240xf32, #tpu.memory_space<vmem_shared>> -> memref<10240xf32, #tpu.memory_space<vmem_shared>>
      tpu.wait_indirect_dma semaphore(%run_scoped3A_446 : memref<!tpu.dma_semaphore, #tpu.memory_space<semaphore_mem>>) src(%arg13 : memref<128xf32, #tpu.memory_space<vmem>>) dst(%dma_wait3A_456 : memref<10240xf32, #tpu.memory_space<vmem_shared>>)
      tpu.yield
    }) : () -> ()
    %dma_wait3A_277 = arith.constant 77 : i32
    %dma_wait3A_278 = arith.constant 5 : i32
    %dma_wait3A_279 = arith.constant 0 : i32
    %dma_wait3A_280 = tpu.memref_slice %arg11[%dma_wait3A_278, %dma_wait3A_279] : memref<8x128xi32, #tpu.memory_space<vmem>> -> memref<1x128xi32, #tpu.memory_space<vmem>>
    %dma_wait3A_281 = tpu.memref_squeeze %dma_wait3A_280 : memref<1x128xi32, #tpu.memory_space<vmem>> -> memref<128xi32, #tpu.memory_space<vmem>>
    %dma_wait3A_282 = arith.constant 0 : i32
    %dma_wait3A_283 = tpu.memref_slice %arg3[%add3A, %dma_wait3A_277, %dma_wait3A_282] : memref<32x80x128xi32, #tpu.memory_space<hbm>> -> memref<1x1x128xi32, #tpu.memory_space<hbm>>
    %dma_wait3A_284 = tpu.memref_squeeze %dma_wait3A_283 : memref<1x1x128xi32, #tpu.memory_space<hbm>> -> memref<128xi32, #tpu.memory_space<hbm>>
    %dma_wait3A_285 = arith.constant 0 : i32
    %dma_wait3A_286 = tpu.memref_slice %arg11[%dma_wait3A_278, %dma_wait3A_285] : memref<8x128xi32, #tpu.memory_space<vmem>> -> memref<1x128xi32, #tpu.memory_space<vmem>>
    %dma_wait3A_287 = tpu.memref_squeeze %dma_wait3A_286 : memref<1x128xi32, #tpu.memory_space<vmem>> -> memref<128xi32, #tpu.memory_space<vmem>>
    %dma_wait3A_288 = arith.constant 0 : i32
    %dma_wait3A_289 = tpu.memref_slice %arg3[%add3A, %dma_wait3A_277, %dma_wait3A_288] : memref<32x80x128xi32, #tpu.memory_space<hbm>> -> memref<1x1x128xi32, #tpu.memory_space<hbm>>
    %dma_wait3A_290 = tpu.memref_squeeze %dma_wait3A_289 : memref<1x1x128xi32, #tpu.memory_space<hbm>> -> memref<128xi32, #tpu.memory_space<hbm>>
    tpu.wait_dma2 semaphore(%arg25 : memref<!tpu.dma_semaphore, #tpu.memory_space<semaphore_mem>>) src(%dma_wait3A_290 : memref<128xi32, #tpu.memory_space<hbm>>) dst(%dma_wait3A_287 : memref<128xi32, #tpu.memory_space<vmem>>)
    %dma_start3A_291 = arith.constant 5 : i32
    %dma_start3A_292 = arith.constant 1 : i32
    %dma_start3A_293 = arith.constant 0 : i32
    %dma_start3A_294 = arith.constant 0 : i32
    %dma_start3A_295 = tpu.memref_slice %arg12[%dma_start3A_292, %dma_start3A_293, %dma_start3A_294] : memref<4x128x128xbf16, #tpu.memory_space<vmem>> -> memref<1x128x128xbf16, #tpu.memory_space<vmem>>
    %dma_start3A_296 = tpu.memref_squeeze %dma_start3A_295 : memref<1x128x128xbf16, #tpu.memory_space<vmem>> -> memref<128x128xbf16, #tpu.memory_space<vmem>>
    %dma_start3A_297 = arith.constant 0 : i32
    %dma_start3A_298 = tpu.memref_slice %arg11[%dma_start3A_291, %dma_start3A_297] : memref<8x128xi32, #tpu.memory_space<vmem>> -> memref<1x128xi32, #tpu.memory_space<vmem>>
    %dma_start3A_299 = tpu.memref_squeeze %dma_start3A_298 : memref<1x128xi32, #tpu.memory_space<vmem>> -> memref<128xi32, #tpu.memory_space<vmem>>
    %dma_start3A_300 = arith.constant 0 : i32
    %dma_start3A_301 = arith.constant 0 : i32
    %dma_start3A_302 = tpu.memref_slice %arg2[%dma_start3A_300, %dma_start3A_301] : memref<10000x128xbf16, #tpu.memory_space<hbm>> -> memref<10000x128xbf16, #tpu.memory_space<hbm>>
    tpu.enqueue_indirect_dma source(%dma_start3A_302 : memref<10000x128xbf16, #tpu.memory_space<hbm>>) target(%dma_start3A_296 : memref<128x128xbf16, #tpu.memory_space<vmem>>) offsets(%dma_start3A_299 : memref<128xi32, #tpu.memory_space<vmem>>) semaphore(%arg17 : memref<!tpu.dma_semaphore, #tpu.memory_space<semaphore_mem>>)
    %dma_wait3A_303 = arith.constant 2 : i32
    %dma_wait3A_304 = arith.constant 2 : i32
    %dma_wait3A_305 = arith.constant 0 : i32
    %dma_wait3A_306 = arith.constant 0 : i32
    %dma_wait3A_307 = tpu.memref_slice %arg12[%dma_wait3A_304, %dma_wait3A_305, %dma_wait3A_306] : memref<4x128x128xbf16, #tpu.memory_space<vmem>> -> memref<1x128x128xbf16, #tpu.memory_space<vmem>>
    %dma_wait3A_308 = tpu.memref_squeeze %dma_wait3A_307 : memref<1x128x128xbf16, #tpu.memory_space<vmem>> -> memref<128x128xbf16, #tpu.memory_space<vmem>>
    %dma_wait3A_309 = arith.constant 0 : i32
    %dma_wait3A_310 = tpu.memref_slice %arg11[%dma_wait3A_303, %dma_wait3A_309] : memref<8x128xi32, #tpu.memory_space<vmem>> -> memref<1x128xi32, #tpu.memory_space<vmem>>
    %dma_wait3A_311 = tpu.memref_squeeze %dma_wait3A_310 : memref<1x128xi32, #tpu.memory_space<vmem>> -> memref<128xi32, #tpu.memory_space<vmem>>
    %dma_wait3A_312 = arith.constant 0 : i32
    %dma_wait3A_313 = arith.constant 0 : i32
    %dma_wait3A_314 = tpu.memref_slice %arg2[%dma_wait3A_312, %dma_wait3A_313] : memref<10000x128xbf16, #tpu.memory_space<hbm>> -> memref<10000x128xbf16, #tpu.memory_space<hbm>>
    tpu.wait_indirect_dma semaphore(%arg18 : memref<!tpu.dma_semaphore, #tpu.memory_space<semaphore_mem>>) src(%dma_wait3A_314 : memref<10000x128xbf16, #tpu.memory_space<hbm>>) dst(%dma_wait3A_308 : memref<128x128xbf16, #tpu.memory_space<vmem>>)
    %run_scoped3A_315 = arith.constant 2 : i32
    %run_scoped3A_316 = arith.constant 74 : i32
    "tpu.region"() ({
      %run_scoped3A_446 = tpu.sem_alloc : memref<!tpu.dma_semaphore, #tpu.memory_space<semaphore_mem>>
      %dma_start3A_447 = arith.constant 0 : i32
      %dma_start3A_448 = arith.constant 0 : i32
      %dma_start3A_449 = tpu.memref_slice %arg12[%run_scoped3A_315, %dma_start3A_447, %dma_start3A_448] : memref<4x128x128xbf16, #tpu.memory_space<vmem>> -> memref<1x128x128xbf16, #tpu.memory_space<vmem>>
      %dma_start3A_450 = tpu.memref_squeeze %dma_start3A_449 : memref<1x128x128xbf16, #tpu.memory_space<vmem>> -> memref<128x128xbf16, #tpu.memory_space<vmem>>
      %dma_start3A_451 = arith.constant 0 : i32
      %dma_start3A_452 = tpu.memref_slice %arg10[%run_scoped3A_316, %dma_start3A_451] : memref<80x128xi32, #tpu.memory_space<vmem>> -> memref<1x128xi32, #tpu.memory_space<vmem>>
      %dma_start3A_453 = tpu.memref_squeeze %dma_start3A_452 : memref<1x128xi32, #tpu.memory_space<vmem>> -> memref<128xi32, #tpu.memory_space<vmem>>
      %dma_start3A_454 = arith.constant 0 : i32
      %dma_start3A_455 = arith.constant 0 : i32
      %dma_start3A_456 = tpu.memref_slice %arg14[%dma_start3A_454, %dma_start3A_455] : memref<10240x128xbf16, #tpu.memory_space<vmem_shared>> -> memref<10240x128xbf16, #tpu.memory_space<vmem_shared>>
      tpu.enqueue_indirect_dma source(%dma_start3A_450 : memref<128x128xbf16, #tpu.memory_space<vmem>>) target(%dma_start3A_456 : memref<10240x128xbf16, #tpu.memory_space<vmem_shared>>) offsets(%dma_start3A_453 : memref<128xi32, #tpu.memory_space<vmem>>) semaphore(%run_scoped3A_446 : memref<!tpu.dma_semaphore, #tpu.memory_space<semaphore_mem>>) {add = true}
      %dma_wait3A_457 = arith.constant 0 : i32
      %dma_wait3A_458 = arith.constant 0 : i32
      %dma_wait3A_459 = tpu.memref_slice %arg12[%run_scoped3A_315, %dma_wait3A_457, %dma_wait3A_458] : memref<4x128x128xbf16, #tpu.memory_space<vmem>> -> memref<1x128x128xbf16, #tpu.memory_space<vmem>>
      %dma_wait3A_460 = tpu.memref_squeeze %dma_wait3A_459 : memref<1x128x128xbf16, #tpu.memory_space<vmem>> -> memref<128x128xbf16, #tpu.memory_space<vmem>>
      %dma_wait3A_461 = arith.constant 0 : i32
      %dma_wait3A_462 = tpu.memref_slice %arg10[%run_scoped3A_316, %dma_wait3A_461] : memref<80x128xi32, #tpu.memory_space<vmem>> -> memref<1x128xi32, #tpu.memory_space<vmem>>
      %dma_wait3A_463 = tpu.memref_squeeze %dma_wait3A_462 : memref<1x128xi32, #tpu.memory_space<vmem>> -> memref<128xi32, #tpu.memory_space<vmem>>
      %dma_wait3A_464 = arith.constant 0 : i32
      %dma_wait3A_465 = arith.constant 0 : i32
      %dma_wait3A_466 = tpu.memref_slice %arg14[%dma_wait3A_464, %dma_wait3A_465] : memref<10240x128xbf16, #tpu.memory_space<vmem_shared>> -> memref<10240x128xbf16, #tpu.memory_space<vmem_shared>>
      tpu.wait_indirect_dma semaphore(%run_scoped3A_446 : memref<!tpu.dma_semaphore, #tpu.memory_space<semaphore_mem>>) src(%dma_wait3A_460 : memref<128x128xbf16, #tpu.memory_space<vmem>>) dst(%dma_wait3A_466 : memref<10240x128xbf16, #tpu.memory_space<vmem_shared>>)
      tpu.yield
    }) : () -> ()
    %run_scoped3A_317 = arith.constant 74 : i32
    "tpu.region"() ({
      %run_scoped3A_446 = tpu.sem_alloc : memref<!tpu.dma_semaphore, #tpu.memory_space<semaphore_mem>>
      %dma_start3A_447 = arith.constant 0 : i32
      %dma_start3A_448 = tpu.memref_slice %arg10[%run_scoped3A_317, %dma_start3A_447] : memref<80x128xi32, #tpu.memory_space<vmem>> -> memref<1x128xi32, #tpu.memory_space<vmem>>
      %dma_start3A_449 = tpu.memref_squeeze %dma_start3A_448 : memref<1x128xi32, #tpu.memory_space<vmem>> -> memref<128xi32, #tpu.memory_space<vmem>>
      %dma_start3A_450 = arith.constant 0 : i32
      %dma_start3A_451 = tpu.memref_slice %arg15[%dma_start3A_450] : memref<10240xf32, #tpu.memory_space<vmem_shared>> -> memref<10240xf32, #tpu.memory_space<vmem_shared>>
      tpu.enqueue_indirect_dma source(%arg13 : memref<128xf32, #tpu.memory_space<vmem>>) target(%dma_start3A_451 : memref<10240xf32, #tpu.memory_space<vmem_shared>>) offsets(%dma_start3A_449 : memref<128xi32, #tpu.memory_space<vmem>>) semaphore(%run_scoped3A_446 : memref<!tpu.dma_semaphore, #tpu.memory_space<semaphore_mem>>) {add = true}
      %dma_wait3A_452 = arith.constant 0 : i32
      %dma_wait3A_453 = tpu.memref_slice %arg10[%run_scoped3A_317, %dma_wait3A_452] : memref<80x128xi32, #tpu.memory_space<vmem>> -> memref<1x128xi32, #tpu.memory_space<vmem>>
      %dma_wait3A_454 = tpu.memref_squeeze %dma_wait3A_453 : memref<1x128xi32, #tpu.memory_space<vmem>> -> memref<128xi32, #tpu.memory_space<vmem>>
      %dma_wait3A_455 = arith.constant 0 : i32
      %dma_wait3A_456 = tpu.memref_slice %arg15[%dma_wait3A_455] : memref<10240xf32, #tpu.memory_space<vmem_shared>> -> memref<10240xf32, #tpu.memory_space<vmem_shared>>
      tpu.wait_indirect_dma semaphore(%run_scoped3A_446 : memref<!tpu.dma_semaphore, #tpu.memory_space<semaphore_mem>>) src(%arg13 : memref<128xf32, #tpu.memory_space<vmem>>) dst(%dma_wait3A_456 : memref<10240xf32, #tpu.memory_space<vmem_shared>>)
      tpu.yield
    }) : () -> ()
    %dma_wait3A_318 = arith.constant 78 : i32
    %dma_wait3A_319 = arith.constant 6 : i32
    %dma_wait3A_320 = arith.constant 0 : i32
    %dma_wait3A_321 = tpu.memref_slice %arg11[%dma_wait3A_319, %dma_wait3A_320] : memref<8x128xi32, #tpu.memory_space<vmem>> -> memref<1x128xi32, #tpu.memory_space<vmem>>
    %dma_wait3A_322 = tpu.memref_squeeze %dma_wait3A_321 : memref<1x128xi32, #tpu.memory_space<vmem>> -> memref<128xi32, #tpu.memory_space<vmem>>
    %dma_wait3A_323 = arith.constant 0 : i32
    %dma_wait3A_324 = tpu.memref_slice %arg3[%add3A, %dma_wait3A_318, %dma_wait3A_323] : memref<32x80x128xi32, #tpu.memory_space<hbm>> -> memref<1x1x128xi32, #tpu.memory_space<hbm>>
    %dma_wait3A_325 = tpu.memref_squeeze %dma_wait3A_324 : memref<1x1x128xi32, #tpu.memory_space<hbm>> -> memref<128xi32, #tpu.memory_space<hbm>>
    %dma_wait3A_326 = arith.constant 0 : i32
    %dma_wait3A_327 = tpu.memref_slice %arg11[%dma_wait3A_319, %dma_wait3A_326] : memref<8x128xi32, #tpu.memory_space<vmem>> -> memref<1x128xi32, #tpu.memory_space<vmem>>
    %dma_wait3A_328 = tpu.memref_squeeze %dma_wait3A_327 : memref<1x128xi32, #tpu.memory_space<vmem>> -> memref<128xi32, #tpu.memory_space<vmem>>
    %dma_wait3A_329 = arith.constant 0 : i32
    %dma_wait3A_330 = tpu.memref_slice %arg3[%add3A, %dma_wait3A_318, %dma_wait3A_329] : memref<32x80x128xi32, #tpu.memory_space<hbm>> -> memref<1x1x128xi32, #tpu.memory_space<hbm>>
    %dma_wait3A_331 = tpu.memref_squeeze %dma_wait3A_330 : memref<1x1x128xi32, #tpu.memory_space<hbm>> -> memref<128xi32, #tpu.memory_space<hbm>>
    tpu.wait_dma2 semaphore(%arg26 : memref<!tpu.dma_semaphore, #tpu.memory_space<semaphore_mem>>) src(%dma_wait3A_331 : memref<128xi32, #tpu.memory_space<hbm>>) dst(%dma_wait3A_328 : memref<128xi32, #tpu.memory_space<vmem>>)
    %dma_start3A_332 = arith.constant 6 : i32
    %dma_start3A_333 = arith.constant 2 : i32
    %dma_start3A_334 = arith.constant 0 : i32
    %dma_start3A_335 = arith.constant 0 : i32
    %dma_start3A_336 = tpu.memref_slice %arg12[%dma_start3A_333, %dma_start3A_334, %dma_start3A_335] : memref<4x128x128xbf16, #tpu.memory_space<vmem>> -> memref<1x128x128xbf16, #tpu.memory_space<vmem>>
    %dma_start3A_337 = tpu.memref_squeeze %dma_start3A_336 : memref<1x128x128xbf16, #tpu.memory_space<vmem>> -> memref<128x128xbf16, #tpu.memory_space<vmem>>
    %dma_start3A_338 = arith.constant 0 : i32
    %dma_start3A_339 = tpu.memref_slice %arg11[%dma_start3A_332, %dma_start3A_338] : memref<8x128xi32, #tpu.memory_space<vmem>> -> memref<1x128xi32, #tpu.memory_space<vmem>>
    %dma_start3A_340 = tpu.memref_squeeze %dma_start3A_339 : memref<1x128xi32, #tpu.memory_space<vmem>> -> memref<128xi32, #tpu.memory_space<vmem>>
    %dma_start3A_341 = arith.constant 0 : i32
    %dma_start3A_342 = arith.constant 0 : i32
    %dma_start3A_343 = tpu.memref_slice %arg2[%dma_start3A_341, %dma_start3A_342] : memref<10000x128xbf16, #tpu.memory_space<hbm>> -> memref<10000x128xbf16, #tpu.memory_space<hbm>>
    tpu.enqueue_indirect_dma source(%dma_start3A_343 : memref<10000x128xbf16, #tpu.memory_space<hbm>>) target(%dma_start3A_337 : memref<128x128xbf16, #tpu.memory_space<vmem>>) offsets(%dma_start3A_340 : memref<128xi32, #tpu.memory_space<vmem>>) semaphore(%arg18 : memref<!tpu.dma_semaphore, #tpu.memory_space<semaphore_mem>>)
    %dma_wait3A_344 = arith.constant 3 : i32
    %dma_wait3A_345 = arith.constant 3 : i32
    %dma_wait3A_346 = arith.constant 0 : i32
    %dma_wait3A_347 = arith.constant 0 : i32
    %dma_wait3A_348 = tpu.memref_slice %arg12[%dma_wait3A_345, %dma_wait3A_346, %dma_wait3A_347] : memref<4x128x128xbf16, #tpu.memory_space<vmem>> -> memref<1x128x128xbf16, #tpu.memory_space<vmem>>
    %dma_wait3A_349 = tpu.memref_squeeze %dma_wait3A_348 : memref<1x128x128xbf16, #tpu.memory_space<vmem>> -> memref<128x128xbf16, #tpu.memory_space<vmem>>
    %dma_wait3A_350 = arith.constant 0 : i32
    %dma_wait3A_351 = tpu.memref_slice %arg11[%dma_wait3A_344, %dma_wait3A_350] : memref<8x128xi32, #tpu.memory_space<vmem>> -> memref<1x128xi32, #tpu.memory_space<vmem>>
    %dma_wait3A_352 = tpu.memref_squeeze %dma_wait3A_351 : memref<1x128xi32, #tpu.memory_space<vmem>> -> memref<128xi32, #tpu.memory_space<vmem>>
    %dma_wait3A_353 = arith.constant 0 : i32
    %dma_wait3A_354 = arith.constant 0 : i32
    %dma_wait3A_355 = tpu.memref_slice %arg2[%dma_wait3A_353, %dma_wait3A_354] : memref<10000x128xbf16, #tpu.memory_space<hbm>> -> memref<10000x128xbf16, #tpu.memory_space<hbm>>
    tpu.wait_indirect_dma semaphore(%arg19 : memref<!tpu.dma_semaphore, #tpu.memory_space<semaphore_mem>>) src(%dma_wait3A_355 : memref<10000x128xbf16, #tpu.memory_space<hbm>>) dst(%dma_wait3A_349 : memref<128x128xbf16, #tpu.memory_space<vmem>>)
    %run_scoped3A_356 = arith.constant 3 : i32
    %run_scoped3A_357 = arith.constant 75 : i32
    "tpu.region"() ({
      %run_scoped3A_446 = tpu.sem_alloc : memref<!tpu.dma_semaphore, #tpu.memory_space<semaphore_mem>>
      %dma_start3A_447 = arith.constant 0 : i32
      %dma_start3A_448 = arith.constant 0 : i32
      %dma_start3A_449 = tpu.memref_slice %arg12[%run_scoped3A_356, %dma_start3A_447, %dma_start3A_448] : memref<4x128x128xbf16, #tpu.memory_space<vmem>> -> memref<1x128x128xbf16, #tpu.memory_space<vmem>>
      %dma_start3A_450 = tpu.memref_squeeze %dma_start3A_449 : memref<1x128x128xbf16, #tpu.memory_space<vmem>> -> memref<128x128xbf16, #tpu.memory_space<vmem>>
      %dma_start3A_451 = arith.constant 0 : i32
      %dma_start3A_452 = tpu.memref_slice %arg10[%run_scoped3A_357, %dma_start3A_451] : memref<80x128xi32, #tpu.memory_space<vmem>> -> memref<1x128xi32, #tpu.memory_space<vmem>>
      %dma_start3A_453 = tpu.memref_squeeze %dma_start3A_452 : memref<1x128xi32, #tpu.memory_space<vmem>> -> memref<128xi32, #tpu.memory_space<vmem>>
      %dma_start3A_454 = arith.constant 0 : i32
      %dma_start3A_455 = arith.constant 0 : i32
      %dma_start3A_456 = tpu.memref_slice %arg14[%dma_start3A_454, %dma_start3A_455] : memref<10240x128xbf16, #tpu.memory_space<vmem_shared>> -> memref<10240x128xbf16, #tpu.memory_space<vmem_shared>>
      tpu.enqueue_indirect_dma source(%dma_start3A_450 : memref<128x128xbf16, #tpu.memory_space<vmem>>) target(%dma_start3A_456 : memref<10240x128xbf16, #tpu.memory_space<vmem_shared>>) offsets(%dma_start3A_453 : memref<128xi32, #tpu.memory_space<vmem>>) semaphore(%run_scoped3A_446 : memref<!tpu.dma_semaphore, #tpu.memory_space<semaphore_mem>>) {add = true}
      %dma_wait3A_457 = arith.constant 0 : i32
      %dma_wait3A_458 = arith.constant 0 : i32
      %dma_wait3A_459 = tpu.memref_slice %arg12[%run_scoped3A_356, %dma_wait3A_457, %dma_wait3A_458] : memref<4x128x128xbf16, #tpu.memory_space<vmem>> -> memref<1x128x128xbf16, #tpu.memory_space<vmem>>
      %dma_wait3A_460 = tpu.memref_squeeze %dma_wait3A_459 : memref<1x128x128xbf16, #tpu.memory_space<vmem>> -> memref<128x128xbf16, #tpu.memory_space<vmem>>
      %dma_wait3A_461 = arith.constant 0 : i32
      %dma_wait3A_462 = tpu.memref_slice %arg10[%run_scoped3A_357, %dma_wait3A_461] : memref<80x128xi32, #tpu.memory_space<vmem>> -> memref<1x128xi32, #tpu.memory_space<vmem>>
      %dma_wait3A_463 = tpu.memref_squeeze %dma_wait3A_462 : memref<1x128xi32, #tpu.memory_space<vmem>> -> memref<128xi32, #tpu.memory_space<vmem>>
      %dma_wait3A_464 = arith.constant 0 : i32
      %dma_wait3A_465 = arith.constant 0 : i32
      %dma_wait3A_466 = tpu.memref_slice %arg14[%dma_wait3A_464, %dma_wait3A_465] : memref<10240x128xbf16, #tpu.memory_space<vmem_shared>> -> memref<10240x128xbf16, #tpu.memory_space<vmem_shared>>
      tpu.wait_indirect_dma semaphore(%run_scoped3A_446 : memref<!tpu.dma_semaphore, #tpu.memory_space<semaphore_mem>>) src(%dma_wait3A_460 : memref<128x128xbf16, #tpu.memory_space<vmem>>) dst(%dma_wait3A_466 : memref<10240x128xbf16, #tpu.memory_space<vmem_shared>>)
      tpu.yield
    }) : () -> ()
    %run_scoped3A_358 = arith.constant 75 : i32
    "tpu.region"() ({
      %run_scoped3A_446 = tpu.sem_alloc : memref<!tpu.dma_semaphore, #tpu.memory_space<semaphore_mem>>
      %dma_start3A_447 = arith.constant 0 : i32
      %dma_start3A_448 = tpu.memref_slice %arg10[%run_scoped3A_358, %dma_start3A_447] : memref<80x128xi32, #tpu.memory_space<vmem>> -> memref<1x128xi32, #tpu.memory_space<vmem>>
      %dma_start3A_449 = tpu.memref_squeeze %dma_start3A_448 : memref<1x128xi32, #tpu.memory_space<vmem>> -> memref<128xi32, #tpu.memory_space<vmem>>
      %dma_start3A_450 = arith.constant 0 : i32
      %dma_start3A_451 = tpu.memref_slice %arg15[%dma_start3A_450] : memref<10240xf32, #tpu.memory_space<vmem_shared>> -> memref<10240xf32, #tpu.memory_space<vmem_shared>>
      tpu.enqueue_indirect_dma source(%arg13 : memref<128xf32, #tpu.memory_space<vmem>>) target(%dma_start3A_451 : memref<10240xf32, #tpu.memory_space<vmem_shared>>) offsets(%dma_start3A_449 : memref<128xi32, #tpu.memory_space<vmem>>) semaphore(%run_scoped3A_446 : memref<!tpu.dma_semaphore, #tpu.memory_space<semaphore_mem>>) {add = true}
      %dma_wait3A_452 = arith.constant 0 : i32
      %dma_wait3A_453 = tpu.memref_slice %arg10[%run_scoped3A_358, %dma_wait3A_452] : memref<80x128xi32, #tpu.memory_space<vmem>> -> memref<1x128xi32, #tpu.memory_space<vmem>>
      %dma_wait3A_454 = tpu.memref_squeeze %dma_wait3A_453 : memref<1x128xi32, #tpu.memory_space<vmem>> -> memref<128xi32, #tpu.memory_space<vmem>>
      %dma_wait3A_455 = arith.constant 0 : i32
      %dma_wait3A_456 = tpu.memref_slice %arg15[%dma_wait3A_455] : memref<10240xf32, #tpu.memory_space<vmem_shared>> -> memref<10240xf32, #tpu.memory_space<vmem_shared>>
      tpu.wait_indirect_dma semaphore(%run_scoped3A_446 : memref<!tpu.dma_semaphore, #tpu.memory_space<semaphore_mem>>) src(%arg13 : memref<128xf32, #tpu.memory_space<vmem>>) dst(%dma_wait3A_456 : memref<10240xf32, #tpu.memory_space<vmem_shared>>)
      tpu.yield
    }) : () -> ()
    %dma_wait3A_359 = arith.constant 79 : i32
    %dma_wait3A_360 = arith.constant 7 : i32
    %dma_wait3A_361 = arith.constant 0 : i32
    %dma_wait3A_362 = tpu.memref_slice %arg11[%dma_wait3A_360, %dma_wait3A_361] : memref<8x128xi32, #tpu.memory_space<vmem>> -> memref<1x128xi32, #tpu.memory_space<vmem>>
    %dma_wait3A_363 = tpu.memref_squeeze %dma_wait3A_362 : memref<1x128xi32, #tpu.memory_space<vmem>> -> memref<128xi32, #tpu.memory_space<vmem>>
    %dma_wait3A_364 = arith.constant 0 : i32
    %dma_wait3A_365 = tpu.memref_slice %arg3[%add3A, %dma_wait3A_359, %dma_wait3A_364] : memref<32x80x128xi32, #tpu.memory_space<hbm>> -> memref<1x1x128xi32, #tpu.memory_space<hbm>>
    %dma_wait3A_366 = tpu.memref_squeeze %dma_wait3A_365 : memref<1x1x128xi32, #tpu.memory_space<hbm>> -> memref<128xi32, #tpu.memory_space<hbm>>
    %dma_wait3A_367 = arith.constant 0 : i32
    %dma_wait3A_368 = tpu.memref_slice %arg11[%dma_wait3A_360, %dma_wait3A_367] : memref<8x128xi32, #tpu.memory_space<vmem>> -> memref<1x128xi32, #tpu.memory_space<vmem>>
    %dma_wait3A_369 = tpu.memref_squeeze %dma_wait3A_368 : memref<1x128xi32, #tpu.memory_space<vmem>> -> memref<128xi32, #tpu.memory_space<vmem>>
    %dma_wait3A_370 = arith.constant 0 : i32
    %dma_wait3A_371 = tpu.memref_slice %arg3[%add3A, %dma_wait3A_359, %dma_wait3A_370] : memref<32x80x128xi32, #tpu.memory_space<hbm>> -> memref<1x1x128xi32, #tpu.memory_space<hbm>>
    %dma_wait3A_372 = tpu.memref_squeeze %dma_wait3A_371 : memref<1x1x128xi32, #tpu.memory_space<hbm>> -> memref<128xi32, #tpu.memory_space<hbm>>
    tpu.wait_dma2 semaphore(%arg27 : memref<!tpu.dma_semaphore, #tpu.memory_space<semaphore_mem>>) src(%dma_wait3A_372 : memref<128xi32, #tpu.memory_space<hbm>>) dst(%dma_wait3A_369 : memref<128xi32, #tpu.memory_space<vmem>>)
    %dma_start3A_373 = arith.constant 7 : i32
    %dma_start3A_374 = arith.constant 3 : i32
    %dma_start3A_375 = arith.constant 0 : i32
    %dma_start3A_376 = arith.constant 0 : i32
    %dma_start3A_377 = tpu.memref_slice %arg12[%dma_start3A_374, %dma_start3A_375, %dma_start3A_376] : memref<4x128x128xbf16, #tpu.memory_space<vmem>> -> memref<1x128x128xbf16, #tpu.memory_space<vmem>>
    %dma_start3A_378 = tpu.memref_squeeze %dma_start3A_377 : memref<1x128x128xbf16, #tpu.memory_space<vmem>> -> memref<128x128xbf16, #tpu.memory_space<vmem>>
    %dma_start3A_379 = arith.constant 0 : i32
    %dma_start3A_380 = tpu.memref_slice %arg11[%dma_start3A_373, %dma_start3A_379] : memref<8x128xi32, #tpu.memory_space<vmem>> -> memref<1x128xi32, #tpu.memory_space<vmem>>
    %dma_start3A_381 = tpu.memref_squeeze %dma_start3A_380 : memref<1x128xi32, #tpu.memory_space<vmem>> -> memref<128xi32, #tpu.memory_space<vmem>>
    %dma_start3A_382 = arith.constant 0 : i32
    %dma_start3A_383 = arith.constant 0 : i32
    %dma_start3A_384 = tpu.memref_slice %arg2[%dma_start3A_382, %dma_start3A_383] : memref<10000x128xbf16, #tpu.memory_space<hbm>> -> memref<10000x128xbf16, #tpu.memory_space<hbm>>
    tpu.enqueue_indirect_dma source(%dma_start3A_384 : memref<10000x128xbf16, #tpu.memory_space<hbm>>) target(%dma_start3A_378 : memref<128x128xbf16, #tpu.memory_space<vmem>>) offsets(%dma_start3A_381 : memref<128xi32, #tpu.memory_space<vmem>>) semaphore(%arg19 : memref<!tpu.dma_semaphore, #tpu.memory_space<semaphore_mem>>)
    %dma_wait3A_385 = arith.constant 4 : i32
    %dma_wait3A_386 = arith.constant 0 : i32
    %dma_wait3A_387 = arith.constant 0 : i32
    %dma_wait3A_388 = arith.constant 0 : i32
    %dma_wait3A_389 = tpu.memref_slice %arg12[%dma_wait3A_386, %dma_wait3A_387, %dma_wait3A_388] : memref<4x128x128xbf16, #tpu.memory_space<vmem>> -> memref<1x128x128xbf16, #tpu.memory_space<vmem>>
    %dma_wait3A_390 = tpu.memref_squeeze %dma_wait3A_389 : memref<1x128x128xbf16, #tpu.memory_space<vmem>> -> memref<128x128xbf16, #tpu.memory_space<vmem>>
    %dma_wait3A_391 = arith.constant 0 : i32
    %dma_wait3A_392 = tpu.memref_slice %arg11[%dma_wait3A_385, %dma_wait3A_391] : memref<8x128xi32, #tpu.memory_space<vmem>> -> memref<1x128xi32, #tpu.memory_space<vmem>>
    %dma_wait3A_393 = tpu.memref_squeeze %dma_wait3A_392 : memref<1x128xi32, #tpu.memory_space<vmem>> -> memref<128xi32, #tpu.memory_space<vmem>>
    %dma_wait3A_394 = arith.constant 0 : i32
    %dma_wait3A_395 = arith.constant 0 : i32
    %dma_wait3A_396 = tpu.memref_slice %arg2[%dma_wait3A_394, %dma_wait3A_395] : memref<10000x128xbf16, #tpu.memory_space<hbm>> -> memref<10000x128xbf16, #tpu.memory_space<hbm>>
    tpu.wait_indirect_dma semaphore(%arg16 : memref<!tpu.dma_semaphore, #tpu.memory_space<semaphore_mem>>) src(%dma_wait3A_396 : memref<10000x128xbf16, #tpu.memory_space<hbm>>) dst(%dma_wait3A_390 : memref<128x128xbf16, #tpu.memory_space<vmem>>)
    %run_scoped3A_397 = arith.constant 0 : i32
    %run_scoped3A_398 = arith.constant 76 : i32
    "tpu.region"() ({
      %run_scoped3A_446 = tpu.sem_alloc : memref<!tpu.dma_semaphore, #tpu.memory_space<semaphore_mem>>
      %dma_start3A_447 = arith.constant 0 : i32
      %dma_start3A_448 = arith.constant 0 : i32
      %dma_start3A_449 = tpu.memref_slice %arg12[%run_scoped3A_397, %dma_start3A_447, %dma_start3A_448] : memref<4x128x128xbf16, #tpu.memory_space<vmem>> -> memref<1x128x128xbf16, #tpu.memory_space<vmem>>
      %dma_start3A_450 = tpu.memref_squeeze %dma_start3A_449 : memref<1x128x128xbf16, #tpu.memory_space<vmem>> -> memref<128x128xbf16, #tpu.memory_space<vmem>>
      %dma_start3A_451 = arith.constant 0 : i32
      %dma_start3A_452 = tpu.memref_slice %arg10[%run_scoped3A_398, %dma_start3A_451] : memref<80x128xi32, #tpu.memory_space<vmem>> -> memref<1x128xi32, #tpu.memory_space<vmem>>
      %dma_start3A_453 = tpu.memref_squeeze %dma_start3A_452 : memref<1x128xi32, #tpu.memory_space<vmem>> -> memref<128xi32, #tpu.memory_space<vmem>>
      %dma_start3A_454 = arith.constant 0 : i32
      %dma_start3A_455 = arith.constant 0 : i32
      %dma_start3A_456 = tpu.memref_slice %arg14[%dma_start3A_454, %dma_start3A_455] : memref<10240x128xbf16, #tpu.memory_space<vmem_shared>> -> memref<10240x128xbf16, #tpu.memory_space<vmem_shared>>
      tpu.enqueue_indirect_dma source(%dma_start3A_450 : memref<128x128xbf16, #tpu.memory_space<vmem>>) target(%dma_start3A_456 : memref<10240x128xbf16, #tpu.memory_space<vmem_shared>>) offsets(%dma_start3A_453 : memref<128xi32, #tpu.memory_space<vmem>>) semaphore(%run_scoped3A_446 : memref<!tpu.dma_semaphore, #tpu.memory_space<semaphore_mem>>) {add = true}
      %dma_wait3A_457 = arith.constant 0 : i32
      %dma_wait3A_458 = arith.constant 0 : i32
      %dma_wait3A_459 = tpu.memref_slice %arg12[%run_scoped3A_397, %dma_wait3A_457, %dma_wait3A_458] : memref<4x128x128xbf16, #tpu.memory_space<vmem>> -> memref<1x128x128xbf16, #tpu.memory_space<vmem>>
      %dma_wait3A_460 = tpu.memref_squeeze %dma_wait3A_459 : memref<1x128x128xbf16, #tpu.memory_space<vmem>> -> memref<128x128xbf16, #tpu.memory_space<vmem>>
      %dma_wait3A_461 = arith.constant 0 : i32
      %dma_wait3A_462 = tpu.memref_slice %arg10[%run_scoped3A_398, %dma_wait3A_461] : memref<80x128xi32, #tpu.memory_space<vmem>> -> memref<1x128xi32, #tpu.memory_space<vmem>>
      %dma_wait3A_463 = tpu.memref_squeeze %dma_wait3A_462 : memref<1x128xi32, #tpu.memory_space<vmem>> -> memref<128xi32, #tpu.memory_space<vmem>>
      %dma_wait3A_464 = arith.constant 0 : i32
      %dma_wait3A_465 = arith.constant 0 : i32
      %dma_wait3A_466 = tpu.memref_slice %arg14[%dma_wait3A_464, %dma_wait3A_465] : memref<10240x128xbf16, #tpu.memory_space<vmem_shared>> -> memref<10240x128xbf16, #tpu.memory_space<vmem_shared>>
      tpu.wait_indirect_dma semaphore(%run_scoped3A_446 : memref<!tpu.dma_semaphore, #tpu.memory_space<semaphore_mem>>) src(%dma_wait3A_460 : memref<128x128xbf16, #tpu.memory_space<vmem>>) dst(%dma_wait3A_466 : memref<10240x128xbf16, #tpu.memory_space<vmem_shared>>)
      tpu.yield
    }) : () -> ()
    %run_scoped3A_399 = arith.constant 76 : i32
    "tpu.region"() ({
      %run_scoped3A_446 = tpu.sem_alloc : memref<!tpu.dma_semaphore, #tpu.memory_space<semaphore_mem>>
      %dma_start3A_447 = arith.constant 0 : i32
      %dma_start3A_448 = tpu.memref_slice %arg10[%run_scoped3A_399, %dma_start3A_447] : memref<80x128xi32, #tpu.memory_space<vmem>> -> memref<1x128xi32, #tpu.memory_space<vmem>>
      %dma_start3A_449 = tpu.memref_squeeze %dma_start3A_448 : memref<1x128xi32, #tpu.memory_space<vmem>> -> memref<128xi32, #tpu.memory_space<vmem>>
      %dma_start3A_450 = arith.constant 0 : i32
      %dma_start3A_451 = tpu.memref_slice %arg15[%dma_start3A_450] : memref<10240xf32, #tpu.memory_space<vmem_shared>> -> memref<10240xf32, #tpu.memory_space<vmem_shared>>
      tpu.enqueue_indirect_dma source(%arg13 : memref<128xf32, #tpu.memory_space<vmem>>) target(%dma_start3A_451 : memref<10240xf32, #tpu.memory_space<vmem_shared>>) offsets(%dma_start3A_449 : memref<128xi32, #tpu.memory_space<vmem>>) semaphore(%run_scoped3A_446 : memref<!tpu.dma_semaphore, #tpu.memory_space<semaphore_mem>>) {add = true}
      %dma_wait3A_452 = arith.constant 0 : i32
      %dma_wait3A_453 = tpu.memref_slice %arg10[%run_scoped3A_399, %dma_wait3A_452] : memref<80x128xi32, #tpu.memory_space<vmem>> -> memref<1x128xi32, #tpu.memory_space<vmem>>
      %dma_wait3A_454 = tpu.memref_squeeze %dma_wait3A_453 : memref<1x128xi32, #tpu.memory_space<vmem>> -> memref<128xi32, #tpu.memory_space<vmem>>
      %dma_wait3A_455 = arith.constant 0 : i32
      %dma_wait3A_456 = tpu.memref_slice %arg15[%dma_wait3A_455] : memref<10240xf32, #tpu.memory_space<vmem_shared>> -> memref<10240xf32, #tpu.memory_space<vmem_shared>>
      tpu.wait_indirect_dma semaphore(%run_scoped3A_446 : memref<!tpu.dma_semaphore, #tpu.memory_space<semaphore_mem>>) src(%arg13 : memref<128xf32, #tpu.memory_space<vmem>>) dst(%dma_wait3A_456 : memref<10240xf32, #tpu.memory_space<vmem_shared>>)
      tpu.yield
    }) : () -> ()
    %dma_wait3A_400 = arith.constant 5 : i32
    %dma_wait3A_401 = arith.constant 1 : i32
    %dma_wait3A_402 = arith.constant 0 : i32
    %dma_wait3A_403 = arith.constant 0 : i32
    %dma_wait3A_404 = tpu.memref_slice %arg12[%dma_wait3A_401, %dma_wait3A_402, %dma_wait3A_403] : memref<4x128x128xbf16, #tpu.memory_space<vmem>> -> memref<1x128x128xbf16, #tpu.memory_space<vmem>>
    %dma_wait3A_405 = tpu.memref_squeeze %dma_wait3A_404 : memref<1x128x128xbf16, #tpu.memory_space<vmem>> -> memref<128x128xbf16, #tpu.memory_space<vmem>>
    %dma_wait3A_406 = arith.constant 0 : i32
    %dma_wait3A_407 = tpu.memref_slice %arg11[%dma_wait3A_400, %dma_wait3A_406] : memref<8x128xi32, #tpu.memory_space<vmem>> -> memref<1x128xi32, #tpu.memory_space<vmem>>
    %dma_wait3A_408 = tpu.memref_squeeze %dma_wait3A_407 : memref<1x128xi32, #tpu.memory_space<vmem>> -> memref<128xi32, #tpu.memory_space<vmem>>
    %dma_wait3A_409 = arith.constant 0 : i32
    %dma_wait3A_410 = arith.constant 0 : i32
    %dma_wait3A_411 = tpu.memref_slice %arg2[%dma_wait3A_409, %dma_wait3A_410] : memref<10000x128xbf16, #tpu.memory_space<hbm>> -> memref<10000x128xbf16, #tpu.memory_space<hbm>>
    tpu.wait_indirect_dma semaphore(%arg17 : memref<!tpu.dma_semaphore, #tpu.memory_space<semaphore_mem>>) src(%dma_wait3A_411 : memref<10000x128xbf16, #tpu.memory_space<hbm>>) dst(%dma_wait3A_405 : memref<128x128xbf16, #tpu.memory_space<vmem>>)
    %run_scoped3A_412 = arith.constant 1 : i32
    %run_scoped3A_413 = arith.constant 77 : i32
    "tpu.region"() ({
      %run_scoped3A_446 = tpu.sem_alloc : memref<!tpu.dma_semaphore, #tpu.memory_space<semaphore_mem>>
      %dma_start3A_447 = arith.constant 0 : i32
      %dma_start3A_448 = arith.constant 0 : i32
      %dma_start3A_449 = tpu.memref_slice %arg12[%run_scoped3A_412, %dma_start3A_447, %dma_start3A_448] : memref<4x128x128xbf16, #tpu.memory_space<vmem>> -> memref<1x128x128xbf16, #tpu.memory_space<vmem>>
      %dma_start3A_450 = tpu.memref_squeeze %dma_start3A_449 : memref<1x128x128xbf16, #tpu.memory_space<vmem>> -> memref<128x128xbf16, #tpu.memory_space<vmem>>
      %dma_start3A_451 = arith.constant 0 : i32
      %dma_start3A_452 = tpu.memref_slice %arg10[%run_scoped3A_413, %dma_start3A_451] : memref<80x128xi32, #tpu.memory_space<vmem>> -> memref<1x128xi32, #tpu.memory_space<vmem>>
      %dma_start3A_453 = tpu.memref_squeeze %dma_start3A_452 : memref<1x128xi32, #tpu.memory_space<vmem>> -> memref<128xi32, #tpu.memory_space<vmem>>
      %dma_start3A_454 = arith.constant 0 : i32
      %dma_start3A_455 = arith.constant 0 : i32
      %dma_start3A_456 = tpu.memref_slice %arg14[%dma_start3A_454, %dma_start3A_455] : memref<10240x128xbf16, #tpu.memory_space<vmem_shared>> -> memref<10240x128xbf16, #tpu.memory_space<vmem_shared>>
      tpu.enqueue_indirect_dma source(%dma_start3A_450 : memref<128x128xbf16, #tpu.memory_space<vmem>>) target(%dma_start3A_456 : memref<10240x128xbf16, #tpu.memory_space<vmem_shared>>) offsets(%dma_start3A_453 : memref<128xi32, #tpu.memory_space<vmem>>) semaphore(%run_scoped3A_446 : memref<!tpu.dma_semaphore, #tpu.memory_space<semaphore_mem>>) {add = true}
      %dma_wait3A_457 = arith.constant 0 : i32
      %dma_wait3A_458 = arith.constant 0 : i32
      %dma_wait3A_459 = tpu.memref_slice %arg12[%run_scoped3A_412, %dma_wait3A_457, %dma_wait3A_458] : memref<4x128x128xbf16, #tpu.memory_space<vmem>> -> memref<1x128x128xbf16, #tpu.memory_space<vmem>>
      %dma_wait3A_460 = tpu.memref_squeeze %dma_wait3A_459 : memref<1x128x128xbf16, #tpu.memory_space<vmem>> -> memref<128x128xbf16, #tpu.memory_space<vmem>>
      %dma_wait3A_461 = arith.constant 0 : i32
      %dma_wait3A_462 = tpu.memref_slice %arg10[%run_scoped3A_413, %dma_wait3A_461] : memref<80x128xi32, #tpu.memory_space<vmem>> -> memref<1x128xi32, #tpu.memory_space<vmem>>
      %dma_wait3A_463 = tpu.memref_squeeze %dma_wait3A_462 : memref<1x128xi32, #tpu.memory_space<vmem>> -> memref<128xi32, #tpu.memory_space<vmem>>
      %dma_wait3A_464 = arith.constant 0 : i32
      %dma_wait3A_465 = arith.constant 0 : i32
      %dma_wait3A_466 = tpu.memref_slice %arg14[%dma_wait3A_464, %dma_wait3A_465] : memref<10240x128xbf16, #tpu.memory_space<vmem_shared>> -> memref<10240x128xbf16, #tpu.memory_space<vmem_shared>>
      tpu.wait_indirect_dma semaphore(%run_scoped3A_446 : memref<!tpu.dma_semaphore, #tpu.memory_space<semaphore_mem>>) src(%dma_wait3A_460 : memref<128x128xbf16, #tpu.memory_space<vmem>>) dst(%dma_wait3A_466 : memref<10240x128xbf16, #tpu.memory_space<vmem_shared>>)
      tpu.yield
    }) : () -> ()
    %run_scoped3A_414 = arith.constant 77 : i32
    "tpu.region"() ({
      %run_scoped3A_446 = tpu.sem_alloc : memref<!tpu.dma_semaphore, #tpu.memory_space<semaphore_mem>>
      %dma_start3A_447 = arith.constant 0 : i32
      %dma_start3A_448 = tpu.memref_slice %arg10[%run_scoped3A_414, %dma_start3A_447] : memref<80x128xi32, #tpu.memory_space<vmem>> -> memref<1x128xi32, #tpu.memory_space<vmem>>
      %dma_start3A_449 = tpu.memref_squeeze %dma_start3A_448 : memref<1x128xi32, #tpu.memory_space<vmem>> -> memref<128xi32, #tpu.memory_space<vmem>>
      %dma_start3A_450 = arith.constant 0 : i32
      %dma_start3A_451 = tpu.memref_slice %arg15[%dma_start3A_450] : memref<10240xf32, #tpu.memory_space<vmem_shared>> -> memref<10240xf32, #tpu.memory_space<vmem_shared>>
      tpu.enqueue_indirect_dma source(%arg13 : memref<128xf32, #tpu.memory_space<vmem>>) target(%dma_start3A_451 : memref<10240xf32, #tpu.memory_space<vmem_shared>>) offsets(%dma_start3A_449 : memref<128xi32, #tpu.memory_space<vmem>>) semaphore(%run_scoped3A_446 : memref<!tpu.dma_semaphore, #tpu.memory_space<semaphore_mem>>) {add = true}
      %dma_wait3A_452 = arith.constant 0 : i32
      %dma_wait3A_453 = tpu.memref_slice %arg10[%run_scoped3A_414, %dma_wait3A_452] : memref<80x128xi32, #tpu.memory_space<vmem>> -> memref<1x128xi32, #tpu.memory_space<vmem>>
      %dma_wait3A_454 = tpu.memref_squeeze %dma_wait3A_453 : memref<1x128xi32, #tpu.memory_space<vmem>> -> memref<128xi32, #tpu.memory_space<vmem>>
      %dma_wait3A_455 = arith.constant 0 : i32
      %dma_wait3A_456 = tpu.memref_slice %arg15[%dma_wait3A_455] : memref<10240xf32, #tpu.memory_space<vmem_shared>> -> memref<10240xf32, #tpu.memory_space<vmem_shared>>
      tpu.wait_indirect_dma semaphore(%run_scoped3A_446 : memref<!tpu.dma_semaphore, #tpu.memory_space<semaphore_mem>>) src(%arg13 : memref<128xf32, #tpu.memory_space<vmem>>) dst(%dma_wait3A_456 : memref<10240xf32, #tpu.memory_space<vmem_shared>>)
      tpu.yield
    }) : () -> ()
    %dma_wait3A_415 = arith.constant 6 : i32
    %dma_wait3A_416 = arith.constant 2 : i32
    %dma_wait3A_417 = arith.constant 0 : i32
    %dma_wait3A_418 = arith.constant 0 : i32
    %dma_wait3A_419 = tpu.memref_slice %arg12[%dma_wait3A_416, %dma_wait3A_417, %dma_wait3A_418] : memref<4x128x128xbf16, #tpu.memory_space<vmem>> -> memref<1x128x128xbf16, #tpu.memory_space<vmem>>
    %dma_wait3A_420 = tpu.memref_squeeze %dma_wait3A_419 : memref<1x128x128xbf16, #tpu.memory_space<vmem>> -> memref<128x128xbf16, #tpu.memory_space<vmem>>
    %dma_wait3A_421 = arith.constant 0 : i32
    %dma_wait3A_422 = tpu.memref_slice %arg11[%dma_wait3A_415, %dma_wait3A_421] : memref<8x128xi32, #tpu.memory_space<vmem>> -> memref<1x128xi32, #tpu.memory_space<vmem>>
    %dma_wait3A_423 = tpu.memref_squeeze %dma_wait3A_422 : memref<1x128xi32, #tpu.memory_space<vmem>> -> memref<128xi32, #tpu.memory_space<vmem>>
    %dma_wait3A_424 = arith.constant 0 : i32
    %dma_wait3A_425 = arith.constant 0 : i32
    %dma_wait3A_426 = tpu.memref_slice %arg2[%dma_wait3A_424, %dma_wait3A_425] : memref<10000x128xbf16, #tpu.memory_space<hbm>> -> memref<10000x128xbf16, #tpu.memory_space<hbm>>
    tpu.wait_indirect_dma semaphore(%arg18 : memref<!tpu.dma_semaphore, #tpu.memory_space<semaphore_mem>>) src(%dma_wait3A_426 : memref<10000x128xbf16, #tpu.memory_space<hbm>>) dst(%dma_wait3A_420 : memref<128x128xbf16, #tpu.memory_space<vmem>>)
    %run_scoped3A_427 = arith.constant 2 : i32
    %run_scoped3A_428 = arith.constant 78 : i32
    "tpu.region"() ({
      %run_scoped3A_446 = tpu.sem_alloc : memref<!tpu.dma_semaphore, #tpu.memory_space<semaphore_mem>>
      %dma_start3A_447 = arith.constant 0 : i32
      %dma_start3A_448 = arith.constant 0 : i32
      %dma_start3A_449 = tpu.memref_slice %arg12[%run_scoped3A_427, %dma_start3A_447, %dma_start3A_448] : memref<4x128x128xbf16, #tpu.memory_space<vmem>> -> memref<1x128x128xbf16, #tpu.memory_space<vmem>>
      %dma_start3A_450 = tpu.memref_squeeze %dma_start3A_449 : memref<1x128x128xbf16, #tpu.memory_space<vmem>> -> memref<128x128xbf16, #tpu.memory_space<vmem>>
      %dma_start3A_451 = arith.constant 0 : i32
      %dma_start3A_452 = tpu.memref_slice %arg10[%run_scoped3A_428, %dma_start3A_451] : memref<80x128xi32, #tpu.memory_space<vmem>> -> memref<1x128xi32, #tpu.memory_space<vmem>>
      %dma_start3A_453 = tpu.memref_squeeze %dma_start3A_452 : memref<1x128xi32, #tpu.memory_space<vmem>> -> memref<128xi32, #tpu.memory_space<vmem>>
      %dma_start3A_454 = arith.constant 0 : i32
      %dma_start3A_455 = arith.constant 0 : i32
      %dma_start3A_456 = tpu.memref_slice %arg14[%dma_start3A_454, %dma_start3A_455] : memref<10240x128xbf16, #tpu.memory_space<vmem_shared>> -> memref<10240x128xbf16, #tpu.memory_space<vmem_shared>>
      tpu.enqueue_indirect_dma source(%dma_start3A_450 : memref<128x128xbf16, #tpu.memory_space<vmem>>) target(%dma_start3A_456 : memref<10240x128xbf16, #tpu.memory_space<vmem_shared>>) offsets(%dma_start3A_453 : memref<128xi32, #tpu.memory_space<vmem>>) semaphore(%run_scoped3A_446 : memref<!tpu.dma_semaphore, #tpu.memory_space<semaphore_mem>>) {add = true}
      %dma_wait3A_457 = arith.constant 0 : i32
      %dma_wait3A_458 = arith.constant 0 : i32
      %dma_wait3A_459 = tpu.memref_slice %arg12[%run_scoped3A_427, %dma_wait3A_457, %dma_wait3A_458] : memref<4x128x128xbf16, #tpu.memory_space<vmem>> -> memref<1x128x128xbf16, #tpu.memory_space<vmem>>
      %dma_wait3A_460 = tpu.memref_squeeze %dma_wait3A_459 : memref<1x128x128xbf16, #tpu.memory_space<vmem>> -> memref<128x128xbf16, #tpu.memory_space<vmem>>
      %dma_wait3A_461 = arith.constant 0 : i32
      %dma_wait3A_462 = tpu.memref_slice %arg10[%run_scoped3A_428, %dma_wait3A_461] : memref<80x128xi32, #tpu.memory_space<vmem>> -> memref<1x128xi32, #tpu.memory_space<vmem>>
      %dma_wait3A_463 = tpu.memref_squeeze %dma_wait3A_462 : memref<1x128xi32, #tpu.memory_space<vmem>> -> memref<128xi32, #tpu.memory_space<vmem>>
      %dma_wait3A_464 = arith.constant 0 : i32
      %dma_wait3A_465 = arith.constant 0 : i32
      %dma_wait3A_466 = tpu.memref_slice %arg14[%dma_wait3A_464, %dma_wait3A_465] : memref<10240x128xbf16, #tpu.memory_space<vmem_shared>> -> memref<10240x128xbf16, #tpu.memory_space<vmem_shared>>
      tpu.wait_indirect_dma semaphore(%run_scoped3A_446 : memref<!tpu.dma_semaphore, #tpu.memory_space<semaphore_mem>>) src(%dma_wait3A_460 : memref<128x128xbf16, #tpu.memory_space<vmem>>) dst(%dma_wait3A_466 : memref<10240x128xbf16, #tpu.memory_space<vmem_shared>>)
      tpu.yield
    }) : () -> ()
    %run_scoped3A_429 = arith.constant 78 : i32
    "tpu.region"() ({
      %run_scoped3A_446 = tpu.sem_alloc : memref<!tpu.dma_semaphore, #tpu.memory_space<semaphore_mem>>
      %dma_start3A_447 = arith.constant 0 : i32
      %dma_start3A_448 = tpu.memref_slice %arg10[%run_scoped3A_429, %dma_start3A_447] : memref<80x128xi32, #tpu.memory_space<vmem>> -> memref<1x128xi32, #tpu.memory_space<vmem>>
      %dma_start3A_449 = tpu.memref_squeeze %dma_start3A_448 : memref<1x128xi32, #tpu.memory_space<vmem>> -> memref<128xi32, #tpu.memory_space<vmem>>
      %dma_start3A_450 = arith.constant 0 : i32
      %dma_start3A_451 = tpu.memref_slice %arg15[%dma_start3A_450] : memref<10240xf32, #tpu.memory_space<vmem_shared>> -> memref<10240xf32, #tpu.memory_space<vmem_shared>>
      tpu.enqueue_indirect_dma source(%arg13 : memref<128xf32, #tpu.memory_space<vmem>>) target(%dma_start3A_451 : memref<10240xf32, #tpu.memory_space<vmem_shared>>) offsets(%dma_start3A_449 : memref<128xi32, #tpu.memory_space<vmem>>) semaphore(%run_scoped3A_446 : memref<!tpu.dma_semaphore, #tpu.memory_space<semaphore_mem>>) {add = true}
      %dma_wait3A_452 = arith.constant 0 : i32
      %dma_wait3A_453 = tpu.memref_slice %arg10[%run_scoped3A_429, %dma_wait3A_452] : memref<80x128xi32, #tpu.memory_space<vmem>> -> memref<1x128xi32, #tpu.memory_space<vmem>>
      %dma_wait3A_454 = tpu.memref_squeeze %dma_wait3A_453 : memref<1x128xi32, #tpu.memory_space<vmem>> -> memref<128xi32, #tpu.memory_space<vmem>>
      %dma_wait3A_455 = arith.constant 0 : i32
      %dma_wait3A_456 = tpu.memref_slice %arg15[%dma_wait3A_455] : memref<10240xf32, #tpu.memory_space<vmem_shared>> -> memref<10240xf32, #tpu.memory_space<vmem_shared>>
      tpu.wait_indirect_dma semaphore(%run_scoped3A_446 : memref<!tpu.dma_semaphore, #tpu.memory_space<semaphore_mem>>) src(%arg13 : memref<128xf32, #tpu.memory_space<vmem>>) dst(%dma_wait3A_456 : memref<10240xf32, #tpu.memory_space<vmem_shared>>)
      tpu.yield
    }) : () -> ()
    %dma_wait3A_430 = arith.constant 7 : i32
    %dma_wait3A_431 = arith.constant 3 : i32
    %dma_wait3A_432 = arith.constant 0 : i32
    %dma_wait3A_433 = arith.constant 0 : i32
    %dma_wait3A_434 = tpu.memref_slice %arg12[%dma_wait3A_431, %dma_wait3A_432, %dma_wait3A_433] : memref<4x128x128xbf16, #tpu.memory_space<vmem>> -> memref<1x128x128xbf16, #tpu.memory_space<vmem>>
    %dma_wait3A_435 = tpu.memref_squeeze %dma_wait3A_434 : memref<1x128x128xbf16, #tpu.memory_space<vmem>> -> memref<128x128xbf16, #tpu.memory_space<vmem>>
    %dma_wait3A_436 = arith.constant 0 : i32
    %dma_wait3A_437 = tpu.memref_slice %arg11[%dma_wait3A_430, %dma_wait3A_436] : memref<8x128xi32, #tpu.memory_space<vmem>> -> memref<1x128xi32, #tpu.memory_space<vmem>>
    %dma_wait3A_438 = tpu.memref_squeeze %dma_wait3A_437 : memref<1x128xi32, #tpu.memory_space<vmem>> -> memref<128xi32, #tpu.memory_space<vmem>>
    %dma_wait3A_439 = arith.constant 0 : i32
    %dma_wait3A_440 = arith.constant 0 : i32
    %dma_wait3A_441 = tpu.memref_slice %arg2[%dma_wait3A_439, %dma_wait3A_440] : memref<10000x128xbf16, #tpu.memory_space<hbm>> -> memref<10000x128xbf16, #tpu.memory_space<hbm>>
    tpu.wait_indirect_dma semaphore(%arg19 : memref<!tpu.dma_semaphore, #tpu.memory_space<semaphore_mem>>) src(%dma_wait3A_441 : memref<10000x128xbf16, #tpu.memory_space<hbm>>) dst(%dma_wait3A_435 : memref<128x128xbf16, #tpu.memory_space<vmem>>)
    %run_scoped3A_442 = arith.constant 3 : i32
    %run_scoped3A_443 = arith.constant 79 : i32
    "tpu.region"() ({
      %run_scoped3A_446 = tpu.sem_alloc : memref<!tpu.dma_semaphore, #tpu.memory_space<semaphore_mem>>
      %dma_start3A_447 = arith.constant 0 : i32
      %dma_start3A_448 = arith.constant 0 : i32
      %dma_start3A_449 = tpu.memref_slice %arg12[%run_scoped3A_442, %dma_start3A_447, %dma_start3A_448] : memref<4x128x128xbf16, #tpu.memory_space<vmem>> -> memref<1x128x128xbf16, #tpu.memory_space<vmem>>
      %dma_start3A_450 = tpu.memref_squeeze %dma_start3A_449 : memref<1x128x128xbf16, #tpu.memory_space<vmem>> -> memref<128x128xbf16, #tpu.memory_space<vmem>>
      %dma_start3A_451 = arith.constant 0 : i32
      %dma_start3A_452 = tpu.memref_slice %arg10[%run_scoped3A_443, %dma_start3A_451] : memref<80x128xi32, #tpu.memory_space<vmem>> -> memref<1x128xi32, #tpu.memory_space<vmem>>
      %dma_start3A_453 = tpu.memref_squeeze %dma_start3A_452 : memref<1x128xi32, #tpu.memory_space<vmem>> -> memref<128xi32, #tpu.memory_space<vmem>>
      %dma_start3A_454 = arith.constant 0 : i32
      %dma_start3A_455 = arith.constant 0 : i32
      %dma_start3A_456 = tpu.memref_slice %arg14[%dma_start3A_454, %dma_start3A_455] : memref<10240x128xbf16, #tpu.memory_space<vmem_shared>> -> memref<10240x128xbf16, #tpu.memory_space<vmem_shared>>
      tpu.enqueue_indirect_dma source(%dma_start3A_450 : memref<128x128xbf16, #tpu.memory_space<vmem>>) target(%dma_start3A_456 : memref<10240x128xbf16, #tpu.memory_space<vmem_shared>>) offsets(%dma_start3A_453 : memref<128xi32, #tpu.memory_space<vmem>>) semaphore(%run_scoped3A_446 : memref<!tpu.dma_semaphore, #tpu.memory_space<semaphore_mem>>) {add = true}
      %dma_wait3A_457 = arith.constant 0 : i32
      %dma_wait3A_458 = arith.constant 0 : i32
      %dma_wait3A_459 = tpu.memref_slice %arg12[%run_scoped3A_442, %dma_wait3A_457, %dma_wait3A_458] : memref<4x128x128xbf16, #tpu.memory_space<vmem>> -> memref<1x128x128xbf16, #tpu.memory_space<vmem>>
      %dma_wait3A_460 = tpu.memref_squeeze %dma_wait3A_459 : memref<1x128x128xbf16, #tpu.memory_space<vmem>> -> memref<128x128xbf16, #tpu.memory_space<vmem>>
      %dma_wait3A_461 = arith.constant 0 : i32
      %dma_wait3A_462 = tpu.memref_slice %arg10[%run_scoped3A_443, %dma_wait3A_461] : memref<80x128xi32, #tpu.memory_space<vmem>> -> memref<1x128xi32, #tpu.memory_space<vmem>>
      %dma_wait3A_463 = tpu.memref_squeeze %dma_wait3A_462 : memref<1x128xi32, #tpu.memory_space<vmem>> -> memref<128xi32, #tpu.memory_space<vmem>>
      %dma_wait3A_464 = arith.constant 0 : i32
      %dma_wait3A_465 = arith.constant 0 : i32
      %dma_wait3A_466 = tpu.memref_slice %arg14[%dma_wait3A_464, %dma_wait3A_465] : memref<10240x128xbf16, #tpu.memory_space<vmem_shared>> -> memref<10240x128xbf16, #tpu.memory_space<vmem_shared>>
      tpu.wait_indirect_dma semaphore(%run_scoped3A_446 : memref<!tpu.dma_semaphore, #tpu.memory_space<semaphore_mem>>) src(%dma_wait3A_460 : memref<128x128xbf16, #tpu.memory_space<vmem>>) dst(%dma_wait3A_466 : memref<10240x128xbf16, #tpu.memory_space<vmem_shared>>)
      tpu.yield
    }) : () -> ()
    %run_scoped3A_444 = arith.constant 79 : i32
    "tpu.region"() ({
      %run_scoped3A_446 = tpu.sem_alloc : memref<!tpu.dma_semaphore, #tpu.memory_space<semaphore_mem>>
      %dma_start3A_447 = arith.constant 0 : i32
      %dma_start3A_448 = tpu.memref_slice %arg10[%run_scoped3A_444, %dma_start3A_447] : memref<80x128xi32, #tpu.memory_space<vmem>> -> memref<1x128xi32, #tpu.memory_space<vmem>>
      %dma_start3A_449 = tpu.memref_squeeze %dma_start3A_448 : memref<1x128xi32, #tpu.memory_space<vmem>> -> memref<128xi32, #tpu.memory_space<vmem>>
      %dma_start3A_450 = arith.constant 0 : i32
      %dma_start3A_451 = tpu.memref_slice %arg15[%dma_start3A_450] : memref<10240xf32, #tpu.memory_space<vmem_shared>> -> memref<10240xf32, #tpu.memory_space<vmem_shared>>
      tpu.enqueue_indirect_dma source(%arg13 : memref<128xf32, #tpu.memory_space<vmem>>) target(%dma_start3A_451 : memref<10240xf32, #tpu.memory_space<vmem_shared>>) offsets(%dma_start3A_449 : memref<128xi32, #tpu.memory_space<vmem>>) semaphore(%run_scoped3A_446 : memref<!tpu.dma_semaphore, #tpu.memory_space<semaphore_mem>>) {add = true}
      %dma_wait3A_452 = arith.constant 0 : i32
      %dma_wait3A_453 = tpu.memref_slice %arg10[%run_scoped3A_444, %dma_wait3A_452] : memref<80x128xi32, #tpu.memory_space<vmem>> -> memref<1x128xi32, #tpu.memory_space<vmem>>
      %dma_wait3A_454 = tpu.memref_squeeze %dma_wait3A_453 : memref<1x128xi32, #tpu.memory_space<vmem>> -> memref<128xi32, #tpu.memory_space<vmem>>
      %dma_wait3A_455 = arith.constant 0 : i32
      %dma_wait3A_456 = tpu.memref_slice %arg15[%dma_wait3A_455] : memref<10240xf32, #tpu.memory_space<vmem_shared>> -> memref<10240xf32, #tpu.memory_space<vmem_shared>>
      tpu.wait_indirect_dma semaphore(%run_scoped3A_446 : memref<!tpu.dma_semaphore, #tpu.memory_space<semaphore_mem>>) src(%arg13 : memref<128xf32, #tpu.memory_space<vmem>>) dst(%dma_wait3A_456 : memref<10240xf32, #tpu.memory_space<vmem_shared>>)
      tpu.yield
    }) : () -> ()
    %barrier3A_445 = arith.constant 0 : index
    tpu.barrier barrier_id(%barrier3A_445)
    "tpu.region"() ({
      %run_scoped3A_446 = tpu.sem_alloc : memref<!tpu.dma_semaphore, #tpu.memory_space<semaphore_mem>>
      %dma_start3A_447 = arith.constant 0 : i32
      %dma_start3A_448 = tpu.memref_slice %arg8[%arg0, %mul3A_2, %dma_start3A_447] : memref<2x10240x128xbf16, #tpu.memory_space<hbm>> -> memref<1x640x128xbf16, #tpu.memory_space<hbm>>
      %dma_start3A_449 = tpu.memref_squeeze %dma_start3A_448 : memref<1x640x128xbf16, #tpu.memory_space<hbm>> -> memref<640x128xbf16, #tpu.memory_space<hbm>>
      %dma_start3A_450 = arith.constant 0 : i32
      %dma_start3A_451 = tpu.memref_slice %arg14[%mul3A_2, %dma_start3A_450] : memref<10240x128xbf16, #tpu.memory_space<vmem_shared>> -> memref<640x128xbf16, #tpu.memory_space<vmem_shared>>
      tpu.enqueue_dma source(%dma_start3A_451 : memref<640x128xbf16, #tpu.memory_space<vmem_shared>>) target(%dma_start3A_449 : memref<640x128xbf16, #tpu.memory_space<hbm>>) target_semaphore(%run_scoped3A_446 : memref<!tpu.dma_semaphore, #tpu.memory_space<semaphore_mem>>)
      %dma_wait3A_452 = arith.constant 0 : i32
      %dma_wait3A_453 = tpu.memref_slice %arg8[%arg0, %mul3A_2, %dma_wait3A_452] : memref<2x10240x128xbf16, #tpu.memory_space<hbm>> -> memref<1x640x128xbf16, #tpu.memory_space<hbm>>
      %dma_wait3A_454 = tpu.memref_squeeze %dma_wait3A_453 : memref<1x640x128xbf16, #tpu.memory_space<hbm>> -> memref<640x128xbf16, #tpu.memory_space<hbm>>
      %dma_wait3A_455 = arith.constant 0 : i32
      %dma_wait3A_456 = tpu.memref_slice %arg14[%mul3A_2, %dma_wait3A_455] : memref<10240x128xbf16, #tpu.memory_space<vmem_shared>> -> memref<640x128xbf16, #tpu.memory_space<vmem_shared>>
      tpu.wait_dma2 semaphore(%run_scoped3A_446 : memref<!tpu.dma_semaphore, #tpu.memory_space<semaphore_mem>>) src(%dma_wait3A_456 : memref<640x128xbf16, #tpu.memory_space<vmem_shared>>) dst(%dma_wait3A_454 : memref<640x128xbf16, #tpu.memory_space<hbm>>)
      tpu.yield
    }) : () -> ()
    "tpu.region"() ({
      %run_scoped3A_446 = tpu.sem_alloc : memref<!tpu.dma_semaphore, #tpu.memory_space<semaphore_mem>>
      %dma_start3A_447 = tpu.memref_slice %arg9[%arg0, %mul3A_2] : memref<2x10240xf32, #tpu.memory_space<hbm>> -> memref<1x640xf32, #tpu.memory_space<hbm>>
      %dma_start3A_448 = tpu.memref_squeeze %dma_start3A_447 : memref<1x640xf32, #tpu.memory_space<hbm>> -> memref<640xf32, #tpu.memory_space<hbm>>
      %dma_start3A_449 = tpu.memref_slice %arg15[%mul3A_2] : memref<10240xf32, #tpu.memory_space<vmem_shared>> -> memref<640xf32, #tpu.memory_space<vmem_shared>>
      tpu.enqueue_dma source(%dma_start3A_449 : memref<640xf32, #tpu.memory_space<vmem_shared>>) target(%dma_start3A_448 : memref<640xf32, #tpu.memory_space<hbm>>) target_semaphore(%run_scoped3A_446 : memref<!tpu.dma_semaphore, #tpu.memory_space<semaphore_mem>>)
      %dma_wait3A_450 = tpu.memref_slice %arg9[%arg0, %mul3A_2] : memref<2x10240xf32, #tpu.memory_space<hbm>> -> memref<1x640xf32, #tpu.memory_space<hbm>>
      %dma_wait3A_451 = tpu.memref_squeeze %dma_wait3A_450 : memref<1x640xf32, #tpu.memory_space<hbm>> -> memref<640xf32, #tpu.memory_space<hbm>>
      %dma_wait3A_452 = tpu.memref_slice %arg15[%mul3A_2] : memref<10240xf32, #tpu.memory_space<vmem_shared>> -> memref<640xf32, #tpu.memory_space<vmem_shared>>
      tpu.wait_dma2 semaphore(%run_scoped3A_446 : memref<!tpu.dma_semaphore, #tpu.memory_space<semaphore_mem>>) src(%dma_wait3A_452 : memref<640xf32, #tpu.memory_space<vmem_shared>>) dst(%dma_wait3A_451 : memref<640xf32, #tpu.memory_space<hbm>>)
      tpu.yield
    }) : () -> ()
    return
  }
}

module attributes {stable_mosaic.version = 14 : i64} {
  func.func @_tc_dense_body(%arg0: i32, %arg1: memref<2x1024x128xbf16, #tpu.memory_space<vmem>>, %arg2: memref<2x10240xf32, #tpu.memory_space<vmem>>, %arg3: memref<1024x128xf32, #tpu.memory_space<vmem>>, %arg4: memref<128x128xf32, #tpu.memory_space<vmem>>, %arg5: memref<1x128xf32, #tpu.memory_space<vmem>>, %arg6: memref<1024x128xf32, #tpu.memory_space<vmem>>) attributes {dimension_semantics = [#tpu.dimension_semantics<arbitrary>], iteration_bounds = array<i64: 10>, scalar_prefetch = 0 : i64, scratch_operands = 0 : i64, tpu.core_type = #tpu.core_type<tc>, window_params = [{transform_indices = @transform_0, window_bounds = array<i64: 2, 1024, 128>}, {pipeline_mode = #tpu.pipeline_mode<synchronous>, transform_indices = @transform_1, window_bounds = array<i64: 2, 10240>}, {transform_indices = @transform_2, window_bounds = array<i64: 1024, 128>}, {pipeline_mode = #tpu.pipeline_mode<synchronous>, transform_indices = @transform_3, window_bounds = array<i64: 128, 128>}, {pipeline_mode = #tpu.pipeline_mode<synchronous>, transform_indices = @transform_4, window_bounds = array<i64: 1, 128>}, {transform_indices = @transform_5, window_bounds = array<i64: 1024, 128>}]} {
    %get3A = arith.constant 0 : index
    %get3A_0 = arith.constant 0 : index
    %get3A_1 = arith.constant 0 : index
    %get3A_2 = vector.load %arg1[%get3A, %get3A_0, %get3A_1] : memref<2x1024x128xbf16, #tpu.memory_space<vmem>>, vector<1x1024x128xbf16>
    %get3A_3 = vector.shape_cast %get3A_2 : vector<1x1024x128xbf16> to vector<1024x128xbf16>
    %convert_element_type3A = arith.extf %get3A_3 : vector<1024x128xbf16> to vector<1024x128xf32>
    %get3A_4 = arith.constant 1 : index
    %get3A_5 = arith.constant 0 : index
    %get3A_6 = arith.constant 0 : index
    %get3A_7 = vector.load %arg1[%get3A_4, %get3A_5, %get3A_6] : memref<2x1024x128xbf16, #tpu.memory_space<vmem>>, vector<1x1024x128xbf16>
    %get3A_8 = vector.shape_cast %get3A_7 : vector<1x1024x128xbf16> to vector<1024x128xbf16>
    %convert_element_type3A_9 = arith.extf %get3A_8 : vector<1024x128xbf16> to vector<1024x128xf32>
    %add3A = arith.addf %convert_element_type3A, %convert_element_type3A_9 : vector<1024x128xf32>
    %mul3A = arith.constant 1024 : i32
    %mul3A_10 = arith.muli %arg0, %mul3A : i32
    %get3A_11 = arith.constant 0 : index
    %get3A_12 = arith.index_cast %mul3A_10 : i32 to index
    %get3A_13 = vector.load %arg2[%get3A_11, %get3A_12] : memref<2x10240xf32, #tpu.memory_space<vmem>>, vector<1x1024xf32>
    %get3A_14 = vector.shape_cast %get3A_13 : vector<1x1024xf32> to vector<1024xf32>
    %mul3A_15 = arith.constant 1024 : i32
    %mul3A_16 = arith.muli %arg0, %mul3A_15 : i32
    %get3A_17 = arith.constant 1 : index
    %get3A_18 = arith.index_cast %mul3A_16 : i32 to index
    %get3A_19 = vector.load %arg2[%get3A_17, %get3A_18] : memref<2x10240xf32, #tpu.memory_space<vmem>>, vector<1x1024xf32>
    %get3A_20 = vector.shape_cast %get3A_19 : vector<1x1024xf32> to vector<1024xf32>
    %add3A_21 = arith.addf %get3A_14, %get3A_20 : vector<1024xf32>
    %max3A = arith.constant 1.000000e+00 : f32
    %max3A_22 = vector.broadcast %max3A : f32 to vector<1024xf32>
    %max3A_23 = arith.maximumf %add3A_21, %max3A_22 : vector<1024xf32>
    %broadcast_in_dim3A = vector.shape_cast %max3A_23 : vector<1024xf32> to vector<1024x1xf32>
    %div3A = vector.broadcast %broadcast_in_dim3A : vector<1024x1xf32> to vector<1024x128xf32>
    %div3A_24 = arith.divf %add3A, %div3A : vector<1024x128xf32>
    %get3A_25 = arith.constant 0 : index
    %get3A_26 = arith.constant 0 : index
    %get3A_27 = vector.load %arg3[%get3A_25, %get3A_26] : memref<1024x128xf32, #tpu.memory_space<vmem>>, vector<1024x128xf32>
    %add3A_28 = arith.addf %div3A_24, %get3A_27 : vector<1024x128xf32>
    %get3A_29 = arith.constant 0 : index
    %get3A_30 = arith.constant 0 : index
    %get3A_31 = vector.load %arg4[%get3A_29, %get3A_30] : memref<128x128xf32, #tpu.memory_space<vmem>>, vector<128x128xf32>
    %dot_general3A = arith.constant dense<0.000000e+00> : vector<1024x128xf32>
    %dot_general3A_32 = tpu.matmul %add3A_28, %get3A_31, %dot_general3A {dimension_numbers = #tpu.dot_dimension_numbers<[1], [0], [0], [1], [0, 0, 1, 1], [], []>, precision = #tpu.contract_precision<fp32>, transpose_lhs_hint = false} : vector<1024x128xf32>, vector<128x128xf32>, vector<1024x128xf32> -> vector<1024x128xf32>
    %get3A_33 = arith.constant 0 : index
    %get3A_34 = arith.constant 0 : index
    %get3A_35 = vector.load %arg5[%get3A_33, %get3A_34] : memref<1x128xf32, #tpu.memory_space<vmem>>, vector<1x128xf32>
    %add3A_36 = vector.broadcast %get3A_35 : vector<1x128xf32> to vector<1024x128xf32>
    %add3A_37 = arith.addf %dot_general3A_32, %add3A_36 : vector<1024x128xf32>
    %max3A_38 = arith.constant 0.000000e+00 : f32
    %max3A_39 = vector.broadcast %max3A_38 : f32 to vector<1024x128xf32>
    %max3A_40 = arith.maximumf %add3A_37, %max3A_39 : vector<1024x128xf32>
    %swap3A = arith.constant 0 : index
    %swap3A_41 = arith.constant 0 : index
    %swap3A_42 = vector.load %arg6[%swap3A, %swap3A_41] : memref<1024x128xf32, #tpu.memory_space<vmem>>, vector<1024x128xf32>
    tpu.vector_store %arg6[%swap3A, %swap3A_41], %max3A_40 {strides = array<i32>} : memref<1024x128xf32, #tpu.memory_space<vmem>>, vector<1024x128xf32>,
    return
  }
  func.func @transform_0(%arg0: i32) -> (i32, i32, i32) {
    %c0_i32 = arith.constant 0 : i32
    %c0_i32_0 = arith.constant 0 : i32
    %c0_i32_1 = arith.constant 0 : i32
    return %c0_i32, %arg0, %c0_i32_0 : i32, i32, i32
  }
  func.func @transform_1(%arg0: i32) -> (i32, i32) {
    %c0_i32 = arith.constant 0 : i32
    %c0_i32_0 = arith.constant 0 : i32
    %c0_i32_1 = arith.constant 0 : i32
    return %c0_i32, %c0_i32_0 : i32, i32
  }
  func.func @transform_2(%arg0: i32) -> (i32, i32) {
    %c0_i32 = arith.constant 0 : i32
    %c0_i32_0 = arith.constant 0 : i32
    return %arg0, %c0_i32 : i32, i32
  }
  func.func @transform_3(%arg0: i32) -> (i32, i32) {
    %c0_i32 = arith.constant 0 : i32
    %c0_i32_0 = arith.constant 0 : i32
    %c0_i32_1 = arith.constant 0 : i32
    return %c0_i32, %c0_i32_0 : i32, i32
  }
  func.func @transform_4(%arg0: i32) -> (i32, i32) {
    %c0_i32 = arith.constant 0 : i32
    %c0_i32_0 = arith.constant 0 : i32
    %c0_i32_1 = arith.constant 0 : i32
    return %c0_i32, %c0_i32_0 : i32, i32
  }
  func.func @transform_5(%arg0: i32) -> (i32, i32) {
    %c0_i32 = arith.constant 0 : i32
    %c0_i32_0 = arith.constant 0 : i32
    return %arg0, %c0_i32 : i32, i32
  }
}

</mosaic_0001>

<sc_bundles>
// kernel: kernel.4.cloned.1.call-start
scs
__scs_entry_jumppad:
0x0: {  	(pc) =	sbr.rel $0x88, $3  }
0x1: {  	(tag) =	ssettag $0x0;
	lr =	simm.s32 $0x1  }
0x2: {  	[smem:$0x3F9D] =	sst lr;
	_ =	strace $0xD0000000  }
0x3: {  	_ = 	snop  }
0x4: {  	_ = 	snop  }
0x5: {  	_ = 	snop  }
0x6: {  	_ = 	snop  }
0x7: {  	_ = 	snop  }
__scs_overlays_trampoline_lowered:
0x8: {  	[smem:$0x3FAC] =	sst s0  }
0x9: {  	[smem:$0x3FAD] =	sst s1  }
0xa: {  	[smem:$0x3FAE] =	sst s2  }
0xb: {  	[smem:$0x3FAF] =	sst s3  }
0xc: {  	[smem:$0x3FB0] =	sst s4  }
0xd: {  	[smem:$0x3FB1] =	sst s5  }
0xe: {  	[smem:$0x3FB2] =	sst s6  }
0xf: {  	[smem:$0x3FB3] =	sst s7  }
0x10: {  	[smem:$0x3FB4] =	sst s8  }
0x11: {  	[smem:$0x3FB5] =	sst s9;
	s0 =	simm.s32 @!p0 $0x0  }
0x12: {  	s1 =	sld [smem:$0x3F9B];
	s0 =	simm.s32 @p0 $0x1  }
0x13: {  	[smem:$0x3FB6] =	sst s0;
	s0 =	simm.s32 @!p1 $0x0  }
0x14: {  	s2 =	sld [smem:$0x3F9A];
	s0 =	simm.s32 @p1 $0x1  }
0x15: {  	[smem:$0x3FB7] =	sst s0;
	s0 =	simm.s32 @!p2 $0x0  }
0x16: {  	s3 =	sld [smem:$0x3FDB];
	s0 =	simm.s32 @p2 $0x1  }
0x17: {  	s4 =	simm.s32 $0x1BF5;
	[smem:$0x3FB9] =	sst s0  }
0x18: {  	s0 =	sld [smem:$0x3F9C];
	_ =	swait.ge [sflag:s4], $0x0  }
0x19: {  	s7 =	sld [smem:$0x3F9D]  }
0x1a: {  	s8 =	sadd.s32 $0xFFFFE003, lr  }
0x1b: {  	s9 =	sadd.s32 $0xFFFFFEF7, lr;
	s5 =	simm.s32 $0xFFFFFFFF;
	p2 =	slt.u32 s8, $0xFFFFF086  }
0x1c: {  	p1 =	slt.u32 s9, $0xF7A;
	s5 =	simm.s32 @!p2 $0x0  }
0x1d: {  	s5 =	simm.s32 @p1 $0x1;
	p0 =	seq.s32 s7, s2  }
0x1e: {  	s7 =	smul.u32 @!p0 $0xF7A, s2;
	p2 =	seq.s32 @!p0 s5, $0x0  }
0x1f: {  	s9 =	smul.u32 $0xF7A, s1;
	s8 =	simm.s32 @!p0 $0x1BF5;
	p2 =	por !p2, p0  }
0x20: {  	[sflag:s8] =	ssyncset.s32 @!p0 $0xFFFFF086;
	s6 =	sadd.s32 @!p0 s3, s7;
	s7 =	simm.s32 @!p0 $0x108  }
0x21: {  	s3 =	sadd.s32 s3, s9;
	s6 =	sadd.s32 @!p0 $0x88, s6;
	s7 =	simm.s32 @p2 $0x1082  }
0x22: {  	[simem:s7], [sflag:s8] =	dma.local @!p0 [hbm:s6], $0xF7A  }
0x23: {  	s9 =	sor.u32 $0xD0000000, s2;
	s6 =	simm.s32 $0x108;
	_ =	swait.ge @!p0 [sflag:s8], $0x0  }
0x24: {  	s3 =	sadd.s32 $0x88, s3;
	s6 =	simm.s32 @!p1 $0x1082;
	[sflag:s4] =	ssyncset.s32 $0xFFFFF086  }
0x25: {  	[simem:s6], [sflag:s4] =	dma.local [hbm:s3], $0xF7A  }
0x26: {  	[smem:$0x3F9D] =	sst s1;
	(tag) =	ssettag s2;
	_ =	strace s9  }
0x27: {  	s1 =	sld [smem:$0x3FAD]  }
0x28: {  	s2 =	sld [smem:$0x3FAE]  }
0x29: {  	s4 =	sld [smem:$0x3FB0]  }
0x2a: {  	p0 =	seq.s32 s5, $0x0;
	s5 =	sld [smem:$0x3FB1]  }
0x2b: {  	s6 =	sld [smem:$0x3FB2]  }
0x2c: {  	s7 =	sld [smem:$0x3FB3]  }
0x2d: {  	s3 =	simm.s32 $0x108;
	s8 =	sld [smem:$0x3FB4]  }
0x2e: {  	s3 =	simm.s32 @!p0 $0x1082;
	s9 =	sld [smem:$0x3FB5]  }
0x2f: {  	lr =	sadd.s32 s0, s3;
	s0 =	sld [smem:$0x3FAC]  }
0x30: {  	s3 =	sld [smem:$0x3FAF]  }
0x31: {  	[smem:$0x3FB8] =	sst s10  }
0x32: {  	s10 =	sld [smem:$0x3FB6];
	_ =	sdelay $0x3  }
0x33: {  	p0 =	seq.s32 s10, $0x1;
	s10 =	sld [smem:$0x3FB8];
	_ =	sdelay $0x3  }
0x34: {  	[smem:$0x3FB8] =	sst s10  }
0x35: {  	s10 =	sld [smem:$0x3FB7];
	_ =	sdelay $0x3  }
0x36: {  	p1 =	seq.s32 s10, $0x1;
	s10 =	sld [smem:$0x3FB8];
	_ =	sdelay $0x3  }
0x37: {  	[smem:$0x3FB8] =	sst s10  }
0x38: {  	s10 =	sld [smem:$0x3FB9]  }
0x39: {  	_ = 	snop;
	(pc) =	sbr.ind lr, $3  }
0x3a: {  	_ = 	snop  }
0x3b: {  	_ = 	snop  }
0x3c: {  	p2 =	seq.s32 s10, $0x1;
	s10 =	sld [smem:$0x3FB8]  }
0x3d: {  	_ =	shalt  }
0x3e: {  	_ =	shalt  }
0x3f: {  	_ =	shalt  }
0x40: {  	_ =	shalt  }
0x41: {  	_ =	shalt  }
0x42: {  	_ =	shalt  }
0x43: {  	_ =	shalt  }
0x44: {  	_ =	shalt  }
0x45: {  	_ =	shalt  }
0x46: {  	_ =	shalt  }
0x47: {  	_ =	shalt  }
0x48: {  	_ =	shalt  }
0x49: {  	_ =	shalt  }
0x4a: {  	_ =	shalt  }
0x4b: {  	_ =	shalt  }
0x4c: {  	_ =	shalt  }
0x4d: {  	_ =	shalt  }
0x4e: {  	_ =	shalt  }
0x4f: {  	_ =	shalt  }
0x50: {  	_ =	shalt  }
0x51: {  	_ =	shalt  }
0x52: {  	_ =	shalt  }
0x53: {  	_ =	shalt  }
0x54: {  	_ =	shalt  }
0x55: {  	_ =	shalt  }
0x56: {  	_ =	shalt  }
0x57: {  	_ =	shalt  }
0x58: {  	_ =	shalt  }
0x59: {  	_ =	shalt  }
0x5a: {  	_ =	shalt  }
0x5b: {  	_ =	shalt  }
0x5c: {  	_ =	shalt  }
0x5d: {  	_ =	shalt  }
0x5e: {  	_ =	shalt  }
0x5f: {  	_ =	shalt  }
0x60: {  	_ =	shalt  }
0x61: {  	_ =	shalt  }
0x62: {  	_ =	shalt  }
0x63: {  	_ =	shalt  }
0x64: {  	_ =	shalt  }
0x65: {  	_ =	shalt  }
0x66: {  	_ =	shalt  }
0x67: {  	_ =	shalt  }
0x68: {  	_ =	shalt  }
0x69: {  	_ =	shalt  }
0x6a: {  	_ =	shalt  }
0x6b: {  	_ =	shalt  }
0x6c: {  	_ =	shalt  }
0x6d: {  	_ =	shalt  }
0x6e: {  	_ =	shalt  }
0x6f: {  	_ =	shalt  }
0x70: {  	_ =	shalt  }
0x71: {  	_ =	shalt  }
0x72: {  	_ =	shalt  }
0x73: {  	_ =	shalt  }
0x74: {  	_ =	shalt  }
0x75: {  	_ =	shalt  }
0x76: {  	_ =	shalt  }
0x77: {  	_ =	shalt  }
0x78: {  	_ =	shalt  }
0x79: {  	_ =	shalt  }
0x7a: {  	_ =	shalt  }
0x7b: {  	_ =	shalt  }
0x7c: {  	_ =	shalt  }
0x7d: {  	_ =	shalt  }
0x7e: {  	_ =	shalt  }
0x7f: {  	_ =	shalt  }
0x80: {  	_ =	shalt  }
0x81: {  	_ =	shalt  }
0x82: {  	_ =	shalt  }
0x83: {  	_ =	shalt  }
0x84: {  	_ =	shalt  }
0x85: {  	_ =	shalt  }
0x86: {  	_ =	shalt  }
0x87: {  	_ =	shalt  }
.Lfunc_end0:
.L_simem_size_0:
called_computation_lowered:
.L_overlay_start_0:
0x88: {  	s2 =	sld [smem:$0x3FD9]  }
0x89: {  	s3 =	sld [smem:$0x3FFE];
	_ =	sdelay $0x1  }
0x8a: {  	s1 =	srdreg.scid  }
0x8b: {  	s0 =	sand.u32 $0x1, s1  }
0x8c: {  	s17 =	sshll.u32 s0, $0xA;
	s2 =	sadd.s32 s3, s2  }
0x8d: {  	s2 =	sadd.s32 s2, s17  }
0x8e: {  	[smem:$0x3FC4] =	sst s2  }
0x8f: {  	_ = 	snop  }
0x90: {  	s2 =	sld [smem:$0x3FD0];
	(tm) =	ssettm $0x1  }
0x91: {  	s18 =	sld [smem:$0x3FFB];
	_ =	sdelay $0x3  }
0x92: {  	_ =	strace s18  }
0x93: {  	s3 =	sld [smem:$0x3FFC];
	_ =	sdelay $0x3  }
0x94: {  	_ =	strace s3  }
0x95: {  	s3 =	sld [smem:$0x3FFD];
	_ =	sdelay $0x3  }
0x96: {  	_ =	strace s3  }
0x97: {  	_ =	strace $0x8FFFFFFF  }
0x98: {  	s19 =	sld [smem:$0x3FDB];
	_ =	sdelay $0x1  }
0x99: {  	s4 =	simm.s32 $_scs_section_size  }
0x9a: {  	s5 =	simm.s32 $_size__tile_overlayer_lowered;
	s6 =	simm.s32 $_tile_overlayer_lowered  }
0x9b: {  	s22 =	simm.s32 $0x1BFF;
	s21 =	sshll.u32 s6, $0x1;
	s3 =	sadd.s32 s4, s19  }
0x9c: {  	s7 =	simm.s32 $0x0;
	s20 =	sshll.u32 s5, $0x1;
	s5 =	sadd.s32 s21, s3  }
0x9d: {  	[timem:s7], [sflag:s22] =	dma.local [hbm:s5], s20  }
0x9e: {  	_ =	swait.ge [sflag:s22], s20  }
0x9f: {  	s4 =	ssub.s32 $0x0, s20;
	[sflag:s22] =	ssyncset.done $0x0  }
0xa0: {  	[sflag:s22] =	ssyncadd.s32 s4;
	_ =	sdelay $0x1  }
0xa1: {  	s23 =	simm.s32 $0x1B8B  }
0xa2: {  	_ =	swait.ge [sflag:s23], $0x1  }
0xa3: {  	[sflag:s23] =	ssyncset.done $0x0  }
0xa4: {  	s25 =	simm.s32 $0x1B8E;
	s24 =	sld [smem:$0x3FFE];
	[sflag:s23] =	ssyncadd.s32 $0xFFFFFFFF  }
0xa5: {  	s26 =	simm.s32 $execute0_lowered;
	[smem:$0x3FD2] =	sst s25  }
0xa6: {  	s5 =	sshll.u32 s26, $0x1;
	_ =	strace $0x80000046;
	[dreg:$0x1] =	wrdreg $0xFFFFFFFF  }
0xa7: {  	s28 =	simm.s32 $_size_execute0_lowered;
	s3 =	sadd.s32 s3, s5;
	[dreg:$0x0] =	wrdreg $0x0  }
0xa8: {  	s5 =	sshll.u32 s28, $0x1;
	[dreg:$0x2] =	wrdreg s3  }
0xa9: {  	[dreg:$0x3] =	wrdreg s5  }
0xaa: {  	[dreg:$0x4] =	wrdreg $0xC0  }
0xab: {  	_ =	task [dreg:s7], $0x5FFFF  }
0xac: {  	[dreg:$0x1] =	wrdreg $0xFFFFFFFF  }
0xad: {  	[dreg:$0x0] =	wrdreg $0x60  }
0xae: {  	[dreg:$0x2] =	wrdreg s2  }
0xaf: {  	[dreg:$0x3] =	wrdreg s24  }
0xb0: {  	[dreg:$0x4] =	wrdreg $0xAC800  }
0xb1: {  	[dreg:$0x5] =	wrdreg $0x14C800  }
0xb2: {  	[dreg:$0x6] =	wrdreg $0x9  }
0xb3: {  	_ =	task.clear_ibuf [dreg:s7], $0x7FFFF;
	_ =	strace $0x90000046  }
0xb4: {  	s29 =	simm.s32 $0x9;
	_ =	strace $0x80000048  }
0xb5: {  	_ =	swait.ge [sflag:s29], $0x1  }
0xb6: {  	[sflag:s29] =	ssyncadd.s32 $0xFFFFFFFF  }
0xb7: {  	_ =	strace $0x90000048  }
0xb8: {  	_ =	sfence  }
0xb9: {  	s30 =	sld [smem:$0x0];
	_ =	sdelay $0x2  }
0xba: {  	s31 =	sshll.u32 s1, $0xD;
	s1 =	sshrl.u32 s1, $0x2  }
0xbb: {  	s3 =	sand.u32 $0x4000, s31;
	s1 =	sadd.s32 s1, s30  }
0xbc: {  	s0 =	sor.u32 s3, s0;
	s1 =	sshll.u32 s1, $0x11  }
0xbd: {  	s0 =	sor.u32 s1, s0  }
0xbe: {  	s0 =	sadd.s32 $0x8F2B, s0  }
0xbf: {  	[sflag:s0] =	ssyncadd.remote.s32 $0x1  }
0xc0: {  	_ =	sfence.sel $0xFFFF  }
0xc1: {  	[dreg:$0x0] =	wrdreg $0xFFFFFFFF;
	(pc) =	sbr.abs _section_cstart, $3  }
0xc2: {  	[dreg:$0x1] =	wrdreg $0xFFFFFFFF  }
0xc3: {  	_ =	task.clear_ibuf [dreg:s7], $0x2FFFF;
	_ =	strace $0x9FFFFFFF  }
0xc4: {  	(tm) =	ssettm $0x7FFFFFFF  }
0xc5: {  	_ =	shalt  }
tec
execute0_lowered:
.L_overlay_start_1:
0x0: {  	(tag) =	ssettag $0x1  }
0x1: {  	s1 =	rddreg [dreg:$0x0]  }
0x2: {  	s0 =	rddreg [dreg:$0x1]  }
0x3: {  	s2 =	srdreg.scid;
	s3 =	rddreg [dreg:$0x2]  }
0x4: {  	s14 =	stileid.u32;
	s4 =	rddreg [dreg:$0x3]  }
0x5: {  	s29 =	simm.s32 $0x2900;
	s31 =	simm.s32 $0x8C00;
	s2 =	sand.u32 $0x1, s2  }
0x6: {  	s5 =	sshll.u32 s14, $0x1;
	s7 =	smul.u32 $0x14000, s14;
	s15 =	sadd.s32 $0xC400, s0  }
0x7: {  	s10 =	smul.u32 $0x280, s14;
	s11 =	sadd.s32 $0x1000, s0;
	s12 =	sadd.s32 $0x16400, s0  }
0x8: {  	s14 =	smul.u32 $0x5000, s14;
	s6 =	sor.u32 s2, s5;
	s5 =	simm.s32 $0x0  }
0x9: {  	s23 =	sadd.s32 $0x16600, s0;
	s8 =	smul.u32 $0x140000, s2;
	[smem:$0x7FF] =	sst s5  }
0xa: {  	s22 =	smul.u32 $0x2800, s2;
	_ =	strace $0x80000047;
	[dreg:$0xe] =	wrdreg s11  }
0xb: {  	s2 =	ssub.s32 $0x2, s2;
	s6 =	smul.u32 $0x2800, s6;
	[dreg:$0xf] =	wrdreg s12  }
0xc: {  	s13 =	sshrl.u32 s2, $0x1;
	s8 =	sadd.s32 s7, s8;
	[dreg:$0x10] =	wrdreg s23  }
0xd: {  	s24 =	sadd.s32 s10, s22;
	s2 =	ssub.s32 s2, s13;
	[dreg:$0xd] =	wrdreg s15  }
0xe: {  	s7 =	sshrl.u32 s7, $0x1;
	s10 =	sadd.s32 s10, s4;
	s6 =	sshrl.u32 s6, $0x3  }
0xf: {  	s8 =	sshrl.u32 s8, $0x4;
	s7 =	sadd.s32 s7, s3;
	[dreg:$0x1a] =	wrdreg s10  }
0x10: {  	s12 =	sshrl.u32 s24, $0x3;
	s13 =	sadd.s32 s15, s6;
	[dreg:$0x19] =	wrdreg s7  }
0x11: {  	s9 =	sadd.s32 s6, s0;
	s6 =	sadd.s32 $0x10, s13;
	[dreg:$0x11] =	wrdreg s13  }
0x12: {  	s10 =	simm.s32 $0x4;
	s25 =	sadd.s32 $0x20, s13;
	[dreg:$0x12] =	wrdreg s6  }
0x13: {  	s8 =	sadd.s32 s8, s0;
	s26 =	sadd.s32 $0x30, s13;
	[dreg:$0x13] =	wrdreg s25  }
0x14: {  	s0 =	sadd.s32 s12, s0;
	s28 =	sadd.s32 $0x40, s13;
	[dreg:$0x14] =	wrdreg s26  }
0x15: {  	s9 =	sadd.s32 $0x2400, s9;
	s8 =	sadd.s32 $0x16800, s8;
	[dreg:$0x15] =	wrdreg s28  }
0x16: {  	s0 =	sadd.s32 $0x3E800, s0;
	s6 =	sadd.s32 s22, s14;
	[dreg:$0x1b] =	wrdreg s9  }
0x17: {  	s14 =	sadd.s32 $0x50, s13;
	s22 =	sadd.s32 $0x60, s13;
	[dreg:$0x1c] =	wrdreg s8  }
0x18: {  	s25 =	sadd.s32 $0x70, s13;
	[dreg:$0x1d] =	wrdreg s0;
	s0 =	simm.s32 $0x0  }
0x19: {  	s30 =	sor.u32 $0x780, s6;
	[dreg:$0x16] =	wrdreg s14;
	s15 =	sor.u32 $0x700, s6  }
0x1a: {  	s17 =	sor.u32 $0x680, s6;
	s19 =	sor.u32 $0x600, s6;
	[dreg:$0x17] =	wrdreg s22  }
0x1b: {  	s21 =	sor.u32 $0x580, s6;
	[dreg:$0x18] =	wrdreg s25;
	s11 =	sshrl.u32 s30, $0x3  }
0x1c: {  	s24 =	sor.u32 $0x500, s6;
	s16 =	sshrl.u32 s15, $0x3;
	[dreg:$0x5] =	wrdreg s11  }
0x1d: {  	s28 =	sor.u32 $0x480, s6;
	s18 =	sshrl.u32 s17, $0x3;
	[dreg:$0x6] =	wrdreg s16  }
0x1e: {  	s6 =	sor.u32 $0x400, s6;
	s20 =	sshrl.u32 s19, $0x3;
	[dreg:$0x7] =	wrdreg s18  }
0x1f: {  	s25 =	simm.s32 $0x2800;
	s23 =	sshrl.u32 s21, $0x3;
	[dreg:$0x8] =	wrdreg s20  }
0x20: {  	s22 =	simm.s32 $0x3;
	s26 =	sshrl.u32 s24, $0x3;
	[dreg:$0x9] =	wrdreg s23  }
0x21: {  	s7 =	sshrl.u32 s28, $0x3;
	s6 =	sshrl.u32 s6, $0x3;
	[dreg:$0xa] =	wrdreg s26  }
0x22: {  	s30 =	smax.u32 s2, $0x1;
	s2 =	simm.s32 $0x2980;
	[dreg:$0xb] =	wrdreg s7  }
0x23: {  	s19 =	simm.s32 $0x5;
	s21 =	simm.s32 $0x6;
	[dreg:$0x1e] =	wrdreg s30  }
0x24: {  	s17 =	simm.s32 $0xAC00;
	[dreg:$0xc] =	wrdreg s6;
	s26 =	simm.s32 $0x2880  }
0x25: {  	s7 =	simm.s32 $0x80;
	s23 =	simm.s32 $0x7;
	s6 =	simm.s32 $0x8  }
0x26: {  	s16 =	simm.s32 $0xD;
	s18 =	simm.s32 $0x1;
	s20 =	simm.s32 $0x2  }
.LBB2_1:
0x27: {  	[dreg:$0x1f] =	wrdreg s0  }
0x28: {  	s24 =	rddreg [dreg:$0x11]  }
0x29: {  	[tilespmem:s25], [sflag:$0x5] =	stream.linear.gather [hbm4b:s24+s5], $0x80, $0x38;
	[tilespmem:$0x14F00] =	vst v63  }
0x2a: {  	s8 =	rddreg [dreg:$0x12]  }
0x2b: {  	[tilespmem:s26], [sflag:$0x6] =	stream.linear.gather [hbm4b:s8+s5], $0x80, $0x38;
	[tilespmem:$0x14F00] =	vst v63  }
0x2c: {  	s9 =	rddreg [dreg:$0x13]  }
0x2d: {  	[tilespmem:s29], [sflag:$0x7] =	stream.linear.gather [hbm4b:s9+s5], $0x80, $0x38;
	[tilespmem:$0x14F00] =	vst v63  }
0x2e: {  	s11 =	rddreg [dreg:$0x14]  }
0x2f: {  	[tilespmem:s2], [sflag:$0x8] =	stream.linear.gather [hbm4b:s11+s5], $0x80, $0x38;
	[tilespmem:$0x14F00] =	vst v63  }
0x30: {  	s12 =	rddreg [dreg:$0x15];
	s0 =	simm.s32 $0x2A00  }
0x31: {  	[tilespmem:s0], [sflag:$0x9] =	stream.linear.gather [hbm4b:s12+s5], $0x80, $0x38;
	[tilespmem:$0x14F00] =	vst v63  }
0x32: {  	s13 =	rddreg [dreg:$0x16];
	s9 =	simm.s32 $0x2A80  }
0x33: {  	[tilespmem:s9], [sflag:$0xA] =	stream.linear.gather [hbm4b:s13+s5], $0x80, $0x38;
	[tilespmem:$0x14F00] =	vst v63  }
0x34: {  	s14 =	rddreg [dreg:$0x17];
	s12 =	simm.s32 $0x2B00  }
0x35: {  	[tilespmem:s12], [sflag:$0xB] =	stream.linear.gather [hbm4b:s14+s5], $0x80, $0x38;
	[tilespmem:$0x14F00] =	vst v63  }
0x36: {  	s15 =	rddreg [dreg:$0x18];
	s14 =	simm.s32 $0x2B80  }
0x37: {  	[tilespmem:s14], [sflag:$0xC] =	stream.linear.gather [hbm4b:s15+s5], $0x80, $0x38;
	[tilespmem:$0x14F00] =	vst v63  }
0x38: {  	_ =	swait.ge [sflag:s19], $0x80  }
0x39: {  	[sflag:s19] =	ssyncset.done $0x0  }
0x3a: {  	s8 =	simm.s32 $0x2C00;
	[sflag:s19] =	ssyncadd.s32 $0xFFFFFF80  }
0x3b: {  	[tilespmem:s8], [sflag:$0x1] =	stream.indirect.gather [hbm4b:s1+s7], $0x40, s25, s7, $0xb8;
	[tilespmem:$0x14F00] =	vst v63  }
0x3c: {  	_ =	swait.ge [sflag:s21], $0x80  }
0x3d: {  	[sflag:s21] =	ssyncset.done $0x0  }
0x3e: {  	s11 =	simm.s32 $0x4C00;
	[sflag:s21] =	ssyncadd.s32 $0xFFFFFF80  }
0x3f: {  	[tilespmem:s11], [sflag:$0x2] =	stream.indirect.gather [hbm4b:s1+s7], $0x40, s26, s7, $0xb8;
	[tilespmem:$0x14F00] =	vst v63  }
0x40: {  	_ =	swait.ge [sflag:s23], $0x80  }
0x41: {  	s28 =	stileid.u32;
	[sflag:s23] =	ssyncset.done $0x0  }
0x42: {  	s24 =	sshll.u32 s28, $0x6;
	s13 =	simm.s32 $0x6C00;
	[sflag:s23] =	ssyncadd.s32 $0xFFFFFF80  }
0x43: {  	[tilespmem:s13], [sflag:$0x3] =	stream.indirect.gather [hbm4b:s1+s7], $0x40, s29, s7, $0xb8;
	[tilespmem:$0x14F00] =	vst v63  }
0x44: {  	s28 =	sor.u32 $0x1C0D, s24;
	_ =	swait.ge [sflag:s6], $0x80  }
0x45: {  	s15 =	simm.s32 $0x8C00;
	[sflag:s6] =	ssyncset.done $0x0;
	s24 =	rddreg [dreg:$0x19]  }
0x46: {  	[sflag:s6] =	ssyncadd.s32 $0xFFFFFF80;
	s30 =	sshrl.u32 s24, $0x3;
	s24 =	rddreg [dreg:$0xe]  }
0x47: {  	[tilespmem:s15], [sflag:$0x4] =	stream.indirect.gather [hbm4b:s1+s7], $0x40, s2, s7, $0xb8;
	[tilespmem:$0x14F00] =	vst v63  }
0x48: {  	[smem:$0x7FB] =	sst s30  }
0x49: {  	[spmem:s30], [sflag:s28] =	dma.local [hbm:s24], $0x1400  }
0x4a: {  	_ =	swait.ge [sflag:s16], $0x1400  }
0x4b: {  	s24 =	rddreg [dreg:$0x1a]  }
0x4c: {  	[smem:$0x7FC] =	sst s28  }
0x4d: {  	[sflag:s16] =	ssyncset.done $0x0;
	s30 =	sshrl.u32 s24, $0x3;
	s24 =	rddreg [dreg:$0x10]  }
0x4e: {  	[sflag:s16] =	ssyncadd.s32 $0xFFFFEC00;
	[smem:$0x7FD] =	sst s30  }
0x4f: {  	[spmem:s30], [sflag:s28] =	dma.local [hbm:s24], $0x50  }
0x50: {  	_ =	swait.ge [sflag:s16], $0x50  }
0x51: {  	[sflag:s16] =	ssyncset.done $0x0  }
0x52: {  	s28 =	rddreg [dreg:$0x1b];
	[sflag:s16] =	ssyncadd.s32 $0xFFFFFFB0  }
0x53: {  	[tilespmem:s5], [sflag:$0xD] =	stream.linear.gather [hbm4b:s28+s5], $0x2800, $0x38;
	[tilespmem:$0x14F00] =	vst v63  }
0x54: {  	_ =	swait.ge [sflag:s16], $0x2800  }
0x55: {  	[sflag:s16] =	ssyncset.done $0x0  }
0x56: {  	s28 =	rddreg [dreg:$0xf];
	[sflag:s16] =	ssyncadd.s32 $0xFFFFD800  }
0x57: {  	[tilespmem:s17], [sflag:$0xD] =	stream.linear.gather [hbm4b:s28+s5], $0x80, $0x38;
	[tilespmem:$0x14F00] =	vst v63  }
0x58: {  	_ =	swait.ge [sflag:s16], $0x80  }
0x59: {  	[sflag:s16] =	ssyncset.done $0x0  }
0x5a: {  	[sflag:s16] =	ssyncadd.s32 $0xFFFFFF80  }
0x5b: {  	[bflag:$0x0] =	sbarrier.arrive $0xFFFF  }
0x5c: {  	_ =	swait.ge [sflag:s18], $0x2000  }
0x5d: {  	[sflag:s18] =	ssyncset.done $0x0  }
0x5e: {  	s28 =	simm.s32 $0x0;
	[sflag:s18] =	ssyncadd.s32 $0xFFFFE000  }
0x5f: {  	[spmem:s3] =	stream.indirect.scatter.add.bf16 [tilespmem:s8], [sflag:$0xD], $0x40, s28, s7, $0xb8;
	[tilespmem:$0x14F00] =	vst v63  }
0x60: {  	_ =	swait.ge [sflag:s16], $0x2000  }
0x61: {  	[sflag:s16] =	ssyncset.done $0x0  }
0x62: {  	[sflag:s16] =	ssyncadd.s32 $0xFFFFE000  }
0x63: {  	[spmem:s4] =	stream.indirect.scatter.add.f32 [tilespmem:s17], [sflag:$0xD], $0x1, s28, s7, $0xb8;
	[tilespmem:$0x14F00] =	vst v63  }
0x64: {  	_ =	swait.ge [sflag:s16], $0x80  }
0x65: {  	[sflag:s16] =	ssyncset.done $0x0  }
0x66: {  	s28 =	simm.s32 $0x9;
	[sflag:s16] =	ssyncadd.s32 $0xFFFFFF80  }
0x67: {  	_ =	swait.ge [sflag:s28], $0x80  }
0x68: {  	[sflag:s28] =	ssyncset.done $0x0;
	s24 =	rddreg [dreg:$0xc]  }
0x69: {  	[sflag:s28] =	ssyncadd.s32 $0xFFFFFF80;
	s28 =	rddreg [dreg:$0xd]  }
0x6a: {  	[tilespmem:s8], [sflag:$0x1] =	stream.indirect.gather [hbm4b:s1+s7], $0x40, s0, s7, $0xb8;
	[tilespmem:$0x14F00] =	vst v63  }
0x6b: {  	s24 =	sadd.s32 s28, s24  }
0x6c: {  	[tilespmem:s25], [sflag:$0x5] =	stream.linear.gather [hbm4b:s24+s5], $0x80, $0x38;
	[tilespmem:$0x14F00] =	vst v63  }
0x6d: {  	_ =	swait.ge [sflag:s20], $0x2000  }
0x6e: {  	[sflag:s20] =	ssyncset.done $0x0  }
0x6f: {  	s24 =	simm.s32 $0x80;
	[sflag:s20] =	ssyncadd.s32 $0xFFFFE000  }
0x70: {  	[spmem:s3] =	stream.indirect.scatter.add.bf16 [tilespmem:s11], [sflag:$0xD], $0x40, s24, s7, $0xb8;
	[tilespmem:$0x14F00] =	vst v63  }
0x71: {  	_ =	swait.ge [sflag:s16], $0x2000  }
0x72: {  	[sflag:s16] =	ssyncset.done $0x0  }
0x73: {  	[sflag:s16] =	ssyncadd.s32 $0xFFFFE000  }
0x74: {  	[spmem:s4] =	stream.indirect.scatter.add.f32 [tilespmem:s17], [sflag:$0xD], $0x1, s24, s7, $0xb8;
	[tilespmem:$0x14F00] =	vst v63  }
0x75: {  	_ =	swait.ge [sflag:s16], $0x80  }
0x76: {  	[sflag:s16] =	ssyncset.done $0x0  }
0x77: {  	s30 =	simm.s32 $0xA;
	[sflag:s16] =	ssyncadd.s32 $0xFFFFFF80  }
0x78: {  	_ =	swait.ge [sflag:s30], $0x80  }
0x79: {  	[sflag:s30] =	ssyncset.done $0x0  }
0x7a: {  	s24 =	rddreg [dreg:$0xb];
	[sflag:s30] =	ssyncadd.s32 $0xFFFFFF80  }
0x7b: {  	[tilespmem:s11], [sflag:$0x2] =	stream.indirect.gather [hbm4b:s1+s7], $0x40, s9, s7, $0xb8;
	[tilespmem:$0x14F00] =	vst v63  }
0x7c: {  	s24 =	sadd.s32 s28, s24  }
0x7d: {  	[tilespmem:s26], [sflag:$0x6] =	stream.linear.gather [hbm4b:s24+s5], $0x80, $0x38;
	[tilespmem:$0x14F00] =	vst v63  }
0x7e: {  	_ =	swait.ge [sflag:s22], $0x2000  }
0x7f: {  	[sflag:s22] =	ssyncset.done $0x0  }
0x80: {  	s24 =	simm.s32 $0x100;
	[sflag:s22] =	ssyncadd.s32 $0xFFFFE000  }
0x81: {  	[spmem:s3] =	stream.indirect.scatter.add.bf16 [tilespmem:s13], [sflag:$0xD], $0x40, s24, s7, $0xb8;
	[tilespmem:$0x14F00] =	vst v63  }
0x82: {  	_ =	swait.ge [sflag:s16], $0x2000  }
0x83: {  	[sflag:s16] =	ssyncset.done $0x0  }
0x84: {  	[sflag:s16] =	ssyncadd.s32 $0xFFFFE000  }
0x85: {  	[spmem:s4] =	stream.indirect.scatter.add.f32 [tilespmem:s17], [sflag:$0xD], $0x1, s24, s7, $0xb8;
	[tilespmem:$0x14F00] =	vst v63  }
0x86: {  	_ =	swait.ge [sflag:s16], $0x80  }
0x87: {  	[sflag:s16] =	ssyncset.done $0x0  }
0x88: {  	s30 =	simm.s32 $0xB;
	[sflag:s16] =	ssyncadd.s32 $0xFFFFFF80  }
0x89: {  	_ =	swait.ge [sflag:s30], $0x80  }
0x8a: {  	[sflag:s30] =	ssyncset.done $0x0  }
0x8b: {  	s24 =	rddreg [dreg:$0xa];
	[sflag:s30] =	ssyncadd.s32 $0xFFFFFF80  }
0x8c: {  	[tilespmem:s13], [sflag:$0x3] =	stream.indirect.gather [hbm4b:s1+s7], $0x40, s12, s7, $0xb8;
	[tilespmem:$0x14F00] =	vst v63  }
0x8d: {  	s24 =	sadd.s32 s28, s24  }
0x8e: {  	[tilespmem:s29], [sflag:$0x7] =	stream.linear.gather [hbm4b:s24+s5], $0x80, $0x38;
	[tilespmem:$0x14F00] =	vst v63  }
0x8f: {  	_ =	swait.ge [sflag:s10], $0x2000  }
0x90: {  	[sflag:s10] =	ssyncset.done $0x0  }
0x91: {  	s24 =	simm.s32 $0x180;
	[sflag:s10] =	ssyncadd.s32 $0xFFFFE000  }
0x92: {  	[spmem:s3] =	stream.indirect.scatter.add.bf16 [tilespmem:s15], [sflag:$0xD], $0x40, s24, s7, $0xb8;
	[tilespmem:$0x14F00] =	vst v63  }
0x93: {  	_ =	swait.ge [sflag:s16], $0x2000  }
0x94: {  	[sflag:s16] =	ssyncset.done $0x0  }
0x95: {  	[sflag:s16] =	ssyncadd.s32 $0xFFFFE000  }
0x96: {  	[spmem:s4] =	stream.indirect.scatter.add.f32 [tilespmem:s17], [sflag:$0xD], $0x1, s24, s7, $0xb8;
	[tilespmem:$0x14F00] =	vst v63  }
0x97: {  	_ =	swait.ge [sflag:s16], $0x80  }
0x98: {  	[sflag:s16] =	ssyncset.done $0x0  }
0x99: {  	s30 =	simm.s32 $0xC;
	[sflag:s16] =	ssyncadd.s32 $0xFFFFFF80  }
0x9a: {  	_ =	swait.ge [sflag:s30], $0x80  }
0x9b: {  	[sflag:s30] =	ssyncset.done $0x0  }
0x9c: {  	s24 =	rddreg [dreg:$0x9];
	[sflag:s30] =	ssyncadd.s32 $0xFFFFFF80  }
0x9d: {  	[tilespmem:s15], [sflag:$0x4] =	stream.indirect.gather [hbm4b:s1+s7], $0x40, s14, s7, $0xb8;
	[tilespmem:$0x14F00] =	vst v63  }
0x9e: {  	s24 =	sadd.s32 s28, s24  }
0x9f: {  	[tilespmem:s2], [sflag:$0x8] =	stream.linear.gather [hbm4b:s24+s5], $0x80, $0x38;
	[tilespmem:$0x14F00] =	vst v63  }
0xa0: {  	_ =	swait.ge [sflag:s18], $0x2000  }
0xa1: {  	[sflag:s18] =	ssyncset.done $0x0  }
0xa2: {  	s14 =	simm.s32 $0x200;
	[sflag:s18] =	ssyncadd.s32 $0xFFFFE000  }
0xa3: {  	[spmem:s3] =	stream.indirect.scatter.add.bf16 [tilespmem:s8], [sflag:$0xD], $0x40, s14, s7, $0xb8;
	[tilespmem:$0x14F00] =	vst v63  }
0xa4: {  	_ =	swait.ge [sflag:s16], $0x2000  }
0xa5: {  	[sflag:s16] =	ssyncset.done $0x0  }
0xa6: {  	[sflag:s16] =	ssyncadd.s32 $0xFFFFE000  }
0xa7: {  	[spmem:s4] =	stream.indirect.scatter.add.f32 [tilespmem:s17], [sflag:$0xD], $0x1, s14, s7, $0xb8;
	[tilespmem:$0x14F00] =	vst v63  }
0xa8: {  	_ =	swait.ge [sflag:s16], $0x80  }
0xa9: {  	[sflag:s16] =	ssyncset.done $0x0  }
0xaa: {  	[sflag:s16] =	ssyncadd.s32 $0xFFFFFF80  }
0xab: {  	_ =	swait.ge [sflag:s19], $0x80  }
0xac: {  	[sflag:s19] =	ssyncset.done $0x0  }
0xad: {  	s14 =	rddreg [dreg:$0x8];
	[sflag:s19] =	ssyncadd.s32 $0xFFFFFF80  }
0xae: {  	[tilespmem:s8], [sflag:$0x1] =	stream.indirect.gather [hbm4b:s1+s7], $0x40, s25, s7, $0xb8;
	[tilespmem:$0x14F00] =	vst v63  }
0xaf: {  	s24 =	sadd.s32 s28, s14  }
0xb0: {  	[tilespmem:s0], [sflag:$0x9] =	stream.linear.gather [hbm4b:s24+s5], $0x80, $0x38;
	[tilespmem:$0x14F00] =	vst v63  }
0xb1: {  	_ =	swait.ge [sflag:s20], $0x2000  }
0xb2: {  	[sflag:s20] =	ssyncset.done $0x0  }
0xb3: {  	s14 =	simm.s32 $0x280;
	[sflag:s20] =	ssyncadd.s32 $0xFFFFE000  }
0xb4: {  	[spmem:s3] =	stream.indirect.scatter.add.bf16 [tilespmem:s11], [sflag:$0xD], $0x40, s14, s7, $0xb8;
	[tilespmem:$0x14F00] =	vst v63  }
0xb5: {  	_ =	swait.ge [sflag:s16], $0x2000  }
0xb6: {  	[sflag:s16] =	ssyncset.done $0x0  }
0xb7: {  	[sflag:s16] =	ssyncadd.s32 $0xFFFFE000  }
0xb8: {  	[spmem:s4] =	stream.indirect.scatter.add.f32 [tilespmem:s17], [sflag:$0xD], $0x1, s14, s7, $0xb8;
	[tilespmem:$0x14F00] =	vst v63  }
0xb9: {  	_ =	swait.ge [sflag:s16], $0x80  }
0xba: {  	[sflag:s16] =	ssyncset.done $0x0  }
0xbb: {  	[sflag:s16] =	ssyncadd.s32 $0xFFFFFF80  }
0xbc: {  	_ =	swait.ge [sflag:s21], $0x80  }
0xbd: {  	[sflag:s21] =	ssyncset.done $0x0  }
0xbe: {  	s19 =	rddreg [dreg:$0x7];
	[sflag:s21] =	ssyncadd.s32 $0xFFFFFF80  }
0xbf: {  	[tilespmem:s11], [sflag:$0x2] =	stream.indirect.gather [hbm4b:s1+s7], $0x40, s26, s7, $0xb8;
	[tilespmem:$0x14F00] =	vst v63  }
0xc0: {  	s24 =	sadd.s32 s28, s19  }
0xc1: {  	[tilespmem:s9], [sflag:$0xA] =	stream.linear.gather [hbm4b:s24+s5], $0x80, $0x38;
	[tilespmem:$0x14F00] =	vst v63  }
0xc2: {  	_ =	swait.ge [sflag:s22], $0x2000  }
0xc3: {  	[sflag:s22] =	ssyncset.done $0x0  }
0xc4: {  	s21 =	simm.s32 $0x300;
	[sflag:s22] =	ssyncadd.s32 $0xFFFFE000  }
0xc5: {  	[spmem:s3] =	stream.indirect.scatter.add.bf16 [tilespmem:s13], [sflag:$0xD], $0x40, s21, s7, $0xb8;
	[tilespmem:$0x14F00] =	vst v63  }
0xc6: {  	_ =	swait.ge [sflag:s16], $0x2000  }
0xc7: {  	[sflag:s16] =	ssyncset.done $0x0  }
0xc8: {  	[sflag:s16] =	ssyncadd.s32 $0xFFFFE000  }
0xc9: {  	[spmem:s4] =	stream.indirect.scatter.add.f32 [tilespmem:s17], [sflag:$0xD], $0x1, s21, s7, $0xb8;
	[tilespmem:$0x14F00] =	vst v63  }
0xca: {  	_ =	swait.ge [sflag:s16], $0x80  }
0xcb: {  	[sflag:s16] =	ssyncset.done $0x0  }
0xcc: {  	[sflag:s16] =	ssyncadd.s32 $0xFFFFFF80  }
0xcd: {  	_ =	swait.ge [sflag:s23], $0x80  }
0xce: {  	[sflag:s23] =	ssyncset.done $0x0  }
0xcf: {  	s25 =	rddreg [dreg:$0x6];
	[sflag:s23] =	ssyncadd.s32 $0xFFFFFF80  }
0xd0: {  	[tilespmem:s13], [sflag:$0x3] =	stream.indirect.gather [hbm4b:s1+s7], $0x40, s29, s7, $0xb8;
	[tilespmem:$0x14F00] =	vst v63  }
0xd1: {  	s24 =	sadd.s32 s28, s25  }
0xd2: {  	[tilespmem:s12], [sflag:$0xB] =	stream.linear.gather [hbm4b:s24+s5], $0x80, $0x38;
	[tilespmem:$0x14F00] =	vst v63  }
0xd3: {  	_ =	swait.ge [sflag:s10], $0x2000  }
0xd4: {  	[sflag:s10] =	ssyncset.done $0x0  }
0xd5: {  	s26 =	simm.s32 $0x380;
	[sflag:s10] =	ssyncadd.s32 $0xFFFFE000  }
0xd6: {  	[spmem:s3] =	stream.indirect.scatter.add.bf16 [tilespmem:s15], [sflag:$0xD], $0x40, s26, s7, $0xb8;
	[tilespmem:$0x14F00] =	vst v63  }
0xd7: {  	_ =	swait.ge [sflag:s16], $0x2000  }
0xd8: {  	[sflag:s16] =	ssyncset.done $0x0  }
0xd9: {  	[sflag:s16] =	ssyncadd.s32 $0xFFFFE000  }
0xda: {  	[spmem:s4] =	stream.indirect.scatter.add.f32 [tilespmem:s17], [sflag:$0xD], $0x1, s26, s7, $0xb8;
	[tilespmem:$0x14F00] =	vst v63  }
0xdb: {  	_ =	swait.ge [sflag:s16], $0x80  }
0xdc: {  	s30 =	simm.s32 $0x2880;
	[sflag:s16] =	ssyncset.done $0x0  }
0xdd: {  	s19 =	simm.s32 $0x5;
	s21 =	simm.s32 $0x6;
	[sflag:s16] =	ssyncadd.s32 $0xFFFFFF80  }
0xde: {  	s23 =	simm.s32 $0x7;
	s25 =	sadd.s32 $0x80, s28;
	_ =	swait.ge [sflag:s6], $0x80  }
0xdf: {  	s24 =	simm.s32 $0x1000;
	[sflag:s6] =	ssyncset.done $0x0;
	s29 =	rddreg [dreg:$0x5]  }
0xe0: {  	[sflag:s6] =	ssyncadd.s32 $0xFFFFFF80;
	s6 =	simm.s32 $0x8;
	s26 =	sadd.s32 s28, s29  }
0xe1: {  	[tilespmem:s15], [sflag:$0x4] =	stream.indirect.gather [hbm4b:s1+s7], $0x40, s2, s7, $0xb8;
	[tilespmem:$0x14F00] =	vst v63  }
.LBB2_2:
0xe2: {  	s9 =	simm.s32 $0x2B80  }
0xe3: {  	[tilespmem:s9], [sflag:$0xC] =	stream.linear.gather [hbm4b:s26+s5], $0x80, $0x38;
	[tilespmem:$0x14F00] =	vst v63  }
0xe4: {  	_ =	swait.ge [sflag:s18], $0x2000  }
0xe5: {  	s28 =	smov.u32 s24;
	[sflag:s18] =	ssyncset.done $0x0  }
0xe6: {  	s11 =	simm.s32 $0x2C00;
	s26 =	sshra.s32 s28, $0x2;
	[sflag:s18] =	ssyncadd.s32 $0xFFFFE000  }
0xe7: {  	[spmem:s3] =	stream.indirect.scatter.add.bf16 [tilespmem:s11], [sflag:$0xD], $0x40, s26, s7, $0xb8;
	[tilespmem:$0x14F00] =	vst v63  }
0xe8: {  	_ =	swait.ge [sflag:s16], $0x2000  }
0xe9: {  	[sflag:s16] =	ssyncset.done $0x0  }
0xea: {  	[sflag:s16] =	ssyncadd.s32 $0xFFFFE000  }
0xeb: {  	[spmem:s4] =	stream.indirect.scatter.add.f32 [tilespmem:s17], [sflag:$0xD], $0x1, s26, s7, $0xb8;
	[tilespmem:$0x14F00] =	vst v63  }
0xec: {  	_ =	swait.ge [sflag:s16], $0x80  }
0xed: {  	[sflag:s16] =	ssyncset.done $0x0  }
0xee: {  	s0 =	simm.s32 $0x9;
	[sflag:s16] =	ssyncadd.s32 $0xFFFFFF80  }
0xef: {  	_ =	swait.ge [sflag:s0], $0x80  }
0xf0: {  	[sflag:s0] =	ssyncset.done $0x0  }
0xf1: {  	s28 =	rddreg [dreg:$0xc];
	[sflag:s0] =	ssyncadd.s32 $0xFFFFFF80;
	s0 =	simm.s32 $0x2A00  }
0xf2: {  	[tilespmem:s11], [sflag:$0x1] =	stream.indirect.gather [hbm4b:s1+s7], $0x40, s0, s7, $0xb8;
	[tilespmem:$0x14F00] =	vst v63  }
0xf3: {  	s2 =	simm.s32 $0x2800;
	s28 =	sadd.s32 s25, s28  }
0xf4: {  	[tilespmem:s2], [sflag:$0x5] =	stream.linear.gather [hbm4b:s28+s5], $0x80, $0x38;
	[tilespmem:$0x14F00] =	vst v63  }
0xf5: {  	_ =	swait.ge [sflag:s20], $0x2000  }
0xf6: {  	[sflag:s20] =	ssyncset.done $0x0  }
0xf7: {  	s13 =	simm.s32 $0x4C00;
	s29 =	sadd.s32 $0x80, s26;
	[sflag:s20] =	ssyncadd.s32 $0xFFFFE000  }
0xf8: {  	[spmem:s3] =	stream.indirect.scatter.add.bf16 [tilespmem:s13], [sflag:$0xD], $0x40, s29, s7, $0xb8;
	[tilespmem:$0x14F00] =	vst v63  }
0xf9: {  	_ =	swait.ge [sflag:s16], $0x2000  }
0xfa: {  	[sflag:s16] =	ssyncset.done $0x0  }
0xfb: {  	[sflag:s16] =	ssyncadd.s32 $0xFFFFE000  }
0xfc: {  	[spmem:s4] =	stream.indirect.scatter.add.f32 [tilespmem:s17], [sflag:$0xD], $0x1, s29, s7, $0xb8;
	[tilespmem:$0x14F00] =	vst v63  }
0xfd: {  	_ =	swait.ge [sflag:s16], $0x80  }
0xfe: {  	[sflag:s16] =	ssyncset.done $0x0  }
0xff: {  	s12 =	simm.s32 $0xA;
	[sflag:s16] =	ssyncadd.s32 $0xFFFFFF80  }
0x100: {  	_ =	swait.ge [sflag:s12], $0x80  }
0x101: {  	[sflag:s12] =	ssyncset.done $0x0  }
0x102: {  	s8 =	rddreg [dreg:$0xb];
	[sflag:s12] =	ssyncadd.s32 $0xFFFFFF80;
	s12 =	simm.s32 $0x2A80  }
0x103: {  	[tilespmem:s13], [sflag:$0x2] =	stream.indirect.gather [hbm4b:s1+s7], $0x40, s12, s7, $0xb8;
	[tilespmem:$0x14F00] =	vst v63  }
0x104: {  	s28 =	sadd.s32 s25, s8  }
0x105: {  	[tilespmem:s30], [sflag:$0x6] =	stream.linear.gather [hbm4b:s28+s5], $0x80, $0x38;
	[tilespmem:$0x14F00] =	vst v63  }
0x106: {  	_ =	swait.ge [sflag:s22], $0x2000  }
0x107: {  	[sflag:s22] =	ssyncset.done $0x0  }
0x108: {  	s15 =	simm.s32 $0x6C00;
	s14 =	sadd.s32 $0x100, s26;
	[sflag:s22] =	ssyncadd.s32 $0xFFFFE000  }
0x109: {  	[spmem:s3] =	stream.indirect.scatter.add.bf16 [tilespmem:s15], [sflag:$0xD], $0x40, s14, s7, $0xb8;
	[tilespmem:$0x14F00] =	vst v63  }
0x10a: {  	_ =	swait.ge [sflag:s16], $0x2000  }
0x10b: {  	[sflag:s16] =	ssyncset.done $0x0  }
0x10c: {  	[sflag:s16] =	ssyncadd.s32 $0xFFFFE000  }
0x10d: {  	[spmem:s4] =	stream.indirect.scatter.add.f32 [tilespmem:s17], [sflag:$0xD], $0x1, s14, s7, $0xb8;
	[tilespmem:$0x14F00] =	vst v63  }
0x10e: {  	_ =	swait.ge [sflag:s16], $0x80  }
0x10f: {  	[sflag:s16] =	ssyncset.done $0x0  }
0x110: {  	s14 =	simm.s32 $0xB;
	[sflag:s16] =	ssyncadd.s32 $0xFFFFFF80  }
0x111: {  	_ =	swait.ge [sflag:s14], $0x80  }
0x112: {  	[sflag:s14] =	ssyncset.done $0x0  }
0x113: {  	s29 =	rddreg [dreg:$0xa];
	[sflag:s14] =	ssyncadd.s32 $0xFFFFFF80;
	s14 =	simm.s32 $0x2B00  }
0x114: {  	[tilespmem:s15], [sflag:$0x3] =	stream.indirect.gather [hbm4b:s1+s7], $0x40, s14, s7, $0xb8;
	[tilespmem:$0x14F00] =	vst v63  }
0x115: {  	s28 =	sadd.s32 s25, s29;
	s29 =	simm.s32 $0x2900  }
0x116: {  	[tilespmem:s29], [sflag:$0x7] =	stream.linear.gather [hbm4b:s28+s5], $0x80, $0x38;
	[tilespmem:$0x14F00] =	vst v63  }
0x117: {  	_ =	swait.ge [sflag:s10], $0x2000  }
0x118: {  	[sflag:s10] =	ssyncset.done $0x0  }
0x119: {  	s8 =	sadd.s32 $0x180, s26;
	[sflag:s10] =	ssyncadd.s32 $0xFFFFE000  }
0x11a: {  	[spmem:s3] =	stream.indirect.scatter.add.bf16 [tilespmem:s31], [sflag:$0xD], $0x40, s8, s7, $0xb8;
	[tilespmem:$0x14F00] =	vst v63  }
0x11b: {  	_ =	swait.ge [sflag:s16], $0x2000  }
0x11c: {  	[sflag:s16] =	ssyncset.done $0x0  }
0x11d: {  	[sflag:s16] =	ssyncadd.s32 $0xFFFFE000  }
0x11e: {  	[spmem:s4] =	stream.indirect.scatter.add.f32 [tilespmem:s17], [sflag:$0xD], $0x1, s8, s7, $0xb8;
	[tilespmem:$0x14F00] =	vst v63  }
0x11f: {  	_ =	swait.ge [sflag:s16], $0x80  }
0x120: {  	[sflag:s16] =	ssyncset.done $0x0  }
0x121: {  	s8 =	simm.s32 $0xC;
	[sflag:s16] =	ssyncadd.s32 $0xFFFFFF80  }
0x122: {  	_ =	swait.ge [sflag:s8], $0x80  }
0x123: {  	[sflag:s8] =	ssyncset.done $0x0  }
0x124: {  	s28 =	rddreg [dreg:$0x9];
	[sflag:s8] =	ssyncadd.s32 $0xFFFFFF80  }
0x125: {  	[tilespmem:s31], [sflag:$0x4] =	stream.indirect.gather [hbm4b:s1+s7], $0x40, s9, s7, $0xb8;
	[tilespmem:$0x14F00] =	vst v63  }
0x126: {  	s28 =	sadd.s32 s25, s28;
	s8 =	simm.s32 $0x2980  }
0x127: {  	[tilespmem:s8], [sflag:$0x8] =	stream.linear.gather [hbm4b:s28+s5], $0x80, $0x38;
	[tilespmem:$0x14F00] =	vst v63  }
0x128: {  	_ =	swait.ge [sflag:s18], $0x2000  }
0x129: {  	[sflag:s18] =	ssyncset.done $0x0  }
0x12a: {  	s9 =	sadd.s32 $0x200, s26;
	[sflag:s18] =	ssyncadd.s32 $0xFFFFE000  }
0x12b: {  	[spmem:s3] =	stream.indirect.scatter.add.bf16 [tilespmem:s11], [sflag:$0xD], $0x40, s9, s7, $0xb8;
	[tilespmem:$0x14F00] =	vst v63  }
0x12c: {  	_ =	swait.ge [sflag:s16], $0x2000  }
0x12d: {  	[sflag:s16] =	ssyncset.done $0x0  }
0x12e: {  	[sflag:s16] =	ssyncadd.s32 $0xFFFFE000  }
0x12f: {  	[spmem:s4] =	stream.indirect.scatter.add.f32 [tilespmem:s17], [sflag:$0xD], $0x1, s9, s7, $0xb8;
	[tilespmem:$0x14F00] =	vst v63  }
0x130: {  	_ =	swait.ge [sflag:s16], $0x80  }
0x131: {  	[sflag:s16] =	ssyncset.done $0x0  }
0x132: {  	[sflag:s16] =	ssyncadd.s32 $0xFFFFFF80  }
0x133: {  	_ =	swait.ge [sflag:s19], $0x80  }
0x134: {  	[sflag:s19] =	ssyncset.done $0x0  }
0x135: {  	s9 =	rddreg [dreg:$0x8];
	[sflag:s19] =	ssyncadd.s32 $0xFFFFFF80  }
0x136: {  	[tilespmem:s11], [sflag:$0x1] =	stream.indirect.gather [hbm4b:s1+s7], $0x40, s2, s7, $0xb8;
	[tilespmem:$0x14F00] =	vst v63  }
0x137: {  	s28 =	sadd.s32 s25, s9  }
0x138: {  	[tilespmem:s0], [sflag:$0x9] =	stream.linear.gather [hbm4b:s28+s5], $0x80, $0x38;
	[tilespmem:$0x14F00] =	vst v63  }
0x139: {  	_ =	swait.ge [sflag:s20], $0x2000  }
0x13a: {  	[sflag:s20] =	ssyncset.done $0x0  }
0x13b: {  	s2 =	sadd.s32 $0x280, s26;
	[sflag:s20] =	ssyncadd.s32 $0xFFFFE000  }
0x13c: {  	[spmem:s3] =	stream.indirect.scatter.add.bf16 [tilespmem:s13], [sflag:$0xD], $0x40, s2, s7, $0xb8;
	[tilespmem:$0x14F00] =	vst v63  }
0x13d: {  	_ =	swait.ge [sflag:s16], $0x2000  }
0x13e: {  	[sflag:s16] =	ssyncset.done $0x0  }
0x13f: {  	[sflag:s16] =	ssyncadd.s32 $0xFFFFE000  }
0x140: {  	[spmem:s4] =	stream.indirect.scatter.add.f32 [tilespmem:s17], [sflag:$0xD], $0x1, s2, s7, $0xb8;
	[tilespmem:$0x14F00] =	vst v63  }
0x141: {  	_ =	swait.ge [sflag:s16], $0x80  }
0x142: {  	[sflag:s16] =	ssyncset.done $0x0  }
0x143: {  	[sflag:s16] =	ssyncadd.s32 $0xFFFFFF80  }
0x144: {  	_ =	swait.ge [sflag:s21], $0x80  }
0x145: {  	[sflag:s21] =	ssyncset.done $0x0  }
0x146: {  	s11 =	rddreg [dreg:$0x7];
	[sflag:s21] =	ssyncadd.s32 $0xFFFFFF80  }
0x147: {  	[tilespmem:s13], [sflag:$0x2] =	stream.indirect.gather [hbm4b:s1+s7], $0x40, s30, s7, $0xb8;
	[tilespmem:$0x14F00] =	vst v63  }
0x148: {  	s28 =	sadd.s32 s25, s11  }
0x149: {  	[tilespmem:s12], [sflag:$0xA] =	stream.linear.gather [hbm4b:s28+s5], $0x80, $0x38;
	[tilespmem:$0x14F00] =	vst v63  }
0x14a: {  	_ =	swait.ge [sflag:s22], $0x2000  }
0x14b: {  	[sflag:s22] =	ssyncset.done $0x0  }
0x14c: {  	s12 =	sadd.s32 $0x300, s26;
	[sflag:s22] =	ssyncadd.s32 $0xFFFFE000  }
0x14d: {  	[spmem:s3] =	stream.indirect.scatter.add.bf16 [tilespmem:s15], [sflag:$0xD], $0x40, s12, s7, $0xb8;
	[tilespmem:$0x14F00] =	vst v63  }
0x14e: {  	_ =	swait.ge [sflag:s16], $0x2000  }
0x14f: {  	[sflag:s16] =	ssyncset.done $0x0  }
0x150: {  	[sflag:s16] =	ssyncadd.s32 $0xFFFFE000  }
0x151: {  	[spmem:s4] =	stream.indirect.scatter.add.f32 [tilespmem:s17], [sflag:$0xD], $0x1, s12, s7, $0xb8;
	[tilespmem:$0x14F00] =	vst v63  }
0x152: {  	_ =	swait.ge [sflag:s16], $0x80  }
0x153: {  	[sflag:s16] =	ssyncset.done $0x0  }
0x154: {  	[sflag:s16] =	ssyncadd.s32 $0xFFFFFF80  }
0x155: {  	_ =	swait.ge [sflag:s23], $0x80  }
0x156: {  	[sflag:s23] =	ssyncset.done $0x0  }
0x157: {  	s13 =	rddreg [dreg:$0x6];
	[sflag:s23] =	ssyncadd.s32 $0xFFFFFF80  }
0x158: {  	[tilespmem:s15], [sflag:$0x3] =	stream.indirect.gather [hbm4b:s1+s7], $0x40, s29, s7, $0xb8;
	[tilespmem:$0x14F00] =	vst v63  }
0x159: {  	s28 =	sadd.s32 s25, s13  }
0x15a: {  	[tilespmem:s14], [sflag:$0xB] =	stream.linear.gather [hbm4b:s28+s5], $0x80, $0x38;
	[tilespmem:$0x14F00] =	vst v63  }
0x15b: {  	_ =	swait.ge [sflag:s10], $0x2000  }
0x15c: {  	[sflag:s10] =	ssyncset.done $0x0  }
0x15d: {  	s26 =	sadd.s32 $0x380, s26;
	[sflag:s10] =	ssyncadd.s32 $0xFFFFE000  }
0x15e: {  	[spmem:s3] =	stream.indirect.scatter.add.bf16 [tilespmem:s31], [sflag:$0xD], $0x40, s26, s7, $0xb8;
	[tilespmem:$0x14F00] =	vst v63  }
0x15f: {  	_ =	swait.ge [sflag:s16], $0x2000  }
0x160: {  	[sflag:s16] =	ssyncset.done $0x0  }
0x161: {  	[sflag:s16] =	ssyncadd.s32 $0xFFFFE000  }
0x162: {  	[spmem:s4] =	stream.indirect.scatter.add.f32 [tilespmem:s17], [sflag:$0xD], $0x1, s26, s7, $0xb8;
	[tilespmem:$0x14F00] =	vst v63  }
0x163: {  	_ =	swait.ge [sflag:s16], $0x80  }
0x164: {  	p0 =	sne.s32 s24, $0x8000;
	[sflag:s16] =	ssyncset.done $0x0  }
.Ltmp0:
0x165: {  	s24 =	sadd.s32 $0x1000, s24;
	[sflag:s16] =	ssyncadd.s32 $0xFFFFFF80;
	(pc) =	sbr.rel @p0 .LBB2_2-.Ltmp0, $4  }
0x166: {  	s9 =	simm.s32 $0x2A00;
	s0 =	simm.s32 $0x2A80;
	_ =	swait.ge [sflag:s6], $0x80  }
0x167: {  	s12 =	simm.s32 $0x2B00;
	[sflag:s6] =	ssyncset.done $0x0;
	s29 =	rddreg [dreg:$0x5]  }
0x168: {  	[sflag:s6] =	ssyncadd.s32 $0xFFFFFF80;
	s26 =	sadd.s32 s25, s29;
	s25 =	sadd.s32 $0x80, s25  }
0x169: {  	[tilespmem:s31], [sflag:$0x4] =	stream.indirect.gather [hbm4b:s1+s7], $0x40, s8, s7, $0xb8;
	[tilespmem:$0x14F00] =	vst v63  }
0x16a: {  	s2 =	simm.s32 $0x2B80  }
0x16b: {  	[tilespmem:s2], [sflag:$0xC] =	stream.linear.gather [hbm4b:s26+s5], $0x80, $0x38;
	[tilespmem:$0x14F00] =	vst v63  }
0x16c: {  	_ =	swait.ge [sflag:s18], $0x2000  }
0x16d: {  	[sflag:s18] =	ssyncset.done $0x0  }
0x16e: {  	s8 =	simm.s32 $0x2C00;
	s6 =	simm.s32 $0x2400;
	[sflag:s18] =	ssyncadd.s32 $0xFFFFE000  }
0x16f: {  	[spmem:s3] =	stream.indirect.scatter.add.bf16 [tilespmem:s8], [sflag:$0xD], $0x40, s6, s7, $0xb8;
	[tilespmem:$0x14F00] =	vst v63  }
0x170: {  	_ =	swait.ge [sflag:s16], $0x2000  }
0x171: {  	[sflag:s16] =	ssyncset.done $0x0  }
0x172: {  	[sflag:s16] =	ssyncadd.s32 $0xFFFFE000  }
0x173: {  	[spmem:s4] =	stream.indirect.scatter.add.f32 [tilespmem:s17], [sflag:$0xD], $0x1, s6, s7, $0xb8;
	[tilespmem:$0x14F00] =	vst v63  }
0x174: {  	_ =	swait.ge [sflag:s16], $0x80  }
0x175: {  	[sflag:s16] =	ssyncset.done $0x0  }
0x176: {  	s19 =	simm.s32 $0x9;
	[sflag:s16] =	ssyncadd.s32 $0xFFFFFF80  }
0x177: {  	_ =	swait.ge [sflag:s19], $0x80  }
0x178: {  	[sflag:s19] =	ssyncset.done $0x0  }
0x179: {  	[sflag:s19] =	ssyncadd.s32 $0xFFFFFF80  }
0x17a: {  	[tilespmem:s8], [sflag:$0x1] =	stream.indirect.gather [hbm4b:s1+s7], $0x40, s9, s7, $0xb8;
	[tilespmem:$0x14F00] =	vst v63  }
0x17b: {  	_ =	swait.ge [sflag:s20], $0x2000  }
0x17c: {  	[sflag:s20] =	ssyncset.done $0x0  }
0x17d: {  	s21 =	simm.s32 $0x4C00;
	s23 =	simm.s32 $0x2480;
	[sflag:s20] =	ssyncadd.s32 $0xFFFFE000  }
0x17e: {  	[spmem:s3] =	stream.indirect.scatter.add.bf16 [tilespmem:s21], [sflag:$0xD], $0x40, s23, s7, $0xb8;
	[tilespmem:$0x14F00] =	vst v63  }
0x17f: {  	_ =	swait.ge [sflag:s16], $0x2000  }
0x180: {  	[sflag:s16] =	ssyncset.done $0x0  }
0x181: {  	[sflag:s16] =	ssyncadd.s32 $0xFFFFE000  }
0x182: {  	[spmem:s4] =	stream.indirect.scatter.add.f32 [tilespmem:s17], [sflag:$0xD], $0x1, s23, s7, $0xb8;
	[tilespmem:$0x14F00] =	vst v63  }
0x183: {  	_ =	swait.ge [sflag:s16], $0x80  }
0x184: {  	[sflag:s16] =	ssyncset.done $0x0  }
0x185: {  	s24 =	simm.s32 $0xA;
	[sflag:s16] =	ssyncadd.s32 $0xFFFFFF80  }
0x186: {  	_ =	swait.ge [sflag:s24], $0x80  }
0x187: {  	[sflag:s24] =	ssyncset.done $0x0  }
0x188: {  	[sflag:s24] =	ssyncadd.s32 $0xFFFFFF80  }
0x189: {  	[tilespmem:s21], [sflag:$0x2] =	stream.indirect.gather [hbm4b:s1+s7], $0x40, s0, s7, $0xb8;
	[tilespmem:$0x14F00] =	vst v63  }
0x18a: {  	_ =	swait.ge [sflag:s22], $0x2000  }
0x18b: {  	[sflag:s22] =	ssyncset.done $0x0  }
0x18c: {  	s25 =	simm.s32 $0x6C00;
	s26 =	simm.s32 $0x2500;
	[sflag:s22] =	ssyncadd.s32 $0xFFFFE000  }
0x18d: {  	[spmem:s3] =	stream.indirect.scatter.add.bf16 [tilespmem:s25], [sflag:$0xD], $0x40, s26, s7, $0xb8;
	[tilespmem:$0x14F00] =	vst v63  }
0x18e: {  	_ =	swait.ge [sflag:s16], $0x2000  }
0x18f: {  	[sflag:s16] =	ssyncset.done $0x0  }
0x190: {  	[sflag:s16] =	ssyncadd.s32 $0xFFFFE000  }
0x191: {  	[spmem:s4] =	stream.indirect.scatter.add.f32 [tilespmem:s17], [sflag:$0xD], $0x1, s26, s7, $0xb8;
	[tilespmem:$0x14F00] =	vst v63  }
0x192: {  	_ =	swait.ge [sflag:s16], $0x80  }
0x193: {  	[sflag:s16] =	ssyncset.done $0x0  }
0x194: {  	s28 =	simm.s32 $0xB;
	[sflag:s16] =	ssyncadd.s32 $0xFFFFFF80  }
0x195: {  	_ =	swait.ge [sflag:s28], $0x80  }
0x196: {  	[sflag:s28] =	ssyncset.done $0x0  }
0x197: {  	[sflag:s28] =	ssyncadd.s32 $0xFFFFFF80  }
0x198: {  	[tilespmem:s25], [sflag:$0x3] =	stream.indirect.gather [hbm4b:s1+s7], $0x40, s12, s7, $0xb8;
	[tilespmem:$0x14F00] =	vst v63  }
0x199: {  	_ =	swait.ge [sflag:s10], $0x2000  }
0x19a: {  	[sflag:s10] =	ssyncset.done $0x0  }
0x19b: {  	s11 =	simm.s32 $0x8C00;
	s30 =	simm.s32 $0x2580;
	[sflag:s10] =	ssyncadd.s32 $0xFFFFE000  }
0x19c: {  	[spmem:s3] =	stream.indirect.scatter.add.bf16 [tilespmem:s11], [sflag:$0xD], $0x40, s30, s7, $0xb8;
	[tilespmem:$0x14F00] =	vst v63  }
0x19d: {  	_ =	swait.ge [sflag:s16], $0x2000  }
0x19e: {  	[sflag:s16] =	ssyncset.done $0x0  }
0x19f: {  	[sflag:s16] =	ssyncadd.s32 $0xFFFFE000  }
0x1a0: {  	[spmem:s4] =	stream.indirect.scatter.add.f32 [tilespmem:s17], [sflag:$0xD], $0x1, s30, s7, $0xb8;
	[tilespmem:$0x14F00] =	vst v63  }
0x1a1: {  	_ =	swait.ge [sflag:s16], $0x80  }
0x1a2: {  	[sflag:s16] =	ssyncset.done $0x0  }
0x1a3: {  	s12 =	simm.s32 $0xC;
	[sflag:s16] =	ssyncadd.s32 $0xFFFFFF80  }
0x1a4: {  	_ =	swait.ge [sflag:s12], $0x80  }
0x1a5: {  	[sflag:s12] =	ssyncset.done $0x0  }
0x1a6: {  	[sflag:s12] =	ssyncadd.s32 $0xFFFFFF80  }
0x1a7: {  	[tilespmem:s11], [sflag:$0x4] =	stream.indirect.gather [hbm4b:s1+s7], $0x40, s2, s7, $0xb8;
	[tilespmem:$0x14F00] =	vst v63  }
0x1a8: {  	_ =	swait.ge [sflag:s18], $0x2000  }
0x1a9: {  	[sflag:s18] =	ssyncset.done $0x0  }
0x1aa: {  	s13 =	simm.s32 $0x2600;
	[sflag:s18] =	ssyncadd.s32 $0xFFFFE000  }
0x1ab: {  	[spmem:s3] =	stream.indirect.scatter.add.bf16 [tilespmem:s8], [sflag:$0xD], $0x40, s13, s7, $0xb8;
	[tilespmem:$0x14F00] =	vst v63  }
0x1ac: {  	_ =	swait.ge [sflag:s16], $0x2000  }
0x1ad: {  	[sflag:s16] =	ssyncset.done $0x0  }
0x1ae: {  	[sflag:s16] =	ssyncadd.s32 $0xFFFFE000  }
0x1af: {  	[spmem:s4] =	stream.indirect.scatter.add.f32 [tilespmem:s17], [sflag:$0xD], $0x1, s13, s7, $0xb8;
	[tilespmem:$0x14F00] =	vst v63  }
0x1b0: {  	_ =	swait.ge [sflag:s16], $0x80  }
0x1b1: {  	[sflag:s16] =	ssyncset.done $0x0  }
0x1b2: {  	[sflag:s16] =	ssyncadd.s32 $0xFFFFFF80  }
0x1b3: {  	_ =	swait.ge [sflag:s20], $0x2000  }
0x1b4: {  	[sflag:s20] =	ssyncset.done $0x0  }
0x1b5: {  	s14 =	simm.s32 $0x2680;
	[sflag:s20] =	ssyncadd.s32 $0xFFFFE000  }
0x1b6: {  	[spmem:s3] =	stream.indirect.scatter.add.bf16 [tilespmem:s21], [sflag:$0xD], $0x40, s14, s7, $0xb8;
	[tilespmem:$0x14F00] =	vst v63  }
0x1b7: {  	_ =	swait.ge [sflag:s16], $0x2000  }
0x1b8: {  	[sflag:s16] =	ssyncset.done $0x0  }
0x1b9: {  	[sflag:s16] =	ssyncadd.s32 $0xFFFFE000  }
0x1ba: {  	[spmem:s4] =	stream.indirect.scatter.add.f32 [tilespmem:s17], [sflag:$0xD], $0x1, s14, s7, $0xb8;
	[tilespmem:$0x14F00] =	vst v63  }
0x1bb: {  	_ =	swait.ge [sflag:s16], $0x80  }
0x1bc: {  	[sflag:s16] =	ssyncset.done $0x0  }
0x1bd: {  	[sflag:s16] =	ssyncadd.s32 $0xFFFFFF80  }
0x1be: {  	_ =	swait.ge [sflag:s22], $0x2000  }
0x1bf: {  	[sflag:s22] =	ssyncset.done $0x0  }
0x1c0: {  	s15 =	simm.s32 $0x2700;
	[sflag:s22] =	ssyncadd.s32 $0xFFFFE000  }
0x1c1: {  	[spmem:s3] =	stream.indirect.scatter.add.bf16 [tilespmem:s25], [sflag:$0xD], $0x40, s15, s7, $0xb8;
	[tilespmem:$0x14F00] =	vst v63  }
0x1c2: {  	_ =	swait.ge [sflag:s16], $0x2000  }
0x1c3: {  	[sflag:s16] =	ssyncset.done $0x0  }
0x1c4: {  	[sflag:s16] =	ssyncadd.s32 $0xFFFFE000  }
0x1c5: {  	[spmem:s4] =	stream.indirect.scatter.add.f32 [tilespmem:s17], [sflag:$0xD], $0x1, s15, s7, $0xb8;
	[tilespmem:$0x14F00] =	vst v63  }
0x1c6: {  	_ =	swait.ge [sflag:s16], $0x80  }
0x1c7: {  	[sflag:s16] =	ssyncset.done $0x0  }
0x1c8: {  	[sflag:s16] =	ssyncadd.s32 $0xFFFFFF80  }
0x1c9: {  	_ =	swait.ge [sflag:s10], $0x2000  }
0x1ca: {  	[sflag:s10] =	ssyncset.done $0x0  }
0x1cb: {  	s19 =	simm.s32 $0x2780;
	[sflag:s10] =	ssyncadd.s32 $0xFFFFE000  }
0x1cc: {  	[spmem:s3] =	stream.indirect.scatter.add.bf16 [tilespmem:s11], [sflag:$0xD], $0x40, s19, s7, $0xb8;
	[tilespmem:$0x14F00] =	vst v63  }
0x1cd: {  	_ =	swait.ge [sflag:s16], $0x2000  }
0x1ce: {  	[sflag:s16] =	ssyncset.done $0x0  }
0x1cf: {  	[sflag:s16] =	ssyncadd.s32 $0xFFFFE000  }
0x1d0: {  	[spmem:s4] =	stream.indirect.scatter.add.f32 [tilespmem:s17], [sflag:$0xD], $0x1, s19, s7, $0xb8;
	[tilespmem:$0x14F00] =	vst v63  }
0x1d1: {  	_ =	swait.ge [sflag:s16], $0x80  }
0x1d2: {  	[sflag:s16] =	ssyncset.done $0x0  }
0x1d3: {  	[sflag:s16] =	ssyncadd.s32 $0xFFFFFF80  }
0x1d4: {  	[bflag:$0x0] =	sbarrier.arrive $0xFFFF  }
0x1d5: {  	s21 =	sld [smem:$0x7FC]  }
0x1d6: {  	s23 =	sld [smem:$0x7FB];
	_ =	sdelay $0x1  }
0x1d7: {  	s24 =	rddreg [dreg:$0x1c]  }
0x1d8: {  	[hbm:s24], [sflag:s21] =	dma.local [spmem:s23], $0x1400  }
0x1d9: {  	_ =	swait.ge [sflag:s16], $0x1400  }
0x1da: {  	s26 =	sld [smem:$0x7FD]  }
0x1db: {  	[sflag:s16] =	ssyncset.done $0x0  }
0x1dc: {  	s25 =	rddreg [dreg:$0x1d];
	[sflag:s16] =	ssyncadd.s32 $0xFFFFEC00  }
0x1dd: {  	[hbm:s25], [sflag:s21] =	dma.local [spmem:s26], $0x50  }
0x1de: {  	_ =	swait.ge [sflag:s16], $0x50  }
0x1df: {  	s28 =	rddreg [dreg:$0x1f]  }
0x1e0: {  	s30 =	rddreg [dreg:$0x1e];
	s0 =	sadd.s32 $0x1, s28  }
0x1e1: {  	p0 =	sne.s32 s0, s30  }
.Ltmp1:
0x1e2: {  	_ = 	snop;
	(pc) =	sbr.rel @p0 .LBB2_1-.Ltmp1, $4  }
0x1e3: {  	s29 =	simm.s32 $0x2900  }
0x1e4: {  	s6 =	simm.s32 $0x8;
	s2 =	simm.s32 $0x2980;
	s19 =	simm.s32 $0x5  }
0x1e5: {  	s23 =	simm.s32 $0x7;
	s25 =	simm.s32 $0x2800;
	[sflag:s16] =	ssyncset.done $0x0  }
0x1e6: {  	s26 =	simm.s32 $0x2880;
	s21 =	simm.s32 $0x6;
	[sflag:s16] =	ssyncadd.s32 $0xFFFFFFB0  }
0x1e7: {  	_ =	sfence.sel $0x180000  }
0x1e8: {  	[bflag:$0x0] =	sbarrier.arrive $0xFFFF  }
0x1e9: {  	_ =	strace $0x90000047  }
0x1ea: {  	s0 =	stileid.u32;
	[bflag:$0x2] =	sbarrier.arrive $0xFFFF  }
0x1eb: {  	p0 =	sne.s32 s0, $0x0;
	s0 =	rddreg [dreg:$0x4]  }
0x1ec: {  	s0 =	sadd.s32 @!p0 $0x100000, s0  }
0x1ed: {  	[sflag:s0] =	ssyncadd.tile.s32 @!p0 $0x1;
	_ =	shalt  }
.Lfunc_end2:
_tile_overlayer_lowered:
.L_overlay_start_2:
0x1ee: {  	(tag) =	ssettag $0x2  }
0x1ef: {  	s0 =	rddreg [dreg:$0x0];
	s2 =	stileid.u32  }
0x1f0: {  	s1 =	rddreg [dreg:$0x1];
	p0 =	sne.s32 s2, $0x0  }
0x1f1: {  	s3 =	rddreg [dreg:$0x2];
	[bflag:$0x3] =	sbarrier.arrive $0xFFFF;
	s2 =	simm.s32 @!p0 $0x1C0D  }
0x1f2: {  	[timem:s3], [sflag:s2] =	dma.local @!p0 [hbm:s0], s1  }
0x1f3: {  	s0 =	simm.s32 @!p0 $0xD  }
0x1f4: {  	_ =	swait.ge @!p0 [sflag:s0], s1  }
0x1f5: {  	s1 =	ssub.s32 @!p0 $0x0, s1;
	[sflag:s0] =	ssyncset.done @!p0 $0x0  }
0x1f6: {  	[sflag:s0] =	ssyncadd.s32 @!p0 s1  }
0x1f7: {  	[bflag:$0x3] =	sbarrier.arrive $0xFFFF  }
0x1f8: {  	_ =	shalt  }

</sc_bundles>
